<compile_context>
chip_gen: v7x
topology: tpu7x:2x2x1
jax: 0.10.2.dev20260603
libtpu: 0.0.44.dev20260713+nightly
codegen_flags: <defaults>
</compile_context>

<pallas_src>
import jax
import jax.numpy as jnp
from jax import lax
from jax.experimental import pallas as pl
from jax.experimental.pallas import tpu as pltpu
from jax.experimental.pallas import tpu_sc as plsc

N = 10000
H = 128
E = 320000
DE = 4
B = 64
NBLK = E // B
NW = 32
ITERS_MAX = -(-NBLK // NW)
LOOP4 = -(-(ITERS_MAX + 1) // 4)
NPAD = 10240
ROWS_PER_TILE = NPAD // 16
DROWS = 80
EPW = E // NW

NROW_BLK = 2000
NGRID = N // NROW_BLK
EROW_BLK = 8000
EGRID = E // EROW_BLK

_PREC = None


def _pq_body(x_ref, w_ref, p_ref, q_ref):
    xw = jnp.dot(x_ref[...], w_ref[...], precision=_PREC,
                 preferred_element_type=jnp.float32)
    p_ref[...] = xw[:, :H]
    q_ref[...] = xw[:, H:]


def _eproj_body(ef_ref, w_ref, b_ref, out_ref):
    out_ref[...] = (
        jnp.dot(ef_ref[...], w_ref[...], precision=_PREC,
                preferred_element_type=jnp.float32)
        + b_ref[...]
    )


def _sc_body(p_hbm, q_hbm, ep_hbm, src_hbm, dst_hbm, out_hbm,
             s0_v, d0_v, s1_v, d1_v, s2_v, d2_v, s3_v, d3_v,
             p0_v, q0_v, p1_v, q1_v, m0_v, m1_v, s_sh,
             sem_i0, sem_i1, sem_i2, sem_i3, sem_g0, sem_g1,
             sem_e0, sem_e1, sem_s0, sem_s1):
    cid = lax.axis_index("c")
    sid = lax.axis_index("s")
    wid = sid * 2 + cid
    zero16 = jnp.zeros((16,), jnp.float32)

    idx_sets = ((s0_v, d0_v, sem_i0), (s1_v, d1_v, sem_i1),
                (s2_v, d2_v, sem_i2), (s3_v, d3_v, sem_i3))
    gat_sets = ((p0_v, q0_v, sem_g0), (p1_v, q1_v, sem_g1))
    m_sets = ((m0_v, sem_e0, sem_s0), (m1_v, sem_e1, sem_s1))

    def m_zero(i, c):
        for j in range(H // 16):
            m0_v[i, pl.ds(j * 16, 16)] = zero16
        return c
    lax.fori_loop(0, B, m_zero, 0)

    row0 = sid * ROWS_PER_TILE
    for c in range(ROWS_PER_TILE // B):
        @pl.when(row0 + c * B + B <= N)
        def _():
            pltpu.sync_copy(m0_v, s_sh.at[pl.ds(row0 + c * B, B)])

    @pl.when(sid == 15)
    def _():
        pltpu.sync_copy(m0_v.at[pl.ds(0, 16)], s_sh.at[pl.ds(N - 16, 16)])
    plsc.subcore_barrier()

    def issue_idx(bi, se):
        sv, dv, sem = se

        @pl.when(bi < NBLK)
        def _():
            base = bi * B
            pltpu.async_copy(src_hbm.at[pl.ds(base, B)], sv, sem)
            pltpu.async_copy(dst_hbm.at[pl.ds(base, B)], dv, sem)

    def wait_idx(bi, se):
        sv, dv, sem = se

        @pl.when(bi < NBLK)
        def _():
            pltpu.make_async_copy(src_hbm.at[pl.ds(0, B)], sv, sem).wait()
            pltpu.make_async_copy(dst_hbm.at[pl.ds(0, B)], dv, sem).wait()

    def issue_gather(bi, se, ge):
        sv, dv, _ = se
        pv, qv, gsem = ge

        @pl.when(bi < NBLK)
        def _():
            pltpu.async_copy(p_hbm.at[sv], pv, gsem)
            pltpu.async_copy(q_hbm.at[dv], qv, gsem)

    def wait_gather(bi, se, ge):
        sv, dv, _ = se
        pv, qv, gsem = ge

        @pl.when(bi < NBLK)
        def _():
            pltpu.make_async_copy(p_hbm.at[sv], pv, gsem).wait()
            pltpu.make_async_copy(q_hbm.at[dv], qv, gsem).wait()

    def halfstep(bi, ph):
        se_cur = idx_sets[ph % 4]
        ge_cur = gat_sets[ph % 2]
        mv, me, ms = m_sets[ph % 2]
        mv_n, me_n, ms_n = m_sets[(ph + 1) % 2]
        wait_idx(bi + NW, idx_sets[(ph + 1) % 4])
        issue_gather(bi + NW, idx_sets[(ph + 1) % 4], gat_sets[(ph + 1) % 2])
        wait_gather(bi, se_cur, ge_cur)
        pv, qv, _ = ge_cur
        _, dv, _ = se_cur

        @pl.when(bi < NBLK)
        def _():
            pltpu.make_async_copy(ep_hbm.at[pl.ds(0, B)], mv, me).wait()

            def compute(r, c):
                for j in range(H // 16):
                    sl = pl.ds(j * 16, 16)
                    mv[r, sl] = jnp.maximum(
                        pv[r, sl] + qv[r, sl] + mv[r, sl], 0.0)
                return c
            lax.fori_loop(0, B, compute, 0)
            pltpu.async_copy(mv, s_sh.at[dv], ms, add=True)

        @pl.when(bi + NW < NBLK)
        def _():
            @pl.when(bi >= NW)
            def _():
                pltpu.make_async_copy(
                    mv_n, s_sh.at[dv], ms_n).wait()
            pltpu.async_copy(ep_hbm.at[pl.ds((bi + NW) * B, B)], mv_n, me_n)
        issue_idx(bi + 2 * NW, idx_sets[(ph + 2) % 4])

    issue_idx(wid, idx_sets[0])
    issue_idx(wid + NW, idx_sets[1])
    wait_idx(wid, idx_sets[0])
    issue_gather(wid, idx_sets[0], gat_sets[0])
    pltpu.async_copy(ep_hbm.at[pl.ds(wid * B, B)], m0_v, sem_e0)

    def quad(i4, c):
        b0 = (4 * i4) * NW + wid
        for ph in range(4):
            halfstep(b0 + ph * NW, ph)
        return c
    lax.fori_loop(0, LOOP4, quad, 0)

    for ii in (ITERS_MAX - 3, ITERS_MAX - 2, ITERS_MAX - 1):
        bi = ii * NW + wid
        mv, _, ms = m_sets[ii % 2]

        @pl.when(jnp.logical_and(bi < NBLK, bi + 2 * NW >= NBLK))
        def _():
            pltpu.make_async_copy(mv, s_sh.at[d0_v], ms).wait()
    plsc.subcore_barrier()

    for c in range(ROWS_PER_TILE // B):
        @pl.when(row0 + c * B + B <= N)
        def _():
            pltpu.sync_copy(s_sh.at[pl.ds(row0 + c * B, B)], m0_v)
            pltpu.sync_copy(m0_v, out_hbm.at[cid, pl.ds(row0 + c * B, B)])

    @pl.when(sid == 15)
    def _():
        pltpu.sync_copy(s_sh.at[pl.ds(N - 16, 16)], m0_v.at[pl.ds(0, 16)])
        pltpu.sync_copy(m0_v.at[pl.ds(0, 16)],
                        out_hbm.at[cid, pl.ds(N - 16, 16)])


_sc_edge = pl.kernel(
    _sc_body,
    out_type=jax.ShapeDtypeStruct((2, N, H), jnp.float32),
    mesh=plsc.VectorSubcoreMesh(core_axis_name="c", subcore_axis_name="s"),
    compiler_params=pltpu.CompilerParams(needs_layout_passes=False),
    scratch_types=(
        [pltpu.VMEM((B,), jnp.int32)] * 8
        + [pltpu.VMEM((B, H), jnp.float32)] * 6
        + [pltpu.VMEM_SHARED((N, H), jnp.float32)]
        + [pltpu.SemaphoreType.DMA] * 10
    ),
)


def _deg_body(dst_hbm, deg_hbm, dst_v, deg_v, rix_v, d_sh):
    cid = lax.axis_index("c")
    sid = lax.axis_index("s")
    wid = sid * 2 + cid
    zero16 = jnp.zeros((16,), jnp.float32)
    ones16 = jnp.ones((16,), jnp.float32)
    lane16 = lax.iota(jnp.int32, 16)

    def deg_zero(i, c):
        for j in range(H // 16):
            deg_v[i, pl.ds(j * 16, 16)] = zero16
        return c
    lax.fori_loop(0, DROWS, deg_zero, 0)

    for k in range(DROWS // 16):
        rix_v[pl.ds(k * 16, 16)] = lane16 + (k * 16)

    @pl.when(sid == 0)
    def _():
        pltpu.sync_copy(deg_v, d_sh)
    plsc.subcore_barrier()

    pltpu.sync_copy(dst_hbm.at[pl.ds(wid * EPW, EPW)], dst_v)

    def count(k, c):
        dvec = dst_v[pl.ds(k * 16, 16)]
        plsc.addupdate_scatter(
            deg_v, [lax.shift_right_logical(dvec, 7),
                    lax.bitwise_and(dvec, 127)], ones16)
        return c
    lax.fori_loop(0, EPW // 16, count, 0)

    pltpu.sync_copy(deg_v, d_sh.at[rix_v], add=True)
    plsc.subcore_barrier()

    @pl.when(sid == 0)
    def _():
        pltpu.sync_copy(d_sh, deg_v)
        pltpu.sync_copy(deg_v, deg_hbm.at[cid])


_sc_deg = pl.kernel(
    _deg_body,
    out_type=jax.ShapeDtypeStruct((2, DROWS, H), jnp.float32),
    mesh=plsc.VectorSubcoreMesh(core_axis_name="c", subcore_axis_name="s"),
    compiler_params=pltpu.CompilerParams(needs_layout_passes=False),
    scratch_types=[
        pltpu.VMEM((EPW,), jnp.int32),
        pltpu.VMEM((DROWS, H), jnp.float32),
        pltpu.VMEM((DROWS,), jnp.int32),
        pltpu.VMEM_SHARED((DROWS, H), jnp.float32),
    ],
)


def _update_body(x_ref, sp_ref, dp_ref, w2_ref, b2_ref, wz1_ref, wz2_ref,
                 bz_ref, wr1_ref, wr2_ref, br_ref, wh1_ref, wh2_ref, bh_ref,
                 out_ref):
    x = x_ref[...]
    srelu = sp_ref[0] + sp_ref[1]
    deg = dp_ref[0] + dp_ref[1]

    def dot(a, b):
        return jnp.dot(a, b, precision=_PREC,
                       preferred_element_type=jnp.float32)

    agg = dot(srelu, w2_ref[...]) + deg * b2_ref[...]
    z = jax.nn.sigmoid(dot(x, wz1_ref[...]) + dot(agg, wz2_ref[...])
                       + bz_ref[...])
    r = jax.nn.sigmoid(dot(x, wr1_ref[...]) + dot(agg, wr2_ref[...])
                       + br_ref[...])
    ht = jnp.tanh(dot(r * x, wh1_ref[...]) + dot(agg, wh2_ref[...])
                  + bh_ref[...])
    out_ref[...] = x + z * (ht - x)


def kernel(node_feats, edge_index, edge_feats, W_msg1, b_msg1, W_msg2, b_msg2,
           W_z, b_z, W_r, b_r, W_h, b_h):
    x = node_feats
    src = edge_index[0].astype(jnp.int32)
    dst = edge_index[1].astype(jnp.int32)
    w_pq = jnp.concatenate([W_msg1[:H], W_msg1[H:2 * H]], axis=1)

    p, q = pl.pallas_call(
        _pq_body,
        grid=(NGRID,),
        in_specs=[
            pl.BlockSpec((NROW_BLK, H), lambda g: (g, 0)),
            pl.BlockSpec((H, 2 * H), lambda g: (0, 0)),
        ],
        out_specs=[pl.BlockSpec((NROW_BLK, H), lambda g: (g, 0))] * 2,
        out_shape=[jax.ShapeDtypeStruct((N, H), jnp.float32)] * 2,
    )(x, w_pq)

    ep = pl.pallas_call(
        _eproj_body,
        grid=(EGRID,),
        in_specs=[
            pl.BlockSpec((EROW_BLK, DE), lambda g: (g, 0)),
            pl.BlockSpec((DE, H), lambda g: (0, 0)),
            pl.BlockSpec((1, H), lambda g: (0, 0)),
        ],
        out_specs=pl.BlockSpec((EROW_BLK, H), lambda g: (g, 0)),
        out_shape=jax.ShapeDtypeStruct((E, H), jnp.float32),
    )(edge_feats, W_msg1[2 * H:], b_msg1.reshape(1, H))

    deg_part = _sc_deg(dst)
    deg_part = deg_part.reshape(2, NPAD, 1)
    s_part = _sc_edge(p, q, ep, src, dst)

    wfull = pl.BlockSpec((H, H), lambda g: (0, 0))
    bfull = pl.BlockSpec((1, H), lambda g: (0, 0))
    out = pl.pallas_call(
        _update_body,
        grid=(NGRID,),
        in_specs=[
            pl.BlockSpec((NROW_BLK, H), lambda g: (g, 0)),
            pl.BlockSpec((2, NROW_BLK, H), lambda g: (0, g, 0)),
            pl.BlockSpec((2, NROW_BLK, 1), lambda g: (0, g, 0)),
            wfull, bfull,
            wfull, wfull, bfull,
            wfull, wfull, bfull,
            wfull, wfull, bfull,
        ],
        out_specs=pl.BlockSpec((NROW_BLK, H), lambda g: (g, 0)),
        out_shape=jax.ShapeDtypeStruct((N, H), jnp.float32),
    )(x, s_part, deg_part, W_msg2, b_msg2.reshape(1, H),
      W_z[:H], W_z[H:], b_z.reshape(1, H),
      W_r[:H], W_r[H:], b_r.reshape(1, H),
      W_h[:H], W_h[H:], b_h.reshape(1, H))
    return out

# --- scband reference (transcript-rebuilt; emitter-appended) ---
"""Pipeline reference for scband-message-passing-layer-52192442581155 (READ-ONLY COPY).

The authoritative reference and input builder live on the scoring server;
editing this copy changes nothing except your own understanding.
"""

import jax, jax.numpy as jnp
import numpy as np

N = 10000
E = 320000
H = 128
DE = 4

def setup_inputs(seed: int = 0) -> dict:
    key = jax.random.key(seed)
    ks = jax.random.split(key, 16)
    node_feats = jax.random.normal(ks[0], (N, H), dtype=jnp.float32)
    edge_index = jax.random.randint(ks[1], (2, E), 0, N, dtype=jnp.int64)
    edge_feats = jax.random.normal(ks[2], (E, DE), dtype=jnp.float32)
    def dense_init(k, fan_in, fan_out):
        # flax default: lecun_normal kernel, zeros bias
        w = jax.random.normal(k, (fan_in, fan_out), dtype=jnp.float32) * (1.0 / np.sqrt(fan_in))
        b = jnp.zeros((fan_out,), dtype=jnp.float32)
        return w, b
    W_msg1, b_msg1 = dense_init(ks[3], 2 * H + DE, H)
    W_msg2, b_msg2 = dense_init(ks[4], H, H)
    W_z, b_z = dense_init(ks[5], 2 * H, H)
    W_r, b_r = dense_init(ks[6], 2 * H, H)
    W_h, b_h = dense_init(ks[7], 2 * H, H)
    return {"node_feats": node_feats, "edge_index": edge_index, "edge_feats": edge_feats,
            "W_msg1": W_msg1, "b_msg1": b_msg1, "W_msg2": W_msg2, "b_msg2": b_msg2,
            "W_z": W_z, "b_z": b_z, "W_r": W_r, "b_r": b_r, "W_h": W_h, "b_h": b_h}

def reference(node_feats, edge_index, edge_feats, W_msg1, b_msg1, W_msg2, b_msg2, W_z, b_z, W_r, b_r, W_h, b_h):
    n, h = node_feats.shape
    src_idx = edge_index[0]
    dst_idx = edge_index[1]
    h_src = node_feats[src_idx]
    h_dst = node_feats[dst_idx]
    msg_input = jnp.concatenate([h_src, h_dst, edge_feats], axis=-1)
    messages = jax.nn.relu(msg_input @ W_msg1 + b_msg1)
    messages = messages @ W_msg2 + b_msg2
    agg = jax.ops.segment_sum(messages, dst_idx, num_segments=n)
    cat = jnp.concatenate([node_feats, agg], axis=-1)
    z = jax.nn.sigmoid(cat @ W_z + b_z)
    r = jax.nn.sigmoid(cat @ W_r + b_r)
    h_tilde = jnp.tanh(jnp.concatenate([r * node_feats, agg], axis=-1) @ W_h + b_h)
    updated = (1 - z) * node_feats + z * h_tilde
    return updated

if __name__ == "__main__":
    import jax
    _d = setup_inputs()
    print(jax.jit(kernel)(*tuple(_d.values())))

</pallas_src>

<mosaic_0001>
#map = affine_map<(d0, d1) -> (0)>
#map1 = affine_map<(d0, d1) -> (0, 0, 0)>
module attributes {stable_mosaic.version = 14 : i64} {
  func.func @_deg_body(%arg0: i32, %arg1: i32, %arg2: memref<320000xi32, #tpu.memory_space<hbm>>, %arg3: memref<2x80x128xf32, #tpu.memory_space<hbm>>, %arg4: memref<10000xi32, #tpu.memory_space<vmem>>, %arg5: memref<80x128xf32, #tpu.memory_space<vmem>>, %arg6: memref<80xi32, #tpu.memory_space<vmem>>, %arg7: memref<80x128xf32, #tpu.memory_space<vmem_shared>>) attributes {dimension_semantics = [#tpu.dimension_semantics<core_parallel>, #tpu.dimension_semantics<subcore_parallel>], iteration_bounds = array<i64: 2, 16>, scalar_prefetch = 0 : i64, scratch_operands = 4 : i64, tpu.core_type = #tpu.core_type<sc_vector_subcore>, window_params = [{transform_indices = #map}, {transform_indices = #map1}]} {
    %mul3A = arith.constant 2 : i32
    %mul3A_0 = arith.muli %arg1, %mul3A : i32
    %add3A = arith.addi %mul3A_0, %arg0 : i32
    %broadcast_in_dim3A = arith.constant 0.000000e+00 : f32
    %broadcast_in_dim3A_1 = vector.broadcast %broadcast_in_dim3A : f32 to vector<16xf32>
    %broadcast_in_dim3A_2 = arith.constant 1.000000e+00 : f32
    %broadcast_in_dim3A_3 = vector.broadcast %broadcast_in_dim3A_2 : f32 to vector<16xf32>
    %iota3A = tpu.iota {dimensions = array<i32: 0>} : vector<16xi32>
    %scan3A = arith.constant 0 : i32
    %scan3A_4 = arith.constant 0 : i32
    %scan3A_5 = arith.constant 80 : i32
    %scan3A_6 = arith.addi %scan3A_4, %scan3A_5 : i32
    %scan3A_7 = arith.constant 1 : i32
    scf.for %scan3A_49 = %scan3A_4 to %scan3A_6 step %scan3A_7  : i32 {
      %swap3A_50 = arith.index_cast %scan3A_49 : i32 to index
      %swap3A_51 = arith.constant 0 : index
      %swap3A_52 = tpu.vector_load %arg5[%swap3A_50, %swap3A_51] {strides = array<i32>} : memref<80x128xf32, #tpu.memory_space<vmem>>, vector<16xf32>,
      tpu.vector_store %arg5[%swap3A_50, %swap3A_51], %broadcast_in_dim3A_1 {strides = array<i32>} : memref<80x128xf32, #tpu.memory_space<vmem>>, vector<16xf32>,
      %swap3A_53 = arith.index_cast %scan3A_49 : i32 to index
      %swap3A_54 = arith.constant 16 : index
      %swap3A_55 = tpu.vector_load %arg5[%swap3A_53, %swap3A_54] {strides = array<i32>} : memref<80x128xf32, #tpu.memory_space<vmem>>, vector<16xf32>,
      tpu.vector_store %arg5[%swap3A_53, %swap3A_54], %broadcast_in_dim3A_1 {strides = array<i32>} : memref<80x128xf32, #tpu.memory_space<vmem>>, vector<16xf32>,
      %swap3A_56 = arith.index_cast %scan3A_49 : i32 to index
      %swap3A_57 = arith.constant 32 : index
      %swap3A_58 = tpu.vector_load %arg5[%swap3A_56, %swap3A_57] {strides = array<i32>} : memref<80x128xf32, #tpu.memory_space<vmem>>, vector<16xf32>,
      tpu.vector_store %arg5[%swap3A_56, %swap3A_57], %broadcast_in_dim3A_1 {strides = array<i32>} : memref<80x128xf32, #tpu.memory_space<vmem>>, vector<16xf32>,
      %swap3A_59 = arith.index_cast %scan3A_49 : i32 to index
      %swap3A_60 = arith.constant 48 : index
      %swap3A_61 = tpu.vector_load %arg5[%swap3A_59, %swap3A_60] {strides = array<i32>} : memref<80x128xf32, #tpu.memory_space<vmem>>, vector<16xf32>,
      tpu.vector_store %arg5[%swap3A_59, %swap3A_60], %broadcast_in_dim3A_1 {strides = array<i32>} : memref<80x128xf32, #tpu.memory_space<vmem>>, vector<16xf32>,
      %swap3A_62 = arith.index_cast %scan3A_49 : i32 to index
      %swap3A_63 = arith.constant 64 : index
      %swap3A_64 = tpu.vector_load %arg5[%swap3A_62, %swap3A_63] {strides = array<i32>} : memref<80x128xf32, #tpu.memory_space<vmem>>, vector<16xf32>,
      tpu.vector_store %arg5[%swap3A_62, %swap3A_63], %broadcast_in_dim3A_1 {strides = array<i32>} : memref<80x128xf32, #tpu.memory_space<vmem>>, vector<16xf32>,
      %swap3A_65 = arith.index_cast %scan3A_49 : i32 to index
      %swap3A_66 = arith.constant 80 : index
      %swap3A_67 = tpu.vector_load %arg5[%swap3A_65, %swap3A_66] {strides = array<i32>} : memref<80x128xf32, #tpu.memory_space<vmem>>, vector<16xf32>,
      tpu.vector_store %arg5[%swap3A_65, %swap3A_66], %broadcast_in_dim3A_1 {strides = array<i32>} : memref<80x128xf32, #tpu.memory_space<vmem>>, vector<16xf32>,
      %swap3A_68 = arith.index_cast %scan3A_49 : i32 to index
      %swap3A_69 = arith.constant 96 : index
      %swap3A_70 = tpu.vector_load %arg5[%swap3A_68, %swap3A_69] {strides = array<i32>} : memref<80x128xf32, #tpu.memory_space<vmem>>, vector<16xf32>,
      tpu.vector_store %arg5[%swap3A_68, %swap3A_69], %broadcast_in_dim3A_1 {strides = array<i32>} : memref<80x128xf32, #tpu.memory_space<vmem>>, vector<16xf32>,
      %swap3A_71 = arith.index_cast %scan3A_49 : i32 to index
      %swap3A_72 = arith.constant 112 : index
      %swap3A_73 = tpu.vector_load %arg5[%swap3A_71, %swap3A_72] {strides = array<i32>} : memref<80x128xf32, #tpu.memory_space<vmem>>, vector<16xf32>,
      tpu.vector_store %arg5[%swap3A_71, %swap3A_72], %broadcast_in_dim3A_1 {strides = array<i32>} : memref<80x128xf32, #tpu.memory_space<vmem>>, vector<16xf32>,
    }
    %scan3A_8 = arith.constant 80 : i32
    %add3A_9 = arith.constant 0 : i32
    %add3A_10 = vector.broadcast %add3A_9 : i32 to vector<16xi32>
    %add3A_11 = arith.addi %iota3A, %add3A_10 : vector<16xi32>
    %swap3A = arith.constant 0 : index
    %swap3A_12 = tpu.vector_load %arg6[%swap3A] {strides = array<i32>} : memref<80xi32, #tpu.memory_space<vmem>>, vector<16xi32>,
    tpu.vector_store %arg6[%swap3A], %add3A_11 {strides = array<i32>} : memref<80xi32, #tpu.memory_space<vmem>>, vector<16xi32>,
    %add3A_13 = arith.constant 16 : i32
    %add3A_14 = vector.broadcast %add3A_13 : i32 to vector<16xi32>
    %add3A_15 = arith.addi %iota3A, %add3A_14 : vector<16xi32>
    %swap3A_16 = arith.constant 16 : index
    %swap3A_17 = tpu.vector_load %arg6[%swap3A_16] {strides = array<i32>} : memref<80xi32, #tpu.memory_space<vmem>>, vector<16xi32>,
    tpu.vector_store %arg6[%swap3A_16], %add3A_15 {strides = array<i32>} : memref<80xi32, #tpu.memory_space<vmem>>, vector<16xi32>,
    %add3A_18 = arith.constant 32 : i32
    %add3A_19 = vector.broadcast %add3A_18 : i32 to vector<16xi32>
    %add3A_20 = arith.addi %iota3A, %add3A_19 : vector<16xi32>
    %swap3A_21 = arith.constant 32 : index
    %swap3A_22 = tpu.vector_load %arg6[%swap3A_21] {strides = array<i32>} : memref<80xi32, #tpu.memory_space<vmem>>, vector<16xi32>,
    tpu.vector_store %arg6[%swap3A_21], %add3A_20 {strides = array<i32>} : memref<80xi32, #tpu.memory_space<vmem>>, vector<16xi32>,
    %add3A_23 = arith.constant 48 : i32
    %add3A_24 = vector.broadcast %add3A_23 : i32 to vector<16xi32>
    %add3A_25 = arith.addi %iota3A, %add3A_24 : vector<16xi32>
    %swap3A_26 = arith.constant 48 : index
    %swap3A_27 = tpu.vector_load %arg6[%swap3A_26] {strides = array<i32>} : memref<80xi32, #tpu.memory_space<vmem>>, vector<16xi32>,
    tpu.vector_store %arg6[%swap3A_26], %add3A_25 {strides = array<i32>} : memref<80xi32, #tpu.memory_space<vmem>>, vector<16xi32>,
    %add3A_28 = arith.constant 64 : i32
    %add3A_29 = vector.broadcast %add3A_28 : i32 to vector<16xi32>
    %add3A_30 = arith.addi %iota3A, %add3A_29 : vector<16xi32>
    %swap3A_31 = arith.constant 64 : index
    %swap3A_32 = tpu.vector_load %arg6[%swap3A_31] {strides = array<i32>} : memref<80xi32, #tpu.memory_space<vmem>>, vector<16xi32>,
    tpu.vector_store %arg6[%swap3A_31], %add3A_30 {strides = array<i32>} : memref<80xi32, #tpu.memory_space<vmem>>, vector<16xi32>,
    %eq3A = arith.constant 0 : i32
    %eq3A_33 = arith.cmpi eq, %arg1, %eq3A : i32
    %convert_element_type3A = arith.extui %eq3A_33 : i1 to i32
    %cond3A = arith.constant 0 : i32
    %cond3A_34 = arith.cmpi ne, %convert_element_type3A, %cond3A : i32
    scf.if %cond3A_34 {
      "tpu.region"() ({
        %run_scoped3A = tpu.sem_alloc : memref<!tpu.dma_semaphore, #tpu.memory_space<semaphore_mem>>
        tpu.enqueue_dma source(%arg5 : memref<80x128xf32, #tpu.memory_space<vmem>>) target(%arg7 : memref<80x128xf32, #tpu.memory_space<vmem_shared>>) target_semaphore(%run_scoped3A : memref<!tpu.dma_semaphore, #tpu.memory_space<semaphore_mem>>)
        tpu.wait_dma2 semaphore(%run_scoped3A : memref<!tpu.dma_semaphore, #tpu.memory_space<semaphore_mem>>) src(%arg5 : memref<80x128xf32, #tpu.memory_space<vmem>>) dst(%arg7 : memref<80x128xf32, #tpu.memory_space<vmem_shared>>)
        tpu.yield
      }) : () -> ()
    } else {
    }
    %barrier3A = arith.constant 0 : index
    tpu.barrier barrier_id(%barrier3A)
    %mul3A_35 = arith.constant 10000 : i32
    %mul3A_36 = arith.muli %add3A, %mul3A_35 : i32
    "tpu.region"() ({
      %run_scoped3A = tpu.sem_alloc : memref<!tpu.dma_semaphore, #tpu.memory_space<semaphore_mem>>
      %dma_start3A = tpu.memref_slice %arg2[%mul3A_36] : memref<320000xi32, #tpu.memory_space<hbm>> -> memref<10000xi32, #tpu.memory_space<hbm>>
      %dma_start3A_49 = tpu.memref_slice %arg2[%mul3A_36] : memref<320000xi32, #tpu.memory_space<hbm>> -> memref<10000xi32, #tpu.memory_space<hbm>>
      tpu.enqueue_dma source(%dma_start3A_49 : memref<10000xi32, #tpu.memory_space<hbm>>) target(%arg4 : memref<10000xi32, #tpu.memory_space<vmem>>) target_semaphore(%run_scoped3A : memref<!tpu.dma_semaphore, #tpu.memory_space<semaphore_mem>>)
      %dma_wait3A = tpu.memref_slice %arg2[%mul3A_36] : memref<320000xi32, #tpu.memory_space<hbm>> -> memref<10000xi32, #tpu.memory_space<hbm>>
      %dma_wait3A_50 = tpu.memref_slice %arg2[%mul3A_36] : memref<320000xi32, #tpu.memory_space<hbm>> -> memref<10000xi32, #tpu.memory_space<hbm>>
      tpu.wait_dma2 semaphore(%run_scoped3A : memref<!tpu.dma_semaphore, #tpu.memory_space<semaphore_mem>>) src(%dma_wait3A_50 : memref<10000xi32, #tpu.memory_space<hbm>>) dst(%arg4 : memref<10000xi32, #tpu.memory_space<vmem>>)
      tpu.yield
    }) : () -> ()
    %scan3A_37 = arith.constant 0 : i32
    %scan3A_38 = arith.constant 0 : i32
    %scan3A_39 = arith.constant 625 : i32
    %scan3A_40 = arith.addi %scan3A_38, %scan3A_39 : i32
    %scan3A_41 = arith.constant 1 : i32
    scf.for %scan3A_49 = %scan3A_38 to %scan3A_40 step %scan3A_41  : i32 {
      %mul3A_50 = arith.constant 16 : i32
      %mul3A_51 = arith.muli %scan3A_49, %mul3A_50 : i32
      %get3A = arith.index_cast %mul3A_51 : i32 to index
      %get3A_52 = tpu.vector_load %arg4[%get3A] {strides = array<i32>} : memref<10000xi32, #tpu.memory_space<vmem>>, vector<16xi32>,
      %shift_right_logical3A = arith.constant 7 : i32
      %shift_right_logical3A_53 = vector.broadcast %shift_right_logical3A : i32 to vector<16xi32>
      %shift_right_logical3A_54 = arith.shrui %get3A_52, %shift_right_logical3A_53 : vector<16xi32>
      %and3A = arith.constant 127 : i32
      %and3A_55 = vector.broadcast %and3A : i32 to vector<16xi32>
      %and3A_56 = arith.andi %get3A_52, %and3A_55 : vector<16xi32>
      tpu.vector_store_idx %arg5[%shift_right_logical3A_54, %and3A_56], %broadcast_in_dim3A_3 {add = true} : memref<80x128xf32, #tpu.memory_space<vmem>>[vector<16xi32>, vector<16xi32>], vector<16xf32>,
    }
    %scan3A_42 = arith.constant 625 : i32
    "tpu.region"() ({
      %run_scoped3A = tpu.sem_alloc : memref<!tpu.dma_semaphore, #tpu.memory_space<semaphore_mem>>
      %dma_start3A = arith.constant 0 : i32
      %dma_start3A_49 = arith.constant 0 : i32
      %dma_start3A_50 = tpu.memref_slice %arg7[%dma_start3A, %dma_start3A_49] : memref<80x128xf32, #tpu.memory_space<vmem_shared>> -> memref<80x128xf32, #tpu.memory_space<vmem_shared>>
      tpu.enqueue_indirect_dma source(%arg5 : memref<80x128xf32, #tpu.memory_space<vmem>>) target(%dma_start3A_50 : memref<80x128xf32, #tpu.memory_space<vmem_shared>>) offsets(%arg6 : memref<80xi32, #tpu.memory_space<vmem>>) semaphore(%run_scoped3A : memref<!tpu.dma_semaphore, #tpu.memory_space<semaphore_mem>>) {add = true}
      %dma_wait3A = arith.constant 0 : i32
      %dma_wait3A_51 = arith.constant 0 : i32
      %dma_wait3A_52 = tpu.memref_slice %arg7[%dma_wait3A, %dma_wait3A_51] : memref<80x128xf32, #tpu.memory_space<vmem_shared>> -> memref<80x128xf32, #tpu.memory_space<vmem_shared>>
      tpu.wait_indirect_dma semaphore(%run_scoped3A : memref<!tpu.dma_semaphore, #tpu.memory_space<semaphore_mem>>) src(%arg5 : memref<80x128xf32, #tpu.memory_space<vmem>>) dst(%dma_wait3A_52 : memref<80x128xf32, #tpu.memory_space<vmem_shared>>)
      tpu.yield
    }) : () -> ()
    %barrier3A_43 = arith.constant 0 : index
    tpu.barrier barrier_id(%barrier3A_43)
    %eq3A_44 = arith.constant 0 : i32
    %eq3A_45 = arith.cmpi eq, %arg1, %eq3A_44 : i32
    %convert_element_type3A_46 = arith.extui %eq3A_45 : i1 to i32
    %cond3A_47 = arith.constant 0 : i32
    %cond3A_48 = arith.cmpi ne, %convert_element_type3A_46, %cond3A_47 : i32
    scf.if %cond3A_48 {
      "tpu.region"() ({
        %run_scoped3A = tpu.sem_alloc : memref<!tpu.dma_semaphore, #tpu.memory_space<semaphore_mem>>
        tpu.enqueue_dma source(%arg7 : memref<80x128xf32, #tpu.memory_space<vmem_shared>>) target(%arg5 : memref<80x128xf32, #tpu.memory_space<vmem>>) target_semaphore(%run_scoped3A : memref<!tpu.dma_semaphore, #tpu.memory_space<semaphore_mem>>)
        tpu.wait_dma2 semaphore(%run_scoped3A : memref<!tpu.dma_semaphore, #tpu.memory_space<semaphore_mem>>) src(%arg7 : memref<80x128xf32, #tpu.memory_space<vmem_shared>>) dst(%arg5 : memref<80x128xf32, #tpu.memory_space<vmem>>)
        tpu.yield
      }) : () -> ()
      "tpu.region"() ({
        %run_scoped3A = tpu.sem_alloc : memref<!tpu.dma_semaphore, #tpu.memory_space<semaphore_mem>>
        %dma_start3A = arith.constant 0 : i32
        %dma_start3A_49 = arith.constant 0 : i32
        %dma_start3A_50 = tpu.memref_slice %arg3[%arg0, %dma_start3A, %dma_start3A_49] : memref<2x80x128xf32, #tpu.memory_space<hbm>> -> memref<1x80x128xf32, #tpu.memory_space<hbm>>
        %dma_start3A_51 = tpu.memref_squeeze %dma_start3A_50 : memref<1x80x128xf32, #tpu.memory_space<hbm>> -> memref<80x128xf32, #tpu.memory_space<hbm>>
        %dma_start3A_52 = arith.constant 0 : i32
        %dma_start3A_53 = arith.constant 0 : i32
        %dma_start3A_54 = tpu.memref_slice %arg3[%arg0, %dma_start3A_52, %dma_start3A_53] : memref<2x80x128xf32, #tpu.memory_space<hbm>> -> memref<1x80x128xf32, #tpu.memory_space<hbm>>
        %dma_start3A_55 = tpu.memref_squeeze %dma_start3A_54 : memref<1x80x128xf32, #tpu.memory_space<hbm>> -> memref<80x128xf32, #tpu.memory_space<hbm>>
        tpu.enqueue_dma source(%arg5 : memref<80x128xf32, #tpu.memory_space<vmem>>) target(%dma_start3A_55 : memref<80x128xf32, #tpu.memory_space<hbm>>) target_semaphore(%run_scoped3A : memref<!tpu.dma_semaphore, #tpu.memory_space<semaphore_mem>>)
        %dma_wait3A = arith.constant 0 : i32
        %dma_wait3A_56 = arith.constant 0 : i32
        %dma_wait3A_57 = tpu.memref_slice %arg3[%arg0, %dma_wait3A, %dma_wait3A_56] : memref<2x80x128xf32, #tpu.memory_space<hbm>> -> memref<1x80x128xf32, #tpu.memory_space<hbm>>
        %dma_wait3A_58 = tpu.memref_squeeze %dma_wait3A_57 : memref<1x80x128xf32, #tpu.memory_space<hbm>> -> memref<80x128xf32, #tpu.memory_space<hbm>>
        %dma_wait3A_59 = arith.constant 0 : i32
        %dma_wait3A_60 = arith.constant 0 : i32
        %dma_wait3A_61 = tpu.memref_slice %arg3[%arg0, %dma_wait3A_59, %dma_wait3A_60] : memref<2x80x128xf32, #tpu.memory_space<hbm>> -> memref<1x80x128xf32, #tpu.memory_space<hbm>>
        %dma_wait3A_62 = tpu.memref_squeeze %dma_wait3A_61 : memref<1x80x128xf32, #tpu.memory_space<hbm>> -> memref<80x128xf32, #tpu.memory_space<hbm>>
        tpu.wait_dma2 semaphore(%run_scoped3A : memref<!tpu.dma_semaphore, #tpu.memory_space<semaphore_mem>>) src(%arg5 : memref<80x128xf32, #tpu.memory_space<vmem>>) dst(%dma_wait3A_62 : memref<80x128xf32, #tpu.memory_space<hbm>>)
        tpu.yield
      }) : () -> ()
    } else {
    }
    return
  }
}

#map = affine_map<(d0, d1) -> (0, 0)>
#map1 = affine_map<(d0, d1) -> (0)>
#map2 = affine_map<(d0, d1) -> (0, 0, 0)>
module attributes {stable_mosaic.version = 14 : i64} {
  func.func @_sc_body(%arg0: i32, %arg1: i32, %arg2: memref<10000x128xf32, #tpu.memory_space<hbm>>, %arg3: memref<10000x128xf32, #tpu.memory_space<hbm>>, %arg4: memref<320000x128xf32, #tpu.memory_space<hbm>>, %arg5: memref<320000xi32, #tpu.memory_space<hbm>>, %arg6: memref<320000xi32, #tpu.memory_space<hbm>>, %arg7: memref<2x10000x128xf32, #tpu.memory_space<hbm>>, %arg8: memref<64xi32, #tpu.memory_space<vmem>>, %arg9: memref<64xi32, #tpu.memory_space<vmem>>, %arg10: memref<64xi32, #tpu.memory_space<vmem>>, %arg11: memref<64xi32, #tpu.memory_space<vmem>>, %arg12: memref<64xi32, #tpu.memory_space<vmem>>, %arg13: memref<64xi32, #tpu.memory_space<vmem>>, %arg14: memref<64xi32, #tpu.memory_space<vmem>>, %arg15: memref<64xi32, #tpu.memory_space<vmem>>, %arg16: memref<64x128xf32, #tpu.memory_space<vmem>>, %arg17: memref<64x128xf32, #tpu.memory_space<vmem>>, %arg18: memref<64x128xf32, #tpu.memory_space<vmem>>, %arg19: memref<64x128xf32, #tpu.memory_space<vmem>>, %arg20: memref<64x128xf32, #tpu.memory_space<vmem>>, %arg21: memref<64x128xf32, #tpu.memory_space<vmem>>, %arg22: memref<10000x128xf32, #tpu.memory_space<vmem_shared>>, %arg23: memref<!tpu.dma_semaphore, #tpu.memory_space<semaphore_mem>>, %arg24: memref<!tpu.dma_semaphore, #tpu.memory_space<semaphore_mem>>, %arg25: memref<!tpu.dma_semaphore, #tpu.memory_space<semaphore_mem>>, %arg26: memref<!tpu.dma_semaphore, #tpu.memory_space<semaphore_mem>>, %arg27: memref<!tpu.dma_semaphore, #tpu.memory_space<semaphore_mem>>, %arg28: memref<!tpu.dma_semaphore, #tpu.memory_space<semaphore_mem>>, %arg29: memref<!tpu.dma_semaphore, #tpu.memory_space<semaphore_mem>>, %arg30: memref<!tpu.dma_semaphore, #tpu.memory_space<semaphore_mem>>, %arg31: memref<!tpu.dma_semaphore, #tpu.memory_space<semaphore_mem>>, %arg32: memref<!tpu.dma_semaphore, #tpu.memory_space<semaphore_mem>>) attributes {dimension_semantics = [#tpu.dimension_semantics<core_parallel>, #tpu.dimension_semantics<subcore_parallel>], iteration_bounds = array<i64: 2, 16>, scalar_prefetch = 0 : i64, scratch_operands = 25 : i64, tpu.core_type = #tpu.core_type<sc_vector_subcore>, window_params = [{transform_indices = #map}, {transform_indices = #map}, {transform_indices = #map}, {transform_indices = #map1}, {transform_indices = #map1}, {transform_indices = #map2}]} {
    %mul3A = arith.constant 2 : i32
    %mul3A_0 = arith.muli %arg1, %mul3A : i32
    %add3A = arith.addi %mul3A_0, %arg0 : i32
    %broadcast_in_dim3A = arith.constant 0.000000e+00 : f32
    %broadcast_in_dim3A_1 = vector.broadcast %broadcast_in_dim3A : f32 to vector<16xf32>
    %scan3A = arith.constant 0 : i32
    %scan3A_2 = arith.constant 0 : i32
    %scan3A_3 = arith.constant 64 : i32
    %scan3A_4 = arith.addi %scan3A_2, %scan3A_3 : i32
    %scan3A_5 = arith.constant 1 : i32
    scf.for %scan3A_262 = %scan3A_2 to %scan3A_4 step %scan3A_5  : i32 {
      %swap3A = arith.index_cast %scan3A_262 : i32 to index
      %swap3A_263 = arith.constant 0 : index
      %swap3A_264 = tpu.vector_load %arg20[%swap3A, %swap3A_263] {strides = array<i32>} : memref<64x128xf32, #tpu.memory_space<vmem>>, vector<16xf32>,
      tpu.vector_store %arg20[%swap3A, %swap3A_263], %broadcast_in_dim3A_1 {strides = array<i32>} : memref<64x128xf32, #tpu.memory_space<vmem>>, vector<16xf32>,
      %swap3A_265 = arith.index_cast %scan3A_262 : i32 to index
      %swap3A_266 = arith.constant 16 : index
      %swap3A_267 = tpu.vector_load %arg20[%swap3A_265, %swap3A_266] {strides = array<i32>} : memref<64x128xf32, #tpu.memory_space<vmem>>, vector<16xf32>,
      tpu.vector_store %arg20[%swap3A_265, %swap3A_266], %broadcast_in_dim3A_1 {strides = array<i32>} : memref<64x128xf32, #tpu.memory_space<vmem>>, vector<16xf32>,
      %swap3A_268 = arith.index_cast %scan3A_262 : i32 to index
      %swap3A_269 = arith.constant 32 : index
      %swap3A_270 = tpu.vector_load %arg20[%swap3A_268, %swap3A_269] {strides = array<i32>} : memref<64x128xf32, #tpu.memory_space<vmem>>, vector<16xf32>,
      tpu.vector_store %arg20[%swap3A_268, %swap3A_269], %broadcast_in_dim3A_1 {strides = array<i32>} : memref<64x128xf32, #tpu.memory_space<vmem>>, vector<16xf32>,
      %swap3A_271 = arith.index_cast %scan3A_262 : i32 to index
      %swap3A_272 = arith.constant 48 : index
      %swap3A_273 = tpu.vector_load %arg20[%swap3A_271, %swap3A_272] {strides = array<i32>} : memref<64x128xf32, #tpu.memory_space<vmem>>, vector<16xf32>,
      tpu.vector_store %arg20[%swap3A_271, %swap3A_272], %broadcast_in_dim3A_1 {strides = array<i32>} : memref<64x128xf32, #tpu.memory_space<vmem>>, vector<16xf32>,
      %swap3A_274 = arith.index_cast %scan3A_262 : i32 to index
      %swap3A_275 = arith.constant 64 : index
      %swap3A_276 = tpu.vector_load %arg20[%swap3A_274, %swap3A_275] {strides = array<i32>} : memref<64x128xf32, #tpu.memory_space<vmem>>, vector<16xf32>,
      tpu.vector_store %arg20[%swap3A_274, %swap3A_275], %broadcast_in_dim3A_1 {strides = array<i32>} : memref<64x128xf32, #tpu.memory_space<vmem>>, vector<16xf32>,
      %swap3A_277 = arith.index_cast %scan3A_262 : i32 to index
      %swap3A_278 = arith.constant 80 : index
      %swap3A_279 = tpu.vector_load %arg20[%swap3A_277, %swap3A_278] {strides = array<i32>} : memref<64x128xf32, #tpu.memory_space<vmem>>, vector<16xf32>,
      tpu.vector_store %arg20[%swap3A_277, %swap3A_278], %broadcast_in_dim3A_1 {strides = array<i32>} : memref<64x128xf32, #tpu.memory_space<vmem>>, vector<16xf32>,
      %swap3A_280 = arith.index_cast %scan3A_262 : i32 to index
      %swap3A_281 = arith.constant 96 : index
      %swap3A_282 = tpu.vector_load %arg20[%swap3A_280, %swap3A_281] {strides = array<i32>} : memref<64x128xf32, #tpu.memory_space<vmem>>, vector<16xf32>,
      tpu.vector_store %arg20[%swap3A_280, %swap3A_281], %broadcast_in_dim3A_1 {strides = array<i32>} : memref<64x128xf32, #tpu.memory_space<vmem>>, vector<16xf32>,
      %swap3A_283 = arith.index_cast %scan3A_262 : i32 to index
      %swap3A_284 = arith.constant 112 : index
      %swap3A_285 = tpu.vector_load %arg20[%swap3A_283, %swap3A_284] {strides = array<i32>} : memref<64x128xf32, #tpu.memory_space<vmem>>, vector<16xf32>,
      tpu.vector_store %arg20[%swap3A_283, %swap3A_284], %broadcast_in_dim3A_1 {strides = array<i32>} : memref<64x128xf32, #tpu.memory_space<vmem>>, vector<16xf32>,
    }
    %scan3A_6 = arith.constant 64 : i32
    %mul3A_7 = arith.constant 640 : i32
    %mul3A_8 = arith.muli %arg1, %mul3A_7 : i32
    %add3A_9 = arith.constant 0 : i32
    %add3A_10 = arith.addi %mul3A_8, %add3A_9 : i32
    %add3A_11 = arith.constant 64 : i32
    %add3A_12 = arith.addi %add3A_10, %add3A_11 : i32
    %le3A = arith.constant 10000 : i32
    %le3A_13 = arith.cmpi sle, %add3A_12, %le3A : i32
    %convert_element_type3A = arith.extui %le3A_13 : i1 to i32
    %cond3A = arith.constant 0 : i32
    %cond3A_14 = arith.cmpi ne, %convert_element_type3A, %cond3A : i32
    scf.if %cond3A_14 {
      %add3A_262 = arith.constant 0 : i32
      %add3A_263 = arith.addi %mul3A_8, %add3A_262 : i32
      "tpu.region"() ({
        %run_scoped3A = tpu.sem_alloc : memref<!tpu.dma_semaphore, #tpu.memory_space<semaphore_mem>>
        %dma_start3A_264 = arith.constant 0 : i32
        %dma_start3A_265 = tpu.memref_slice %arg22[%add3A_263, %dma_start3A_264] : memref<10000x128xf32, #tpu.memory_space<vmem_shared>> -> memref<64x128xf32, #tpu.memory_space<vmem_shared>>
        %dma_start3A_266 = arith.constant 0 : i32
        %dma_start3A_267 = tpu.memref_slice %arg22[%add3A_263, %dma_start3A_266] : memref<10000x128xf32, #tpu.memory_space<vmem_shared>> -> memref<64x128xf32, #tpu.memory_space<vmem_shared>>
        tpu.enqueue_dma source(%arg20 : memref<64x128xf32, #tpu.memory_space<vmem>>) target(%dma_start3A_267 : memref<64x128xf32, #tpu.memory_space<vmem_shared>>) target_semaphore(%run_scoped3A : memref<!tpu.dma_semaphore, #tpu.memory_space<semaphore_mem>>)
        %dma_wait3A = arith.constant 0 : i32
        %dma_wait3A_268 = tpu.memref_slice %arg22[%add3A_263, %dma_wait3A] : memref<10000x128xf32, #tpu.memory_space<vmem_shared>> -> memref<64x128xf32, #tpu.memory_space<vmem_shared>>
        %dma_wait3A_269 = arith.constant 0 : i32
        %dma_wait3A_270 = tpu.memref_slice %arg22[%add3A_263, %dma_wait3A_269] : memref<10000x128xf32, #tpu.memory_space<vmem_shared>> -> memref<64x128xf32, #tpu.memory_space<vmem_shared>>
        tpu.wait_dma2 semaphore(%run_scoped3A : memref<!tpu.dma_semaphore, #tpu.memory_space<semaphore_mem>>) src(%arg20 : memref<64x128xf32, #tpu.memory_space<vmem>>) dst(%dma_wait3A_270 : memref<64x128xf32, #tpu.memory_space<vmem_shared>>)
        tpu.yield
      }) : () -> ()
    } else {
    }
    %add3A_15 = arith.constant 64 : i32
    %add3A_16 = arith.addi %mul3A_8, %add3A_15 : i32
    %add3A_17 = arith.constant 64 : i32
    %add3A_18 = arith.addi %add3A_16, %add3A_17 : i32
    %le3A_19 = arith.constant 10000 : i32
    %le3A_20 = arith.cmpi sle, %add3A_18, %le3A_19 : i32
    %convert_element_type3A_21 = arith.extui %le3A_20 : i1 to i32
    %cond3A_22 = arith.constant 0 : i32
    %cond3A_23 = arith.cmpi ne, %convert_element_type3A_21, %cond3A_22 : i32
    scf.if %cond3A_23 {
      %add3A_262 = arith.constant 64 : i32
      %add3A_263 = arith.addi %mul3A_8, %add3A_262 : i32
      "tpu.region"() ({
        %run_scoped3A = tpu.sem_alloc : memref<!tpu.dma_semaphore, #tpu.memory_space<semaphore_mem>>
        %dma_start3A_264 = arith.constant 0 : i32
        %dma_start3A_265 = tpu.memref_slice %arg22[%add3A_263, %dma_start3A_264] : memref<10000x128xf32, #tpu.memory_space<vmem_shared>> -> memref<64x128xf32, #tpu.memory_space<vmem_shared>>
        %dma_start3A_266 = arith.constant 0 : i32
        %dma_start3A_267 = tpu.memref_slice %arg22[%add3A_263, %dma_start3A_266] : memref<10000x128xf32, #tpu.memory_space<vmem_shared>> -> memref<64x128xf32, #tpu.memory_space<vmem_shared>>
        tpu.enqueue_dma source(%arg20 : memref<64x128xf32, #tpu.memory_space<vmem>>) target(%dma_start3A_267 : memref<64x128xf32, #tpu.memory_space<vmem_shared>>) target_semaphore(%run_scoped3A : memref<!tpu.dma_semaphore, #tpu.memory_space<semaphore_mem>>)
        %dma_wait3A = arith.constant 0 : i32
        %dma_wait3A_268 = tpu.memref_slice %arg22[%add3A_263, %dma_wait3A] : memref<10000x128xf32, #tpu.memory_space<vmem_shared>> -> memref<64x128xf32, #tpu.memory_space<vmem_shared>>
        %dma_wait3A_269 = arith.constant 0 : i32
        %dma_wait3A_270 = tpu.memref_slice %arg22[%add3A_263, %dma_wait3A_269] : memref<10000x128xf32, #tpu.memory_space<vmem_shared>> -> memref<64x128xf32, #tpu.memory_space<vmem_shared>>
        tpu.wait_dma2 semaphore(%run_scoped3A : memref<!tpu.dma_semaphore, #tpu.memory_space<semaphore_mem>>) src(%arg20 : memref<64x128xf32, #tpu.memory_space<vmem>>) dst(%dma_wait3A_270 : memref<64x128xf32, #tpu.memory_space<vmem_shared>>)
        tpu.yield
      }) : () -> ()
    } else {
    }
    %add3A_24 = arith.constant 128 : i32
    %add3A_25 = arith.addi %mul3A_8, %add3A_24 : i32
    %add3A_26 = arith.constant 64 : i32
    %add3A_27 = arith.addi %add3A_25, %add3A_26 : i32
    %le3A_28 = arith.constant 10000 : i32
    %le3A_29 = arith.cmpi sle, %add3A_27, %le3A_28 : i32
    %convert_element_type3A_30 = arith.extui %le3A_29 : i1 to i32
    %cond3A_31 = arith.constant 0 : i32
    %cond3A_32 = arith.cmpi ne, %convert_element_type3A_30, %cond3A_31 : i32
    scf.if %cond3A_32 {
      %add3A_262 = arith.constant 128 : i32
      %add3A_263 = arith.addi %mul3A_8, %add3A_262 : i32
      "tpu.region"() ({
        %run_scoped3A = tpu.sem_alloc : memref<!tpu.dma_semaphore, #tpu.memory_space<semaphore_mem>>
        %dma_start3A_264 = arith.constant 0 : i32
        %dma_start3A_265 = tpu.memref_slice %arg22[%add3A_263, %dma_start3A_264] : memref<10000x128xf32, #tpu.memory_space<vmem_shared>> -> memref<64x128xf32, #tpu.memory_space<vmem_shared>>
        %dma_start3A_266 = arith.constant 0 : i32
        %dma_start3A_267 = tpu.memref_slice %arg22[%add3A_263, %dma_start3A_266] : memref<10000x128xf32, #tpu.memory_space<vmem_shared>> -> memref<64x128xf32, #tpu.memory_space<vmem_shared>>
        tpu.enqueue_dma source(%arg20 : memref<64x128xf32, #tpu.memory_space<vmem>>) target(%dma_start3A_267 : memref<64x128xf32, #tpu.memory_space<vmem_shared>>) target_semaphore(%run_scoped3A : memref<!tpu.dma_semaphore, #tpu.memory_space<semaphore_mem>>)
        %dma_wait3A = arith.constant 0 : i32
        %dma_wait3A_268 = tpu.memref_slice %arg22[%add3A_263, %dma_wait3A] : memref<10000x128xf32, #tpu.memory_space<vmem_shared>> -> memref<64x128xf32, #tpu.memory_space<vmem_shared>>
        %dma_wait3A_269 = arith.constant 0 : i32
        %dma_wait3A_270 = tpu.memref_slice %arg22[%add3A_263, %dma_wait3A_269] : memref<10000x128xf32, #tpu.memory_space<vmem_shared>> -> memref<64x128xf32, #tpu.memory_space<vmem_shared>>
        tpu.wait_dma2 semaphore(%run_scoped3A : memref<!tpu.dma_semaphore, #tpu.memory_space<semaphore_mem>>) src(%arg20 : memref<64x128xf32, #tpu.memory_space<vmem>>) dst(%dma_wait3A_270 : memref<64x128xf32, #tpu.memory_space<vmem_shared>>)
        tpu.yield
      }) : () -> ()
    } else {
    }
    %add3A_33 = arith.constant 192 : i32
    %add3A_34 = arith.addi %mul3A_8, %add3A_33 : i32
    %add3A_35 = arith.constant 64 : i32
    %add3A_36 = arith.addi %add3A_34, %add3A_35 : i32
    %le3A_37 = arith.constant 10000 : i32
    %le3A_38 = arith.cmpi sle, %add3A_36, %le3A_37 : i32
    %convert_element_type3A_39 = arith.extui %le3A_38 : i1 to i32
    %cond3A_40 = arith.constant 0 : i32
    %cond3A_41 = arith.cmpi ne, %convert_element_type3A_39, %cond3A_40 : i32
    scf.if %cond3A_41 {
      %add3A_262 = arith.constant 192 : i32
      %add3A_263 = arith.addi %mul3A_8, %add3A_262 : i32
      "tpu.region"() ({
        %run_scoped3A = tpu.sem_alloc : memref<!tpu.dma_semaphore, #tpu.memory_space<semaphore_mem>>
        %dma_start3A_264 = arith.constant 0 : i32
        %dma_start3A_265 = tpu.memref_slice %arg22[%add3A_263, %dma_start3A_264] : memref<10000x128xf32, #tpu.memory_space<vmem_shared>> -> memref<64x128xf32, #tpu.memory_space<vmem_shared>>
        %dma_start3A_266 = arith.constant 0 : i32
        %dma_start3A_267 = tpu.memref_slice %arg22[%add3A_263, %dma_start3A_266] : memref<10000x128xf32, #tpu.memory_space<vmem_shared>> -> memref<64x128xf32, #tpu.memory_space<vmem_shared>>
        tpu.enqueue_dma source(%arg20 : memref<64x128xf32, #tpu.memory_space<vmem>>) target(%dma_start3A_267 : memref<64x128xf32, #tpu.memory_space<vmem_shared>>) target_semaphore(%run_scoped3A : memref<!tpu.dma_semaphore, #tpu.memory_space<semaphore_mem>>)
        %dma_wait3A = arith.constant 0 : i32
        %dma_wait3A_268 = tpu.memref_slice %arg22[%add3A_263, %dma_wait3A] : memref<10000x128xf32, #tpu.memory_space<vmem_shared>> -> memref<64x128xf32, #tpu.memory_space<vmem_shared>>
        %dma_wait3A_269 = arith.constant 0 : i32
        %dma_wait3A_270 = tpu.memref_slice %arg22[%add3A_263, %dma_wait3A_269] : memref<10000x128xf32, #tpu.memory_space<vmem_shared>> -> memref<64x128xf32, #tpu.memory_space<vmem_shared>>
        tpu.wait_dma2 semaphore(%run_scoped3A : memref<!tpu.dma_semaphore, #tpu.memory_space<semaphore_mem>>) src(%arg20 : memref<64x128xf32, #tpu.memory_space<vmem>>) dst(%dma_wait3A_270 : memref<64x128xf32, #tpu.memory_space<vmem_shared>>)
        tpu.yield
      }) : () -> ()
    } else {
    }
    %add3A_42 = arith.constant 256 : i32
    %add3A_43 = arith.addi %mul3A_8, %add3A_42 : i32
    %add3A_44 = arith.constant 64 : i32
    %add3A_45 = arith.addi %add3A_43, %add3A_44 : i32
    %le3A_46 = arith.constant 10000 : i32
    %le3A_47 = arith.cmpi sle, %add3A_45, %le3A_46 : i32
    %convert_element_type3A_48 = arith.extui %le3A_47 : i1 to i32
    %cond3A_49 = arith.constant 0 : i32
    %cond3A_50 = arith.cmpi ne, %convert_element_type3A_48, %cond3A_49 : i32
    scf.if %cond3A_50 {
      %add3A_262 = arith.constant 256 : i32
      %add3A_263 = arith.addi %mul3A_8, %add3A_262 : i32
      "tpu.region"() ({
        %run_scoped3A = tpu.sem_alloc : memref<!tpu.dma_semaphore, #tpu.memory_space<semaphore_mem>>
        %dma_start3A_264 = arith.constant 0 : i32
        %dma_start3A_265 = tpu.memref_slice %arg22[%add3A_263, %dma_start3A_264] : memref<10000x128xf32, #tpu.memory_space<vmem_shared>> -> memref<64x128xf32, #tpu.memory_space<vmem_shared>>
        %dma_start3A_266 = arith.constant 0 : i32
        %dma_start3A_267 = tpu.memref_slice %arg22[%add3A_263, %dma_start3A_266] : memref<10000x128xf32, #tpu.memory_space<vmem_shared>> -> memref<64x128xf32, #tpu.memory_space<vmem_shared>>
        tpu.enqueue_dma source(%arg20 : memref<64x128xf32, #tpu.memory_space<vmem>>) target(%dma_start3A_267 : memref<64x128xf32, #tpu.memory_space<vmem_shared>>) target_semaphore(%run_scoped3A : memref<!tpu.dma_semaphore, #tpu.memory_space<semaphore_mem>>)
        %dma_wait3A = arith.constant 0 : i32
        %dma_wait3A_268 = tpu.memref_slice %arg22[%add3A_263, %dma_wait3A] : memref<10000x128xf32, #tpu.memory_space<vmem_shared>> -> memref<64x128xf32, #tpu.memory_space<vmem_shared>>
        %dma_wait3A_269 = arith.constant 0 : i32
        %dma_wait3A_270 = tpu.memref_slice %arg22[%add3A_263, %dma_wait3A_269] : memref<10000x128xf32, #tpu.memory_space<vmem_shared>> -> memref<64x128xf32, #tpu.memory_space<vmem_shared>>
        tpu.wait_dma2 semaphore(%run_scoped3A : memref<!tpu.dma_semaphore, #tpu.memory_space<semaphore_mem>>) src(%arg20 : memref<64x128xf32, #tpu.memory_space<vmem>>) dst(%dma_wait3A_270 : memref<64x128xf32, #tpu.memory_space<vmem_shared>>)
        tpu.yield
      }) : () -> ()
    } else {
    }
    %add3A_51 = arith.constant 320 : i32
    %add3A_52 = arith.addi %mul3A_8, %add3A_51 : i32
    %add3A_53 = arith.constant 64 : i32
    %add3A_54 = arith.addi %add3A_52, %add3A_53 : i32
    %le3A_55 = arith.constant 10000 : i32
    %le3A_56 = arith.cmpi sle, %add3A_54, %le3A_55 : i32
    %convert_element_type3A_57 = arith.extui %le3A_56 : i1 to i32
    %cond3A_58 = arith.constant 0 : i32
    %cond3A_59 = arith.cmpi ne, %convert_element_type3A_57, %cond3A_58 : i32
    scf.if %cond3A_59 {
      %add3A_262 = arith.constant 320 : i32
      %add3A_263 = arith.addi %mul3A_8, %add3A_262 : i32
      "tpu.region"() ({
        %run_scoped3A = tpu.sem_alloc : memref<!tpu.dma_semaphore, #tpu.memory_space<semaphore_mem>>
        %dma_start3A_264 = arith.constant 0 : i32
        %dma_start3A_265 = tpu.memref_slice %arg22[%add3A_263, %dma_start3A_264] : memref<10000x128xf32, #tpu.memory_space<vmem_shared>> -> memref<64x128xf32, #tpu.memory_space<vmem_shared>>
        %dma_start3A_266 = arith.constant 0 : i32
        %dma_start3A_267 = tpu.memref_slice %arg22[%add3A_263, %dma_start3A_266] : memref<10000x128xf32, #tpu.memory_space<vmem_shared>> -> memref<64x128xf32, #tpu.memory_space<vmem_shared>>
        tpu.enqueue_dma source(%arg20 : memref<64x128xf32, #tpu.memory_space<vmem>>) target(%dma_start3A_267 : memref<64x128xf32, #tpu.memory_space<vmem_shared>>) target_semaphore(%run_scoped3A : memref<!tpu.dma_semaphore, #tpu.memory_space<semaphore_mem>>)
        %dma_wait3A = arith.constant 0 : i32
        %dma_wait3A_268 = tpu.memref_slice %arg22[%add3A_263, %dma_wait3A] : memref<10000x128xf32, #tpu.memory_space<vmem_shared>> -> memref<64x128xf32, #tpu.memory_space<vmem_shared>>
        %dma_wait3A_269 = arith.constant 0 : i32
        %dma_wait3A_270 = tpu.memref_slice %arg22[%add3A_263, %dma_wait3A_269] : memref<10000x128xf32, #tpu.memory_space<vmem_shared>> -> memref<64x128xf32, #tpu.memory_space<vmem_shared>>
        tpu.wait_dma2 semaphore(%run_scoped3A : memref<!tpu.dma_semaphore, #tpu.memory_space<semaphore_mem>>) src(%arg20 : memref<64x128xf32, #tpu.memory_space<vmem>>) dst(%dma_wait3A_270 : memref<64x128xf32, #tpu.memory_space<vmem_shared>>)
        tpu.yield
      }) : () -> ()
    } else {
    }
    %add3A_60 = arith.constant 384 : i32
    %add3A_61 = arith.addi %mul3A_8, %add3A_60 : i32
    %add3A_62 = arith.constant 64 : i32
    %add3A_63 = arith.addi %add3A_61, %add3A_62 : i32
    %le3A_64 = arith.constant 10000 : i32
    %le3A_65 = arith.cmpi sle, %add3A_63, %le3A_64 : i32
    %convert_element_type3A_66 = arith.extui %le3A_65 : i1 to i32
    %cond3A_67 = arith.constant 0 : i32
    %cond3A_68 = arith.cmpi ne, %convert_element_type3A_66, %cond3A_67 : i32
    scf.if %cond3A_68 {
      %add3A_262 = arith.constant 384 : i32
      %add3A_263 = arith.addi %mul3A_8, %add3A_262 : i32
      "tpu.region"() ({
        %run_scoped3A = tpu.sem_alloc : memref<!tpu.dma_semaphore, #tpu.memory_space<semaphore_mem>>
        %dma_start3A_264 = arith.constant 0 : i32
        %dma_start3A_265 = tpu.memref_slice %arg22[%add3A_263, %dma_start3A_264] : memref<10000x128xf32, #tpu.memory_space<vmem_shared>> -> memref<64x128xf32, #tpu.memory_space<vmem_shared>>
        %dma_start3A_266 = arith.constant 0 : i32
        %dma_start3A_267 = tpu.memref_slice %arg22[%add3A_263, %dma_start3A_266] : memref<10000x128xf32, #tpu.memory_space<vmem_shared>> -> memref<64x128xf32, #tpu.memory_space<vmem_shared>>
        tpu.enqueue_dma source(%arg20 : memref<64x128xf32, #tpu.memory_space<vmem>>) target(%dma_start3A_267 : memref<64x128xf32, #tpu.memory_space<vmem_shared>>) target_semaphore(%run_scoped3A : memref<!tpu.dma_semaphore, #tpu.memory_space<semaphore_mem>>)
        %dma_wait3A = arith.constant 0 : i32
        %dma_wait3A_268 = tpu.memref_slice %arg22[%add3A_263, %dma_wait3A] : memref<10000x128xf32, #tpu.memory_space<vmem_shared>> -> memref<64x128xf32, #tpu.memory_space<vmem_shared>>
        %dma_wait3A_269 = arith.constant 0 : i32
        %dma_wait3A_270 = tpu.memref_slice %arg22[%add3A_263, %dma_wait3A_269] : memref<10000x128xf32, #tpu.memory_space<vmem_shared>> -> memref<64x128xf32, #tpu.memory_space<vmem_shared>>
        tpu.wait_dma2 semaphore(%run_scoped3A : memref<!tpu.dma_semaphore, #tpu.memory_space<semaphore_mem>>) src(%arg20 : memref<64x128xf32, #tpu.memory_space<vmem>>) dst(%dma_wait3A_270 : memref<64x128xf32, #tpu.memory_space<vmem_shared>>)
        tpu.yield
      }) : () -> ()
    } else {
    }
    %add3A_69 = arith.constant 448 : i32
    %add3A_70 = arith.addi %mul3A_8, %add3A_69 : i32
    %add3A_71 = arith.constant 64 : i32
    %add3A_72 = arith.addi %add3A_70, %add3A_71 : i32
    %le3A_73 = arith.constant 10000 : i32
    %le3A_74 = arith.cmpi sle, %add3A_72, %le3A_73 : i32
    %convert_element_type3A_75 = arith.extui %le3A_74 : i1 to i32
    %cond3A_76 = arith.constant 0 : i32
    %cond3A_77 = arith.cmpi ne, %convert_element_type3A_75, %cond3A_76 : i32
    scf.if %cond3A_77 {
      %add3A_262 = arith.constant 448 : i32
      %add3A_263 = arith.addi %mul3A_8, %add3A_262 : i32
      "tpu.region"() ({
        %run_scoped3A = tpu.sem_alloc : memref<!tpu.dma_semaphore, #tpu.memory_space<semaphore_mem>>
        %dma_start3A_264 = arith.constant 0 : i32
        %dma_start3A_265 = tpu.memref_slice %arg22[%add3A_263, %dma_start3A_264] : memref<10000x128xf32, #tpu.memory_space<vmem_shared>> -> memref<64x128xf32, #tpu.memory_space<vmem_shared>>
        %dma_start3A_266 = arith.constant 0 : i32
        %dma_start3A_267 = tpu.memref_slice %arg22[%add3A_263, %dma_start3A_266] : memref<10000x128xf32, #tpu.memory_space<vmem_shared>> -> memref<64x128xf32, #tpu.memory_space<vmem_shared>>
        tpu.enqueue_dma source(%arg20 : memref<64x128xf32, #tpu.memory_space<vmem>>) target(%dma_start3A_267 : memref<64x128xf32, #tpu.memory_space<vmem_shared>>) target_semaphore(%run_scoped3A : memref<!tpu.dma_semaphore, #tpu.memory_space<semaphore_mem>>)
        %dma_wait3A = arith.constant 0 : i32
        %dma_wait3A_268 = tpu.memref_slice %arg22[%add3A_263, %dma_wait3A] : memref<10000x128xf32, #tpu.memory_space<vmem_shared>> -> memref<64x128xf32, #tpu.memory_space<vmem_shared>>
        %dma_wait3A_269 = arith.constant 0 : i32
        %dma_wait3A_270 = tpu.memref_slice %arg22[%add3A_263, %dma_wait3A_269] : memref<10000x128xf32, #tpu.memory_space<vmem_shared>> -> memref<64x128xf32, #tpu.memory_space<vmem_shared>>
        tpu.wait_dma2 semaphore(%run_scoped3A : memref<!tpu.dma_semaphore, #tpu.memory_space<semaphore_mem>>) src(%arg20 : memref<64x128xf32, #tpu.memory_space<vmem>>) dst(%dma_wait3A_270 : memref<64x128xf32, #tpu.memory_space<vmem_shared>>)
        tpu.yield
      }) : () -> ()
    } else {
    }
    %add3A_78 = arith.constant 512 : i32
    %add3A_79 = arith.addi %mul3A_8, %add3A_78 : i32
    %add3A_80 = arith.constant 64 : i32
    %add3A_81 = arith.addi %add3A_79, %add3A_80 : i32
    %le3A_82 = arith.constant 10000 : i32
    %le3A_83 = arith.cmpi sle, %add3A_81, %le3A_82 : i32
    %convert_element_type3A_84 = arith.extui %le3A_83 : i1 to i32
    %cond3A_85 = arith.constant 0 : i32
    %cond3A_86 = arith.cmpi ne, %convert_element_type3A_84, %cond3A_85 : i32
    scf.if %cond3A_86 {
      %add3A_262 = arith.constant 512 : i32
      %add3A_263 = arith.addi %mul3A_8, %add3A_262 : i32
      "tpu.region"() ({
        %run_scoped3A = tpu.sem_alloc : memref<!tpu.dma_semaphore, #tpu.memory_space<semaphore_mem>>
        %dma_start3A_264 = arith.constant 0 : i32
        %dma_start3A_265 = tpu.memref_slice %arg22[%add3A_263, %dma_start3A_264] : memref<10000x128xf32, #tpu.memory_space<vmem_shared>> -> memref<64x128xf32, #tpu.memory_space<vmem_shared>>
        %dma_start3A_266 = arith.constant 0 : i32
        %dma_start3A_267 = tpu.memref_slice %arg22[%add3A_263, %dma_start3A_266] : memref<10000x128xf32, #tpu.memory_space<vmem_shared>> -> memref<64x128xf32, #tpu.memory_space<vmem_shared>>
        tpu.enqueue_dma source(%arg20 : memref<64x128xf32, #tpu.memory_space<vmem>>) target(%dma_start3A_267 : memref<64x128xf32, #tpu.memory_space<vmem_shared>>) target_semaphore(%run_scoped3A : memref<!tpu.dma_semaphore, #tpu.memory_space<semaphore_mem>>)
        %dma_wait3A = arith.constant 0 : i32
        %dma_wait3A_268 = tpu.memref_slice %arg22[%add3A_263, %dma_wait3A] : memref<10000x128xf32, #tpu.memory_space<vmem_shared>> -> memref<64x128xf32, #tpu.memory_space<vmem_shared>>
        %dma_wait3A_269 = arith.constant 0 : i32
        %dma_wait3A_270 = tpu.memref_slice %arg22[%add3A_263, %dma_wait3A_269] : memref<10000x128xf32, #tpu.memory_space<vmem_shared>> -> memref<64x128xf32, #tpu.memory_space<vmem_shared>>
        tpu.wait_dma2 semaphore(%run_scoped3A : memref<!tpu.dma_semaphore, #tpu.memory_space<semaphore_mem>>) src(%arg20 : memref<64x128xf32, #tpu.memory_space<vmem>>) dst(%dma_wait3A_270 : memref<64x128xf32, #tpu.memory_space<vmem_shared>>)
        tpu.yield
      }) : () -> ()
    } else {
    }
    %add3A_87 = arith.constant 576 : i32
    %add3A_88 = arith.addi %mul3A_8, %add3A_87 : i32
    %add3A_89 = arith.constant 64 : i32
    %add3A_90 = arith.addi %add3A_88, %add3A_89 : i32
    %le3A_91 = arith.constant 10000 : i32
    %le3A_92 = arith.cmpi sle, %add3A_90, %le3A_91 : i32
    %convert_element_type3A_93 = arith.extui %le3A_92 : i1 to i32
    %cond3A_94 = arith.constant 0 : i32
    %cond3A_95 = arith.cmpi ne, %convert_element_type3A_93, %cond3A_94 : i32
    scf.if %cond3A_95 {
      %add3A_262 = arith.constant 576 : i32
      %add3A_263 = arith.addi %mul3A_8, %add3A_262 : i32
      "tpu.region"() ({
        %run_scoped3A = tpu.sem_alloc : memref<!tpu.dma_semaphore, #tpu.memory_space<semaphore_mem>>
        %dma_start3A_264 = arith.constant 0 : i32
        %dma_start3A_265 = tpu.memref_slice %arg22[%add3A_263, %dma_start3A_264] : memref<10000x128xf32, #tpu.memory_space<vmem_shared>> -> memref<64x128xf32, #tpu.memory_space<vmem_shared>>
        %dma_start3A_266 = arith.constant 0 : i32
        %dma_start3A_267 = tpu.memref_slice %arg22[%add3A_263, %dma_start3A_266] : memref<10000x128xf32, #tpu.memory_space<vmem_shared>> -> memref<64x128xf32, #tpu.memory_space<vmem_shared>>
        tpu.enqueue_dma source(%arg20 : memref<64x128xf32, #tpu.memory_space<vmem>>) target(%dma_start3A_267 : memref<64x128xf32, #tpu.memory_space<vmem_shared>>) target_semaphore(%run_scoped3A : memref<!tpu.dma_semaphore, #tpu.memory_space<semaphore_mem>>)
        %dma_wait3A = arith.constant 0 : i32
        %dma_wait3A_268 = tpu.memref_slice %arg22[%add3A_263, %dma_wait3A] : memref<10000x128xf32, #tpu.memory_space<vmem_shared>> -> memref<64x128xf32, #tpu.memory_space<vmem_shared>>
        %dma_wait3A_269 = arith.constant 0 : i32
        %dma_wait3A_270 = tpu.memref_slice %arg22[%add3A_263, %dma_wait3A_269] : memref<10000x128xf32, #tpu.memory_space<vmem_shared>> -> memref<64x128xf32, #tpu.memory_space<vmem_shared>>
        tpu.wait_dma2 semaphore(%run_scoped3A : memref<!tpu.dma_semaphore, #tpu.memory_space<semaphore_mem>>) src(%arg20 : memref<64x128xf32, #tpu.memory_space<vmem>>) dst(%dma_wait3A_270 : memref<64x128xf32, #tpu.memory_space<vmem_shared>>)
        tpu.yield
      }) : () -> ()
    } else {
    }
    %eq3A = arith.constant 15 : i32
    %eq3A_96 = arith.cmpi eq, %arg1, %eq3A : i32
    %convert_element_type3A_97 = arith.extui %eq3A_96 : i1 to i32
    %cond3A_98 = arith.constant 0 : i32
    %cond3A_99 = arith.cmpi ne, %convert_element_type3A_97, %cond3A_98 : i32
    scf.if %cond3A_99 {
      "tpu.region"() ({
        %run_scoped3A = tpu.sem_alloc : memref<!tpu.dma_semaphore, #tpu.memory_space<semaphore_mem>>
        %dma_start3A_262 = arith.constant 0 : i32
        %dma_start3A_263 = arith.constant 0 : i32
        %dma_start3A_264 = tpu.memref_slice %arg20[%dma_start3A_262, %dma_start3A_263] : memref<64x128xf32, #tpu.memory_space<vmem>> -> memref<16x128xf32, #tpu.memory_space<vmem>>
        %dma_start3A_265 = arith.constant 9984 : i32
        %dma_start3A_266 = arith.constant 0 : i32
        %dma_start3A_267 = tpu.memref_slice %arg22[%dma_start3A_265, %dma_start3A_266] : memref<10000x128xf32, #tpu.memory_space<vmem_shared>> -> memref<16x128xf32, #tpu.memory_space<vmem_shared>>
        %dma_start3A_268 = arith.constant 9984 : i32
        %dma_start3A_269 = arith.constant 0 : i32
        %dma_start3A_270 = tpu.memref_slice %arg22[%dma_start3A_268, %dma_start3A_269] : memref<10000x128xf32, #tpu.memory_space<vmem_shared>> -> memref<16x128xf32, #tpu.memory_space<vmem_shared>>
        %dma_start3A_271 = arith.constant 0 : i32
        %dma_start3A_272 = arith.constant 0 : i32
        %dma_start3A_273 = tpu.memref_slice %arg20[%dma_start3A_271, %dma_start3A_272] : memref<64x128xf32, #tpu.memory_space<vmem>> -> memref<16x128xf32, #tpu.memory_space<vmem>>
        tpu.enqueue_dma source(%dma_start3A_273 : memref<16x128xf32, #tpu.memory_space<vmem>>) target(%dma_start3A_270 : memref<16x128xf32, #tpu.memory_space<vmem_shared>>) target_semaphore(%run_scoped3A : memref<!tpu.dma_semaphore, #tpu.memory_space<semaphore_mem>>)
        %dma_wait3A = arith.constant 0 : i32
        %dma_wait3A_274 = arith.constant 0 : i32
        %dma_wait3A_275 = tpu.memref_slice %arg20[%dma_wait3A, %dma_wait3A_274] : memref<64x128xf32, #tpu.memory_space<vmem>> -> memref<16x128xf32, #tpu.memory_space<vmem>>
        %dma_wait3A_276 = arith.constant 9984 : i32
        %dma_wait3A_277 = arith.constant 0 : i32
        %dma_wait3A_278 = tpu.memref_slice %arg22[%dma_wait3A_276, %dma_wait3A_277] : memref<10000x128xf32, #tpu.memory_space<vmem_shared>> -> memref<16x128xf32, #tpu.memory_space<vmem_shared>>
        %dma_wait3A_279 = arith.constant 9984 : i32
        %dma_wait3A_280 = arith.constant 0 : i32
        %dma_wait3A_281 = tpu.memref_slice %arg22[%dma_wait3A_279, %dma_wait3A_280] : memref<10000x128xf32, #tpu.memory_space<vmem_shared>> -> memref<16x128xf32, #tpu.memory_space<vmem_shared>>
        %dma_wait3A_282 = arith.constant 0 : i32
        %dma_wait3A_283 = arith.constant 0 : i32
        %dma_wait3A_284 = tpu.memref_slice %arg20[%dma_wait3A_282, %dma_wait3A_283] : memref<64x128xf32, #tpu.memory_space<vmem>> -> memref<16x128xf32, #tpu.memory_space<vmem>>
        tpu.wait_dma2 semaphore(%run_scoped3A : memref<!tpu.dma_semaphore, #tpu.memory_space<semaphore_mem>>) src(%dma_wait3A_284 : memref<16x128xf32, #tpu.memory_space<vmem>>) dst(%dma_wait3A_281 : memref<16x128xf32, #tpu.memory_space<vmem_shared>>)
        tpu.yield
      }) : () -> ()
    } else {
    }
    %barrier3A = arith.constant 0 : index
    tpu.barrier barrier_id(%barrier3A)
    %lt3A = arith.constant 5000 : i32
    %lt3A_100 = arith.cmpi slt, %add3A, %lt3A : i32
    %convert_element_type3A_101 = arith.extui %lt3A_100 : i1 to i32
    %cond3A_102 = arith.constant 0 : i32
    %cond3A_103 = arith.cmpi ne, %convert_element_type3A_101, %cond3A_102 : i32
    scf.if %cond3A_103 {
      %mul3A_262 = arith.constant 64 : i32
      %mul3A_263 = arith.muli %add3A, %mul3A_262 : i32
      %dma_start3A_264 = tpu.memref_slice %arg5[%mul3A_263] : memref<320000xi32, #tpu.memory_space<hbm>> -> memref<64xi32, #tpu.memory_space<hbm>>
      %dma_start3A_265 = tpu.memref_slice %arg5[%mul3A_263] : memref<320000xi32, #tpu.memory_space<hbm>> -> memref<64xi32, #tpu.memory_space<hbm>>
      tpu.enqueue_dma source(%dma_start3A_265 : memref<64xi32, #tpu.memory_space<hbm>>) target(%arg8 : memref<64xi32, #tpu.memory_space<vmem>>) target_semaphore(%arg23 : memref<!tpu.dma_semaphore, #tpu.memory_space<semaphore_mem>>)
      %dma_start3A_266 = tpu.memref_slice %arg6[%mul3A_263] : memref<320000xi32, #tpu.memory_space<hbm>> -> memref<64xi32, #tpu.memory_space<hbm>>
      %dma_start3A_267 = tpu.memref_slice %arg6[%mul3A_263] : memref<320000xi32, #tpu.memory_space<hbm>> -> memref<64xi32, #tpu.memory_space<hbm>>
      tpu.enqueue_dma source(%dma_start3A_267 : memref<64xi32, #tpu.memory_space<hbm>>) target(%arg9 : memref<64xi32, #tpu.memory_space<vmem>>) target_semaphore(%arg23 : memref<!tpu.dma_semaphore, #tpu.memory_space<semaphore_mem>>)
    } else {
    }
    %add3A_104 = arith.constant 32 : i32
    %add3A_105 = arith.addi %add3A, %add3A_104 : i32
    %lt3A_106 = arith.constant 5000 : i32
    %lt3A_107 = arith.cmpi slt, %add3A_105, %lt3A_106 : i32
    %convert_element_type3A_108 = arith.extui %lt3A_107 : i1 to i32
    %cond3A_109 = arith.constant 0 : i32
    %cond3A_110 = arith.cmpi ne, %convert_element_type3A_108, %cond3A_109 : i32
    scf.if %cond3A_110 {
      %mul3A_262 = arith.constant 64 : i32
      %mul3A_263 = arith.muli %add3A_105, %mul3A_262 : i32
      %dma_start3A_264 = tpu.memref_slice %arg5[%mul3A_263] : memref<320000xi32, #tpu.memory_space<hbm>> -> memref<64xi32, #tpu.memory_space<hbm>>
      %dma_start3A_265 = tpu.memref_slice %arg5[%mul3A_263] : memref<320000xi32, #tpu.memory_space<hbm>> -> memref<64xi32, #tpu.memory_space<hbm>>
      tpu.enqueue_dma source(%dma_start3A_265 : memref<64xi32, #tpu.memory_space<hbm>>) target(%arg10 : memref<64xi32, #tpu.memory_space<vmem>>) target_semaphore(%arg24 : memref<!tpu.dma_semaphore, #tpu.memory_space<semaphore_mem>>)
      %dma_start3A_266 = tpu.memref_slice %arg6[%mul3A_263] : memref<320000xi32, #tpu.memory_space<hbm>> -> memref<64xi32, #tpu.memory_space<hbm>>
      %dma_start3A_267 = tpu.memref_slice %arg6[%mul3A_263] : memref<320000xi32, #tpu.memory_space<hbm>> -> memref<64xi32, #tpu.memory_space<hbm>>
      tpu.enqueue_dma source(%dma_start3A_267 : memref<64xi32, #tpu.memory_space<hbm>>) target(%arg11 : memref<64xi32, #tpu.memory_space<vmem>>) target_semaphore(%arg24 : memref<!tpu.dma_semaphore, #tpu.memory_space<semaphore_mem>>)
    } else {
    }
    %lt3A_111 = arith.constant 5000 : i32
    %lt3A_112 = arith.cmpi slt, %add3A, %lt3A_111 : i32
    %convert_element_type3A_113 = arith.extui %lt3A_112 : i1 to i32
    %cond3A_114 = arith.constant 0 : i32
    %cond3A_115 = arith.cmpi ne, %convert_element_type3A_113, %cond3A_114 : i32
    scf.if %cond3A_115 {
      %dma_wait3A = arith.constant 0 : i32
      %dma_wait3A_262 = tpu.memref_slice %arg5[%dma_wait3A] : memref<320000xi32, #tpu.memory_space<hbm>> -> memref<64xi32, #tpu.memory_space<hbm>>
      %dma_wait3A_263 = arith.constant 0 : i32
      %dma_wait3A_264 = tpu.memref_slice %arg5[%dma_wait3A_263] : memref<320000xi32, #tpu.memory_space<hbm>> -> memref<64xi32, #tpu.memory_space<hbm>>
      tpu.wait_dma2 semaphore(%arg23 : memref<!tpu.dma_semaphore, #tpu.memory_space<semaphore_mem>>) src(%dma_wait3A_264 : memref<64xi32, #tpu.memory_space<hbm>>) dst(%arg8 : memref<64xi32, #tpu.memory_space<vmem>>)
      %dma_wait3A_265 = arith.constant 0 : i32
      %dma_wait3A_266 = tpu.memref_slice %arg6[%dma_wait3A_265] : memref<320000xi32, #tpu.memory_space<hbm>> -> memref<64xi32, #tpu.memory_space<hbm>>
      %dma_wait3A_267 = arith.constant 0 : i32
      %dma_wait3A_268 = tpu.memref_slice %arg6[%dma_wait3A_267] : memref<320000xi32, #tpu.memory_space<hbm>> -> memref<64xi32, #tpu.memory_space<hbm>>
      tpu.wait_dma2 semaphore(%arg23 : memref<!tpu.dma_semaphore, #tpu.memory_space<semaphore_mem>>) src(%dma_wait3A_268 : memref<64xi32, #tpu.memory_space<hbm>>) dst(%arg9 : memref<64xi32, #tpu.memory_space<vmem>>)
    } else {
    }
    %lt3A_116 = arith.constant 5000 : i32
    %lt3A_117 = arith.cmpi slt, %add3A, %lt3A_116 : i32
    %convert_element_type3A_118 = arith.extui %lt3A_117 : i1 to i32
    %cond3A_119 = arith.constant 0 : i32
    %cond3A_120 = arith.cmpi ne, %convert_element_type3A_118, %cond3A_119 : i32
    scf.if %cond3A_120 {
      %dma_start3A_262 = arith.constant 0 : i32
      %dma_start3A_263 = arith.constant 0 : i32
      %dma_start3A_264 = tpu.memref_slice %arg2[%dma_start3A_262, %dma_start3A_263] : memref<10000x128xf32, #tpu.memory_space<hbm>> -> memref<10000x128xf32, #tpu.memory_space<hbm>>
      tpu.enqueue_indirect_dma source(%dma_start3A_264 : memref<10000x128xf32, #tpu.memory_space<hbm>>) target(%arg16 : memref<64x128xf32, #tpu.memory_space<vmem>>) offsets(%arg8 : memref<64xi32, #tpu.memory_space<vmem>>) semaphore(%arg27 : memref<!tpu.dma_semaphore, #tpu.memory_space<semaphore_mem>>)
      %dma_start3A_265 = arith.constant 0 : i32
      %dma_start3A_266 = arith.constant 0 : i32
      %dma_start3A_267 = tpu.memref_slice %arg3[%dma_start3A_265, %dma_start3A_266] : memref<10000x128xf32, #tpu.memory_space<hbm>> -> memref<10000x128xf32, #tpu.memory_space<hbm>>
      tpu.enqueue_indirect_dma source(%dma_start3A_267 : memref<10000x128xf32, #tpu.memory_space<hbm>>) target(%arg17 : memref<64x128xf32, #tpu.memory_space<vmem>>) offsets(%arg9 : memref<64xi32, #tpu.memory_space<vmem>>) semaphore(%arg27 : memref<!tpu.dma_semaphore, #tpu.memory_space<semaphore_mem>>)
    } else {
    }
    %mul3A_121 = arith.constant 64 : i32
    %mul3A_122 = arith.muli %add3A, %mul3A_121 : i32
    %dma_start3A = arith.constant 0 : i32
    %dma_start3A_123 = tpu.memref_slice %arg4[%mul3A_122, %dma_start3A] : memref<320000x128xf32, #tpu.memory_space<hbm>> -> memref<64x128xf32, #tpu.memory_space<hbm>>
    %dma_start3A_124 = arith.constant 0 : i32
    %dma_start3A_125 = tpu.memref_slice %arg4[%mul3A_122, %dma_start3A_124] : memref<320000x128xf32, #tpu.memory_space<hbm>> -> memref<64x128xf32, #tpu.memory_space<hbm>>
    tpu.enqueue_dma source(%dma_start3A_125 : memref<64x128xf32, #tpu.memory_space<hbm>>) target(%arg20 : memref<64x128xf32, #tpu.memory_space<vmem>>) target_semaphore(%arg29 : memref<!tpu.dma_semaphore, #tpu.memory_space<semaphore_mem>>)
    %scan3A_126 = arith.constant 0 : i32
    %scan3A_127 = arith.constant 0 : i32
    %scan3A_128 = arith.constant 40 : i32
    %scan3A_129 = arith.addi %scan3A_127, %scan3A_128 : i32
    %scan3A_130 = arith.constant 1 : i32
    scf.for %scan3A_262 = %scan3A_127 to %scan3A_129 step %scan3A_130  : i32 {
      %mul3A_263 = arith.constant 4 : i32
      %mul3A_264 = arith.muli %mul3A_263, %scan3A_262 : i32
      %mul3A_265 = arith.constant 32 : i32
      %mul3A_266 = arith.muli %mul3A_264, %mul3A_265 : i32
      %add3A_267 = arith.addi %mul3A_266, %add3A : i32
      %add3A_268 = arith.constant 0 : i32
      %add3A_269 = arith.addi %add3A_267, %add3A_268 : i32
      %add3A_270 = arith.constant 32 : i32
      %add3A_271 = arith.addi %add3A_269, %add3A_270 : i32
      %lt3A_272 = arith.constant 5000 : i32
      %lt3A_273 = arith.cmpi slt, %add3A_271, %lt3A_272 : i32
      %convert_element_type3A_274 = arith.extui %lt3A_273 : i1 to i32
      %cond3A_275 = arith.constant 0 : i32
      %cond3A_276 = arith.cmpi ne, %convert_element_type3A_274, %cond3A_275 : i32
      scf.if %cond3A_276 {
        %dma_wait3A = arith.constant 0 : i32
        %dma_wait3A_428 = tpu.memref_slice %arg5[%dma_wait3A] : memref<320000xi32, #tpu.memory_space<hbm>> -> memref<64xi32, #tpu.memory_space<hbm>>
        %dma_wait3A_429 = arith.constant 0 : i32
        %dma_wait3A_430 = tpu.memref_slice %arg5[%dma_wait3A_429] : memref<320000xi32, #tpu.memory_space<hbm>> -> memref<64xi32, #tpu.memory_space<hbm>>
        tpu.wait_dma2 semaphore(%arg24 : memref<!tpu.dma_semaphore, #tpu.memory_space<semaphore_mem>>) src(%dma_wait3A_430 : memref<64xi32, #tpu.memory_space<hbm>>) dst(%arg10 : memref<64xi32, #tpu.memory_space<vmem>>)
        %dma_wait3A_431 = arith.constant 0 : i32
        %dma_wait3A_432 = tpu.memref_slice %arg6[%dma_wait3A_431] : memref<320000xi32, #tpu.memory_space<hbm>> -> memref<64xi32, #tpu.memory_space<hbm>>
        %dma_wait3A_433 = arith.constant 0 : i32
        %dma_wait3A_434 = tpu.memref_slice %arg6[%dma_wait3A_433] : memref<320000xi32, #tpu.memory_space<hbm>> -> memref<64xi32, #tpu.memory_space<hbm>>
        tpu.wait_dma2 semaphore(%arg24 : memref<!tpu.dma_semaphore, #tpu.memory_space<semaphore_mem>>) src(%dma_wait3A_434 : memref<64xi32, #tpu.memory_space<hbm>>) dst(%arg11 : memref<64xi32, #tpu.memory_space<vmem>>)
      } else {
      }
      %add3A_277 = arith.constant 32 : i32
      %add3A_278 = arith.addi %add3A_269, %add3A_277 : i32
      %lt3A_279 = arith.constant 5000 : i32
      %lt3A_280 = arith.cmpi slt, %add3A_278, %lt3A_279 : i32
      %convert_element_type3A_281 = arith.extui %lt3A_280 : i1 to i32
      %cond3A_282 = arith.constant 0 : i32
      %cond3A_283 = arith.cmpi ne, %convert_element_type3A_281, %cond3A_282 : i32
      scf.if %cond3A_283 {
        %dma_start3A_428 = arith.constant 0 : i32
        %dma_start3A_429 = arith.constant 0 : i32
        %dma_start3A_430 = tpu.memref_slice %arg2[%dma_start3A_428, %dma_start3A_429] : memref<10000x128xf32, #tpu.memory_space<hbm>> -> memref<10000x128xf32, #tpu.memory_space<hbm>>
        tpu.enqueue_indirect_dma source(%dma_start3A_430 : memref<10000x128xf32, #tpu.memory_space<hbm>>) target(%arg18 : memref<64x128xf32, #tpu.memory_space<vmem>>) offsets(%arg10 : memref<64xi32, #tpu.memory_space<vmem>>) semaphore(%arg28 : memref<!tpu.dma_semaphore, #tpu.memory_space<semaphore_mem>>)
        %dma_start3A_431 = arith.constant 0 : i32
        %dma_start3A_432 = arith.constant 0 : i32
        %dma_start3A_433 = tpu.memref_slice %arg3[%dma_start3A_431, %dma_start3A_432] : memref<10000x128xf32, #tpu.memory_space<hbm>> -> memref<10000x128xf32, #tpu.memory_space<hbm>>
        tpu.enqueue_indirect_dma source(%dma_start3A_433 : memref<10000x128xf32, #tpu.memory_space<hbm>>) target(%arg19 : memref<64x128xf32, #tpu.memory_space<vmem>>) offsets(%arg11 : memref<64xi32, #tpu.memory_space<vmem>>) semaphore(%arg28 : memref<!tpu.dma_semaphore, #tpu.memory_space<semaphore_mem>>)
      } else {
      }
      %lt3A_284 = arith.constant 5000 : i32
      %lt3A_285 = arith.cmpi slt, %add3A_269, %lt3A_284 : i32
      %convert_element_type3A_286 = arith.extui %lt3A_285 : i1 to i32
      %cond3A_287 = arith.constant 0 : i32
      %cond3A_288 = arith.cmpi ne, %convert_element_type3A_286, %cond3A_287 : i32
      scf.if %cond3A_288 {
        %dma_wait3A = arith.constant 0 : i32
        %dma_wait3A_428 = arith.constant 0 : i32
        %dma_wait3A_429 = tpu.memref_slice %arg2[%dma_wait3A, %dma_wait3A_428] : memref<10000x128xf32, #tpu.memory_space<hbm>> -> memref<10000x128xf32, #tpu.memory_space<hbm>>
        tpu.wait_indirect_dma semaphore(%arg27 : memref<!tpu.dma_semaphore, #tpu.memory_space<semaphore_mem>>) src(%dma_wait3A_429 : memref<10000x128xf32, #tpu.memory_space<hbm>>) dst(%arg16 : memref<64x128xf32, #tpu.memory_space<vmem>>)
        %dma_wait3A_430 = arith.constant 0 : i32
        %dma_wait3A_431 = arith.constant 0 : i32
        %dma_wait3A_432 = tpu.memref_slice %arg3[%dma_wait3A_430, %dma_wait3A_431] : memref<10000x128xf32, #tpu.memory_space<hbm>> -> memref<10000x128xf32, #tpu.memory_space<hbm>>
        tpu.wait_indirect_dma semaphore(%arg27 : memref<!tpu.dma_semaphore, #tpu.memory_space<semaphore_mem>>) src(%dma_wait3A_432 : memref<10000x128xf32, #tpu.memory_space<hbm>>) dst(%arg17 : memref<64x128xf32, #tpu.memory_space<vmem>>)
      } else {
      }
      %lt3A_289 = arith.constant 5000 : i32
      %lt3A_290 = arith.cmpi slt, %add3A_269, %lt3A_289 : i32
      %convert_element_type3A_291 = arith.extui %lt3A_290 : i1 to i32
      %cond3A_292 = arith.constant 0 : i32
      %cond3A_293 = arith.cmpi ne, %convert_element_type3A_291, %cond3A_292 : i32
      scf.if %cond3A_293 {
        %dma_wait3A = arith.constant 0 : i32
        %dma_wait3A_428 = arith.constant 0 : i32
        %dma_wait3A_429 = tpu.memref_slice %arg4[%dma_wait3A, %dma_wait3A_428] : memref<320000x128xf32, #tpu.memory_space<hbm>> -> memref<64x128xf32, #tpu.memory_space<hbm>>
        %dma_wait3A_430 = arith.constant 0 : i32
        %dma_wait3A_431 = arith.constant 0 : i32
        %dma_wait3A_432 = tpu.memref_slice %arg4[%dma_wait3A_430, %dma_wait3A_431] : memref<320000x128xf32, #tpu.memory_space<hbm>> -> memref<64x128xf32, #tpu.memory_space<hbm>>
        tpu.wait_dma2 semaphore(%arg29 : memref<!tpu.dma_semaphore, #tpu.memory_space<semaphore_mem>>) src(%dma_wait3A_432 : memref<64x128xf32, #tpu.memory_space<hbm>>) dst(%arg20 : memref<64x128xf32, #tpu.memory_space<vmem>>)
        %scan3A_433 = arith.constant 0 : i32
        %scan3A_434 = arith.constant 0 : i32
        %scan3A_435 = arith.constant 64 : i32
        %scan3A_436 = arith.addi %scan3A_434, %scan3A_435 : i32
        %scan3A_437 = arith.constant 1 : i32
        scf.for %scan3A_442 = %scan3A_434 to %scan3A_436 step %scan3A_437  : i32 {
          %get3A = arith.index_cast %scan3A_442 : i32 to index
          %get3A_443 = arith.constant 0 : index
          %get3A_444 = tpu.vector_load %arg16[%get3A, %get3A_443] {strides = array<i32>} : memref<64x128xf32, #tpu.memory_space<vmem>>, vector<16xf32>,
          %get3A_445 = arith.index_cast %scan3A_442 : i32 to index
          %get3A_446 = arith.constant 0 : index
          %get3A_447 = tpu.vector_load %arg17[%get3A_445, %get3A_446] {strides = array<i32>} : memref<64x128xf32, #tpu.memory_space<vmem>>, vector<16xf32>,
          %add3A_448 = arith.addf %get3A_444, %get3A_447 : vector<16xf32>
          %get3A_449 = arith.index_cast %scan3A_442 : i32 to index
          %get3A_450 = arith.constant 0 : index
          %get3A_451 = tpu.vector_load %arg20[%get3A_449, %get3A_450] {strides = array<i32>} : memref<64x128xf32, #tpu.memory_space<vmem>>, vector<16xf32>,
          %add3A_452 = arith.addf %add3A_448, %get3A_451 : vector<16xf32>
          %max3A = arith.constant 0.000000e+00 : f32
          %max3A_453 = vector.broadcast %max3A : f32 to vector<16xf32>
          %max3A_454 = arith.maximumf %add3A_452, %max3A_453 : vector<16xf32>
          %swap3A = arith.index_cast %scan3A_442 : i32 to index
          %swap3A_455 = arith.constant 0 : index
          %swap3A_456 = tpu.vector_load %arg20[%swap3A, %swap3A_455] {strides = array<i32>} : memref<64x128xf32, #tpu.memory_space<vmem>>, vector<16xf32>,
          tpu.vector_store %arg20[%swap3A, %swap3A_455], %max3A_454 {strides = array<i32>} : memref<64x128xf32, #tpu.memory_space<vmem>>, vector<16xf32>,
          %get3A_457 = arith.index_cast %scan3A_442 : i32 to index
          %get3A_458 = arith.constant 16 : index
          %get3A_459 = tpu.vector_load %arg16[%get3A_457, %get3A_458] {strides = array<i32>} : memref<64x128xf32, #tpu.memory_space<vmem>>, vector<16xf32>,
          %get3A_460 = arith.index_cast %scan3A_442 : i32 to index
          %get3A_461 = arith.constant 16 : index
          %get3A_462 = tpu.vector_load %arg17[%get3A_460, %get3A_461] {strides = array<i32>} : memref<64x128xf32, #tpu.memory_space<vmem>>, vector<16xf32>,
          %add3A_463 = arith.addf %get3A_459, %get3A_462 : vector<16xf32>
          %get3A_464 = arith.index_cast %scan3A_442 : i32 to index
          %get3A_465 = arith.constant 16 : index
          %get3A_466 = tpu.vector_load %arg20[%get3A_464, %get3A_465] {strides = array<i32>} : memref<64x128xf32, #tpu.memory_space<vmem>>, vector<16xf32>,
          %add3A_467 = arith.addf %add3A_463, %get3A_466 : vector<16xf32>
          %max3A_468 = arith.constant 0.000000e+00 : f32
          %max3A_469 = vector.broadcast %max3A_468 : f32 to vector<16xf32>
          %max3A_470 = arith.maximumf %add3A_467, %max3A_469 : vector<16xf32>
          %swap3A_471 = arith.index_cast %scan3A_442 : i32 to index
          %swap3A_472 = arith.constant 16 : index
          %swap3A_473 = tpu.vector_load %arg20[%swap3A_471, %swap3A_472] {strides = array<i32>} : memref<64x128xf32, #tpu.memory_space<vmem>>, vector<16xf32>,
          tpu.vector_store %arg20[%swap3A_471, %swap3A_472], %max3A_470 {strides = array<i32>} : memref<64x128xf32, #tpu.memory_space<vmem>>, vector<16xf32>,
          %get3A_474 = arith.index_cast %scan3A_442 : i32 to index
          %get3A_475 = arith.constant 32 : index
          %get3A_476 = tpu.vector_load %arg16[%get3A_474, %get3A_475] {strides = array<i32>} : memref<64x128xf32, #tpu.memory_space<vmem>>, vector<16xf32>,
          %get3A_477 = arith.index_cast %scan3A_442 : i32 to index
          %get3A_478 = arith.constant 32 : index
          %get3A_479 = tpu.vector_load %arg17[%get3A_477, %get3A_478] {strides = array<i32>} : memref<64x128xf32, #tpu.memory_space<vmem>>, vector<16xf32>,
          %add3A_480 = arith.addf %get3A_476, %get3A_479 : vector<16xf32>
          %get3A_481 = arith.index_cast %scan3A_442 : i32 to index
          %get3A_482 = arith.constant 32 : index
          %get3A_483 = tpu.vector_load %arg20[%get3A_481, %get3A_482] {strides = array<i32>} : memref<64x128xf32, #tpu.memory_space<vmem>>, vector<16xf32>,
          %add3A_484 = arith.addf %add3A_480, %get3A_483 : vector<16xf32>
          %max3A_485 = arith.constant 0.000000e+00 : f32
          %max3A_486 = vector.broadcast %max3A_485 : f32 to vector<16xf32>
          %max3A_487 = arith.maximumf %add3A_484, %max3A_486 : vector<16xf32>
          %swap3A_488 = arith.index_cast %scan3A_442 : i32 to index
          %swap3A_489 = arith.constant 32 : index
          %swap3A_490 = tpu.vector_load %arg20[%swap3A_488, %swap3A_489] {strides = array<i32>} : memref<64x128xf32, #tpu.memory_space<vmem>>, vector<16xf32>,
          tpu.vector_store %arg20[%swap3A_488, %swap3A_489], %max3A_487 {strides = array<i32>} : memref<64x128xf32, #tpu.memory_space<vmem>>, vector<16xf32>,
          %get3A_491 = arith.index_cast %scan3A_442 : i32 to index
          %get3A_492 = arith.constant 48 : index
          %get3A_493 = tpu.vector_load %arg16[%get3A_491, %get3A_492] {strides = array<i32>} : memref<64x128xf32, #tpu.memory_space<vmem>>, vector<16xf32>,
          %get3A_494 = arith.index_cast %scan3A_442 : i32 to index
          %get3A_495 = arith.constant 48 : index
          %get3A_496 = tpu.vector_load %arg17[%get3A_494, %get3A_495] {strides = array<i32>} : memref<64x128xf32, #tpu.memory_space<vmem>>, vector<16xf32>,
          %add3A_497 = arith.addf %get3A_493, %get3A_496 : vector<16xf32>
          %get3A_498 = arith.index_cast %scan3A_442 : i32 to index
          %get3A_499 = arith.constant 48 : index
          %get3A_500 = tpu.vector_load %arg20[%get3A_498, %get3A_499] {strides = array<i32>} : memref<64x128xf32, #tpu.memory_space<vmem>>, vector<16xf32>,
          %add3A_501 = arith.addf %add3A_497, %get3A_500 : vector<16xf32>
          %max3A_502 = arith.constant 0.000000e+00 : f32
          %max3A_503 = vector.broadcast %max3A_502 : f32 to vector<16xf32>
          %max3A_504 = arith.maximumf %add3A_501, %max3A_503 : vector<16xf32>
          %swap3A_505 = arith.index_cast %scan3A_442 : i32 to index
          %swap3A_506 = arith.constant 48 : index
          %swap3A_507 = tpu.vector_load %arg20[%swap3A_505, %swap3A_506] {strides = array<i32>} : memref<64x128xf32, #tpu.memory_space<vmem>>, vector<16xf32>,
          tpu.vector_store %arg20[%swap3A_505, %swap3A_506], %max3A_504 {strides = array<i32>} : memref<64x128xf32, #tpu.memory_space<vmem>>, vector<16xf32>,
          %get3A_508 = arith.index_cast %scan3A_442 : i32 to index
          %get3A_509 = arith.constant 64 : index
          %get3A_510 = tpu.vector_load %arg16[%get3A_508, %get3A_509] {strides = array<i32>} : memref<64x128xf32, #tpu.memory_space<vmem>>, vector<16xf32>,
          %get3A_511 = arith.index_cast %scan3A_442 : i32 to index
          %get3A_512 = arith.constant 64 : index
          %get3A_513 = tpu.vector_load %arg17[%get3A_511, %get3A_512] {strides = array<i32>} : memref<64x128xf32, #tpu.memory_space<vmem>>, vector<16xf32>,
          %add3A_514 = arith.addf %get3A_510, %get3A_513 : vector<16xf32>
          %get3A_515 = arith.index_cast %scan3A_442 : i32 to index
          %get3A_516 = arith.constant 64 : index
          %get3A_517 = tpu.vector_load %arg20[%get3A_515, %get3A_516] {strides = array<i32>} : memref<64x128xf32, #tpu.memory_space<vmem>>, vector<16xf32>,
          %add3A_518 = arith.addf %add3A_514, %get3A_517 : vector<16xf32>
          %max3A_519 = arith.constant 0.000000e+00 : f32
          %max3A_520 = vector.broadcast %max3A_519 : f32 to vector<16xf32>
          %max3A_521 = arith.maximumf %add3A_518, %max3A_520 : vector<16xf32>
          %swap3A_522 = arith.index_cast %scan3A_442 : i32 to index
          %swap3A_523 = arith.constant 64 : index
          %swap3A_524 = tpu.vector_load %arg20[%swap3A_522, %swap3A_523] {strides = array<i32>} : memref<64x128xf32, #tpu.memory_space<vmem>>, vector<16xf32>,
          tpu.vector_store %arg20[%swap3A_522, %swap3A_523], %max3A_521 {strides = array<i32>} : memref<64x128xf32, #tpu.memory_space<vmem>>, vector<16xf32>,
          %get3A_525 = arith.index_cast %scan3A_442 : i32 to index
          %get3A_526 = arith.constant 80 : index
          %get3A_527 = tpu.vector_load %arg16[%get3A_525, %get3A_526] {strides = array<i32>} : memref<64x128xf32, #tpu.memory_space<vmem>>, vector<16xf32>,
          %get3A_528 = arith.index_cast %scan3A_442 : i32 to index
          %get3A_529 = arith.constant 80 : index
          %get3A_530 = tpu.vector_load %arg17[%get3A_528, %get3A_529] {strides = array<i32>} : memref<64x128xf32, #tpu.memory_space<vmem>>, vector<16xf32>,
          %add3A_531 = arith.addf %get3A_527, %get3A_530 : vector<16xf32>
          %get3A_532 = arith.index_cast %scan3A_442 : i32 to index
          %get3A_533 = arith.constant 80 : index
          %get3A_534 = tpu.vector_load %arg20[%get3A_532, %get3A_533] {strides = array<i32>} : memref<64x128xf32, #tpu.memory_space<vmem>>, vector<16xf32>,
          %add3A_535 = arith.addf %add3A_531, %get3A_534 : vector<16xf32>
          %max3A_536 = arith.constant 0.000000e+00 : f32
          %max3A_537 = vector.broadcast %max3A_536 : f32 to vector<16xf32>
          %max3A_538 = arith.maximumf %add3A_535, %max3A_537 : vector<16xf32>
          %swap3A_539 = arith.index_cast %scan3A_442 : i32 to index
          %swap3A_540 = arith.constant 80 : index
          %swap3A_541 = tpu.vector_load %arg20[%swap3A_539, %swap3A_540] {strides = array<i32>} : memref<64x128xf32, #tpu.memory_space<vmem>>, vector<16xf32>,
          tpu.vector_store %arg20[%swap3A_539, %swap3A_540], %max3A_538 {strides = array<i32>} : memref<64x128xf32, #tpu.memory_space<vmem>>, vector<16xf32>,
          %get3A_542 = arith.index_cast %scan3A_442 : i32 to index
          %get3A_543 = arith.constant 96 : index
          %get3A_544 = tpu.vector_load %arg16[%get3A_542, %get3A_543] {strides = array<i32>} : memref<64x128xf32, #tpu.memory_space<vmem>>, vector<16xf32>,
          %get3A_545 = arith.index_cast %scan3A_442 : i32 to index
          %get3A_546 = arith.constant 96 : index
          %get3A_547 = tpu.vector_load %arg17[%get3A_545, %get3A_546] {strides = array<i32>} : memref<64x128xf32, #tpu.memory_space<vmem>>, vector<16xf32>,
          %add3A_548 = arith.addf %get3A_544, %get3A_547 : vector<16xf32>
          %get3A_549 = arith.index_cast %scan3A_442 : i32 to index
          %get3A_550 = arith.constant 96 : index
          %get3A_551 = tpu.vector_load %arg20[%get3A_549, %get3A_550] {strides = array<i32>} : memref<64x128xf32, #tpu.memory_space<vmem>>, vector<16xf32>,
          %add3A_552 = arith.addf %add3A_548, %get3A_551 : vector<16xf32>
          %max3A_553 = arith.constant 0.000000e+00 : f32
          %max3A_554 = vector.broadcast %max3A_553 : f32 to vector<16xf32>
          %max3A_555 = arith.maximumf %add3A_552, %max3A_554 : vector<16xf32>
          %swap3A_556 = arith.index_cast %scan3A_442 : i32 to index
          %swap3A_557 = arith.constant 96 : index
          %swap3A_558 = tpu.vector_load %arg20[%swap3A_556, %swap3A_557] {strides = array<i32>} : memref<64x128xf32, #tpu.memory_space<vmem>>, vector<16xf32>,
          tpu.vector_store %arg20[%swap3A_556, %swap3A_557], %max3A_555 {strides = array<i32>} : memref<64x128xf32, #tpu.memory_space<vmem>>, vector<16xf32>,
          %get3A_559 = arith.index_cast %scan3A_442 : i32 to index
          %get3A_560 = arith.constant 112 : index
          %get3A_561 = tpu.vector_load %arg16[%get3A_559, %get3A_560] {strides = array<i32>} : memref<64x128xf32, #tpu.memory_space<vmem>>, vector<16xf32>,
          %get3A_562 = arith.index_cast %scan3A_442 : i32 to index
          %get3A_563 = arith.constant 112 : index
          %get3A_564 = tpu.vector_load %arg17[%get3A_562, %get3A_563] {strides = array<i32>} : memref<64x128xf32, #tpu.memory_space<vmem>>, vector<16xf32>,
          %add3A_565 = arith.addf %get3A_561, %get3A_564 : vector<16xf32>
          %get3A_566 = arith.index_cast %scan3A_442 : i32 to index
          %get3A_567 = arith.constant 112 : index
          %get3A_568 = tpu.vector_load %arg20[%get3A_566, %get3A_567] {strides = array<i32>} : memref<64x128xf32, #tpu.memory_space<vmem>>, vector<16xf32>,
          %add3A_569 = arith.addf %add3A_565, %get3A_568 : vector<16xf32>
          %max3A_570 = arith.constant 0.000000e+00 : f32
          %max3A_571 = vector.broadcast %max3A_570 : f32 to vector<16xf32>
          %max3A_572 = arith.maximumf %add3A_569, %max3A_571 : vector<16xf32>
          %swap3A_573 = arith.index_cast %scan3A_442 : i32 to index
          %swap3A_574 = arith.constant 112 : index
          %swap3A_575 = tpu.vector_load %arg20[%swap3A_573, %swap3A_574] {strides = array<i32>} : memref<64x128xf32, #tpu.memory_space<vmem>>, vector<16xf32>,
          tpu.vector_store %arg20[%swap3A_573, %swap3A_574], %max3A_572 {strides = array<i32>} : memref<64x128xf32, #tpu.memory_space<vmem>>, vector<16xf32>,
        }
        %scan3A_438 = arith.constant 64 : i32
        %dma_start3A_439 = arith.constant 0 : i32
        %dma_start3A_440 = arith.constant 0 : i32
        %dma_start3A_441 = tpu.memref_slice %arg22[%dma_start3A_439, %dma_start3A_440] : memref<10000x128xf32, #tpu.memory_space<vmem_shared>> -> memref<10000x128xf32, #tpu.memory_space<vmem_shared>>
        tpu.enqueue_indirect_dma source(%arg20 : memref<64x128xf32, #tpu.memory_space<vmem>>) target(%dma_start3A_441 : memref<10000x128xf32, #tpu.memory_space<vmem_shared>>) offsets(%arg9 : memref<64xi32, #tpu.memory_space<vmem>>) semaphore(%arg31 : memref<!tpu.dma_semaphore, #tpu.memory_space<semaphore_mem>>) {add = true}
      } else {
      }
      %add3A_294 = arith.constant 32 : i32
      %add3A_295 = arith.addi %add3A_269, %add3A_294 : i32
      %lt3A_296 = arith.constant 5000 : i32
      %lt3A_297 = arith.cmpi slt, %add3A_295, %lt3A_296 : i32
      %convert_element_type3A_298 = arith.extui %lt3A_297 : i1 to i32
      %cond3A_299 = arith.constant 0 : i32
      %cond3A_300 = arith.cmpi ne, %convert_element_type3A_298, %cond3A_299 : i32
      scf.if %cond3A_300 {
        %ge3A_428 = arith.constant 32 : i32
        %ge3A_429 = arith.cmpi sge, %add3A_269, %ge3A_428 : i32
        %convert_element_type3A_430 = arith.extui %ge3A_429 : i1 to i32
        %cond3A_431 = arith.constant 0 : i32
        %cond3A_432 = arith.cmpi ne, %convert_element_type3A_430, %cond3A_431 : i32
        scf.if %cond3A_432 {
          %dma_wait3A = arith.constant 0 : i32
          %dma_wait3A_441 = arith.constant 0 : i32
          %dma_wait3A_442 = tpu.memref_slice %arg22[%dma_wait3A, %dma_wait3A_441] : memref<10000x128xf32, #tpu.memory_space<vmem_shared>> -> memref<10000x128xf32, #tpu.memory_space<vmem_shared>>
          tpu.wait_indirect_dma semaphore(%arg32 : memref<!tpu.dma_semaphore, #tpu.memory_space<semaphore_mem>>) src(%arg21 : memref<64x128xf32, #tpu.memory_space<vmem>>) dst(%dma_wait3A_442 : memref<10000x128xf32, #tpu.memory_space<vmem_shared>>)
        } else {
        }
        %add3A_433 = arith.constant 32 : i32
        %add3A_434 = arith.addi %add3A_269, %add3A_433 : i32
        %mul3A_435 = arith.constant 64 : i32
        %mul3A_436 = arith.muli %add3A_434, %mul3A_435 : i32
        %dma_start3A_437 = arith.constant 0 : i32
        %dma_start3A_438 = tpu.memref_slice %arg4[%mul3A_436, %dma_start3A_437] : memref<320000x128xf32, #tpu.memory_space<hbm>> -> memref<64x128xf32, #tpu.memory_space<hbm>>
        %dma_start3A_439 = arith.constant 0 : i32
        %dma_start3A_440 = tpu.memref_slice %arg4[%mul3A_436, %dma_start3A_439] : memref<320000x128xf32, #tpu.memory_space<hbm>> -> memref<64x128xf32, #tpu.memory_space<hbm>>
        tpu.enqueue_dma source(%dma_start3A_440 : memref<64x128xf32, #tpu.memory_space<hbm>>) target(%arg21 : memref<64x128xf32, #tpu.memory_space<vmem>>) target_semaphore(%arg30 : memref<!tpu.dma_semaphore, #tpu.memory_space<semaphore_mem>>)
      } else {
      }
      %add3A_301 = arith.constant 64 : i32
      %add3A_302 = arith.addi %add3A_269, %add3A_301 : i32
      %lt3A_303 = arith.constant 5000 : i32
      %lt3A_304 = arith.cmpi slt, %add3A_302, %lt3A_303 : i32
      %convert_element_type3A_305 = arith.extui %lt3A_304 : i1 to i32
      %cond3A_306 = arith.constant 0 : i32
      %cond3A_307 = arith.cmpi ne, %convert_element_type3A_305, %cond3A_306 : i32
      scf.if %cond3A_307 {
        %mul3A_428 = arith.constant 64 : i32
        %mul3A_429 = arith.muli %add3A_302, %mul3A_428 : i32
        %dma_start3A_430 = tpu.memref_slice %arg5[%mul3A_429] : memref<320000xi32, #tpu.memory_space<hbm>> -> memref<64xi32, #tpu.memory_space<hbm>>
        %dma_start3A_431 = tpu.memref_slice %arg5[%mul3A_429] : memref<320000xi32, #tpu.memory_space<hbm>> -> memref<64xi32, #tpu.memory_space<hbm>>
        tpu.enqueue_dma source(%dma_start3A_431 : memref<64xi32, #tpu.memory_space<hbm>>) target(%arg12 : memref<64xi32, #tpu.memory_space<vmem>>) target_semaphore(%arg25 : memref<!tpu.dma_semaphore, #tpu.memory_space<semaphore_mem>>)
        %dma_start3A_432 = tpu.memref_slice %arg6[%mul3A_429] : memref<320000xi32, #tpu.memory_space<hbm>> -> memref<64xi32, #tpu.memory_space<hbm>>
        %dma_start3A_433 = tpu.memref_slice %arg6[%mul3A_429] : memref<320000xi32, #tpu.memory_space<hbm>> -> memref<64xi32, #tpu.memory_space<hbm>>
        tpu.enqueue_dma source(%dma_start3A_433 : memref<64xi32, #tpu.memory_space<hbm>>) target(%arg13 : memref<64xi32, #tpu.memory_space<vmem>>) target_semaphore(%arg25 : memref<!tpu.dma_semaphore, #tpu.memory_space<semaphore_mem>>)
      } else {
      }
      %add3A_308 = arith.constant 32 : i32
      %add3A_309 = arith.addi %add3A_267, %add3A_308 : i32
      %add3A_310 = arith.constant 32 : i32
      %add3A_311 = arith.addi %add3A_309, %add3A_310 : i32
      %lt3A_312 = arith.constant 5000 : i32
      %lt3A_313 = arith.cmpi slt, %add3A_311, %lt3A_312 : i32
      %convert_element_type3A_314 = arith.extui %lt3A_313 : i1 to i32
      %cond3A_315 = arith.constant 0 : i32
      %cond3A_316 = arith.cmpi ne, %convert_element_type3A_314, %cond3A_315 : i32
      scf.if %cond3A_316 {
        %dma_wait3A = arith.constant 0 : i32
        %dma_wait3A_428 = tpu.memref_slice %arg5[%dma_wait3A] : memref<320000xi32, #tpu.memory_space<hbm>> -> memref<64xi32, #tpu.memory_space<hbm>>
        %dma_wait3A_429 = arith.constant 0 : i32
        %dma_wait3A_430 = tpu.memref_slice %arg5[%dma_wait3A_429] : memref<320000xi32, #tpu.memory_space<hbm>> -> memref<64xi32, #tpu.memory_space<hbm>>
        tpu.wait_dma2 semaphore(%arg25 : memref<!tpu.dma_semaphore, #tpu.memory_space<semaphore_mem>>) src(%dma_wait3A_430 : memref<64xi32, #tpu.memory_space<hbm>>) dst(%arg12 : memref<64xi32, #tpu.memory_space<vmem>>)
        %dma_wait3A_431 = arith.constant 0 : i32
        %dma_wait3A_432 = tpu.memref_slice %arg6[%dma_wait3A_431] : memref<320000xi32, #tpu.memory_space<hbm>> -> memref<64xi32, #tpu.memory_space<hbm>>
        %dma_wait3A_433 = arith.constant 0 : i32
        %dma_wait3A_434 = tpu.memref_slice %arg6[%dma_wait3A_433] : memref<320000xi32, #tpu.memory_space<hbm>> -> memref<64xi32, #tpu.memory_space<hbm>>
        tpu.wait_dma2 semaphore(%arg25 : memref<!tpu.dma_semaphore, #tpu.memory_space<semaphore_mem>>) src(%dma_wait3A_434 : memref<64xi32, #tpu.memory_space<hbm>>) dst(%arg13 : memref<64xi32, #tpu.memory_space<vmem>>)
      } else {
      }
      %add3A_317 = arith.constant 32 : i32
      %add3A_318 = arith.addi %add3A_309, %add3A_317 : i32
      %lt3A_319 = arith.constant 5000 : i32
      %lt3A_320 = arith.cmpi slt, %add3A_318, %lt3A_319 : i32
      %convert_element_type3A_321 = arith.extui %lt3A_320 : i1 to i32
      %cond3A_322 = arith.constant 0 : i32
      %cond3A_323 = arith.cmpi ne, %convert_element_type3A_321, %cond3A_322 : i32
      scf.if %cond3A_323 {
        %dma_start3A_428 = arith.constant 0 : i32
        %dma_start3A_429 = arith.constant 0 : i32
        %dma_start3A_430 = tpu.memref_slice %arg2[%dma_start3A_428, %dma_start3A_429] : memref<10000x128xf32, #tpu.memory_space<hbm>> -> memref<10000x128xf32, #tpu.memory_space<hbm>>
        tpu.enqueue_indirect_dma source(%dma_start3A_430 : memref<10000x128xf32, #tpu.memory_space<hbm>>) target(%arg16 : memref<64x128xf32, #tpu.memory_space<vmem>>) offsets(%arg12 : memref<64xi32, #tpu.memory_space<vmem>>) semaphore(%arg27 : memref<!tpu.dma_semaphore, #tpu.memory_space<semaphore_mem>>)
        %dma_start3A_431 = arith.constant 0 : i32
        %dma_start3A_432 = arith.constant 0 : i32
        %dma_start3A_433 = tpu.memref_slice %arg3[%dma_start3A_431, %dma_start3A_432] : memref<10000x128xf32, #tpu.memory_space<hbm>> -> memref<10000x128xf32, #tpu.memory_space<hbm>>
        tpu.enqueue_indirect_dma source(%dma_start3A_433 : memref<10000x128xf32, #tpu.memory_space<hbm>>) target(%arg17 : memref<64x128xf32, #tpu.memory_space<vmem>>) offsets(%arg13 : memref<64xi32, #tpu.memory_space<vmem>>) semaphore(%arg27 : memref<!tpu.dma_semaphore, #tpu.memory_space<semaphore_mem>>)
      } else {
      }
      %lt3A_324 = arith.constant 5000 : i32
      %lt3A_325 = arith.cmpi slt, %add3A_309, %lt3A_324 : i32
      %convert_element_type3A_326 = arith.extui %lt3A_325 : i1 to i32
      %cond3A_327 = arith.constant 0 : i32
      %cond3A_328 = arith.cmpi ne, %convert_element_type3A_326, %cond3A_327 : i32
      scf.if %cond3A_328 {
        %dma_wait3A = arith.constant 0 : i32
        %dma_wait3A_428 = arith.constant 0 : i32
        %dma_wait3A_429 = tpu.memref_slice %arg2[%dma_wait3A, %dma_wait3A_428] : memref<10000x128xf32, #tpu.memory_space<hbm>> -> memref<10000x128xf32, #tpu.memory_space<hbm>>
        tpu.wait_indirect_dma semaphore(%arg28 : memref<!tpu.dma_semaphore, #tpu.memory_space<semaphore_mem>>) src(%dma_wait3A_429 : memref<10000x128xf32, #tpu.memory_space<hbm>>) dst(%arg18 : memref<64x128xf32, #tpu.memory_space<vmem>>)
        %dma_wait3A_430 = arith.constant 0 : i32
        %dma_wait3A_431 = arith.constant 0 : i32
        %dma_wait3A_432 = tpu.memref_slice %arg3[%dma_wait3A_430, %dma_wait3A_431] : memref<10000x128xf32, #tpu.memory_space<hbm>> -> memref<10000x128xf32, #tpu.memory_space<hbm>>
        tpu.wait_indirect_dma semaphore(%arg28 : memref<!tpu.dma_semaphore, #tpu.memory_space<semaphore_mem>>) src(%dma_wait3A_432 : memref<10000x128xf32, #tpu.memory_space<hbm>>) dst(%arg19 : memref<64x128xf32, #tpu.memory_space<vmem>>)
      } else {
      }
      %lt3A_329 = arith.constant 5000 : i32
      %lt3A_330 = arith.cmpi slt, %add3A_309, %lt3A_329 : i32
      %convert_element_type3A_331 = arith.extui %lt3A_330 : i1 to i32
      %cond3A_332 = arith.constant 0 : i32
      %cond3A_333 = arith.cmpi ne, %convert_element_type3A_331, %cond3A_332 : i32
      scf.if %cond3A_333 {
        %dma_wait3A = arith.constant 0 : i32
        %dma_wait3A_428 = arith.constant 0 : i32
        %dma_wait3A_429 = tpu.memref_slice %arg4[%dma_wait3A, %dma_wait3A_428] : memref<320000x128xf32, #tpu.memory_space<hbm>> -> memref<64x128xf32, #tpu.memory_space<hbm>>
        %dma_wait3A_430 = arith.constant 0 : i32
        %dma_wait3A_431 = arith.constant 0 : i32
        %dma_wait3A_432 = tpu.memref_slice %arg4[%dma_wait3A_430, %dma_wait3A_431] : memref<320000x128xf32, #tpu.memory_space<hbm>> -> memref<64x128xf32, #tpu.memory_space<hbm>>
        tpu.wait_dma2 semaphore(%arg30 : memref<!tpu.dma_semaphore, #tpu.memory_space<semaphore_mem>>) src(%dma_wait3A_432 : memref<64x128xf32, #tpu.memory_space<hbm>>) dst(%arg21 : memref<64x128xf32, #tpu.memory_space<vmem>>)
        %scan3A_433 = arith.constant 0 : i32
        %scan3A_434 = arith.constant 0 : i32
        %scan3A_435 = arith.constant 64 : i32
        %scan3A_436 = arith.addi %scan3A_434, %scan3A_435 : i32
        %scan3A_437 = arith.constant 1 : i32
        scf.for %scan3A_442 = %scan3A_434 to %scan3A_436 step %scan3A_437  : i32 {
          %get3A = arith.index_cast %scan3A_442 : i32 to index
          %get3A_443 = arith.constant 0 : index
          %get3A_444 = tpu.vector_load %arg18[%get3A, %get3A_443] {strides = array<i32>} : memref<64x128xf32, #tpu.memory_space<vmem>>, vector<16xf32>,
          %get3A_445 = arith.index_cast %scan3A_442 : i32 to index
          %get3A_446 = arith.constant 0 : index
          %get3A_447 = tpu.vector_load %arg19[%get3A_445, %get3A_446] {strides = array<i32>} : memref<64x128xf32, #tpu.memory_space<vmem>>, vector<16xf32>,
          %add3A_448 = arith.addf %get3A_444, %get3A_447 : vector<16xf32>
          %get3A_449 = arith.index_cast %scan3A_442 : i32 to index
          %get3A_450 = arith.constant 0 : index
          %get3A_451 = tpu.vector_load %arg21[%get3A_449, %get3A_450] {strides = array<i32>} : memref<64x128xf32, #tpu.memory_space<vmem>>, vector<16xf32>,
          %add3A_452 = arith.addf %add3A_448, %get3A_451 : vector<16xf32>
          %max3A = arith.constant 0.000000e+00 : f32
          %max3A_453 = vector.broadcast %max3A : f32 to vector<16xf32>
          %max3A_454 = arith.maximumf %add3A_452, %max3A_453 : vector<16xf32>
          %swap3A = arith.index_cast %scan3A_442 : i32 to index
          %swap3A_455 = arith.constant 0 : index
          %swap3A_456 = tpu.vector_load %arg21[%swap3A, %swap3A_455] {strides = array<i32>} : memref<64x128xf32, #tpu.memory_space<vmem>>, vector<16xf32>,
          tpu.vector_store %arg21[%swap3A, %swap3A_455], %max3A_454 {strides = array<i32>} : memref<64x128xf32, #tpu.memory_space<vmem>>, vector<16xf32>,
          %get3A_457 = arith.index_cast %scan3A_442 : i32 to index
          %get3A_458 = arith.constant 16 : index
          %get3A_459 = tpu.vector_load %arg18[%get3A_457, %get3A_458] {strides = array<i32>} : memref<64x128xf32, #tpu.memory_space<vmem>>, vector<16xf32>,
          %get3A_460 = arith.index_cast %scan3A_442 : i32 to index
          %get3A_461 = arith.constant 16 : index
          %get3A_462 = tpu.vector_load %arg19[%get3A_460, %get3A_461] {strides = array<i32>} : memref<64x128xf32, #tpu.memory_space<vmem>>, vector<16xf32>,
          %add3A_463 = arith.addf %get3A_459, %get3A_462 : vector<16xf32>
          %get3A_464 = arith.index_cast %scan3A_442 : i32 to index
          %get3A_465 = arith.constant 16 : index
          %get3A_466 = tpu.vector_load %arg21[%get3A_464, %get3A_465] {strides = array<i32>} : memref<64x128xf32, #tpu.memory_space<vmem>>, vector<16xf32>,
          %add3A_467 = arith.addf %add3A_463, %get3A_466 : vector<16xf32>
          %max3A_468 = arith.constant 0.000000e+00 : f32
          %max3A_469 = vector.broadcast %max3A_468 : f32 to vector<16xf32>
          %max3A_470 = arith.maximumf %add3A_467, %max3A_469 : vector<16xf32>
          %swap3A_471 = arith.index_cast %scan3A_442 : i32 to index
          %swap3A_472 = arith.constant 16 : index
          %swap3A_473 = tpu.vector_load %arg21[%swap3A_471, %swap3A_472] {strides = array<i32>} : memref<64x128xf32, #tpu.memory_space<vmem>>, vector<16xf32>,
          tpu.vector_store %arg21[%swap3A_471, %swap3A_472], %max3A_470 {strides = array<i32>} : memref<64x128xf32, #tpu.memory_space<vmem>>, vector<16xf32>,
          %get3A_474 = arith.index_cast %scan3A_442 : i32 to index
          %get3A_475 = arith.constant 32 : index
          %get3A_476 = tpu.vector_load %arg18[%get3A_474, %get3A_475] {strides = array<i32>} : memref<64x128xf32, #tpu.memory_space<vmem>>, vector<16xf32>,
          %get3A_477 = arith.index_cast %scan3A_442 : i32 to index
          %get3A_478 = arith.constant 32 : index
          %get3A_479 = tpu.vector_load %arg19[%get3A_477, %get3A_478] {strides = array<i32>} : memref<64x128xf32, #tpu.memory_space<vmem>>, vector<16xf32>,
          %add3A_480 = arith.addf %get3A_476, %get3A_479 : vector<16xf32>
          %get3A_481 = arith.index_cast %scan3A_442 : i32 to index
          %get3A_482 = arith.constant 32 : index
          %get3A_483 = tpu.vector_load %arg21[%get3A_481, %get3A_482] {strides = array<i32>} : memref<64x128xf32, #tpu.memory_space<vmem>>, vector<16xf32>,
          %add3A_484 = arith.addf %add3A_480, %get3A_483 : vector<16xf32>
          %max3A_485 = arith.constant 0.000000e+00 : f32
          %max3A_486 = vector.broadcast %max3A_485 : f32 to vector<16xf32>
          %max3A_487 = arith.maximumf %add3A_484, %max3A_486 : vector<16xf32>
          %swap3A_488 = arith.index_cast %scan3A_442 : i32 to index
          %swap3A_489 = arith.constant 32 : index
          %swap3A_490 = tpu.vector_load %arg21[%swap3A_488, %swap3A_489] {strides = array<i32>} : memref<64x128xf32, #tpu.memory_space<vmem>>, vector<16xf32>,
          tpu.vector_store %arg21[%swap3A_488, %swap3A_489], %max3A_487 {strides = array<i32>} : memref<64x128xf32, #tpu.memory_space<vmem>>, vector<16xf32>,
          %get3A_491 = arith.index_cast %scan3A_442 : i32 to index
          %get3A_492 = arith.constant 48 : index
          %get3A_493 = tpu.vector_load %arg18[%get3A_491, %get3A_492] {strides = array<i32>} : memref<64x128xf32, #tpu.memory_space<vmem>>, vector<16xf32>,
          %get3A_494 = arith.index_cast %scan3A_442 : i32 to index
          %get3A_495 = arith.constant 48 : index
          %get3A_496 = tpu.vector_load %arg19[%get3A_494, %get3A_495] {strides = array<i32>} : memref<64x128xf32, #tpu.memory_space<vmem>>, vector<16xf32>,
          %add3A_497 = arith.addf %get3A_493, %get3A_496 : vector<16xf32>
          %get3A_498 = arith.index_cast %scan3A_442 : i32 to index
          %get3A_499 = arith.constant 48 : index
          %get3A_500 = tpu.vector_load %arg21[%get3A_498, %get3A_499] {strides = array<i32>} : memref<64x128xf32, #tpu.memory_space<vmem>>, vector<16xf32>,
          %add3A_501 = arith.addf %add3A_497, %get3A_500 : vector<16xf32>
          %max3A_502 = arith.constant 0.000000e+00 : f32
          %max3A_503 = vector.broadcast %max3A_502 : f32 to vector<16xf32>
          %max3A_504 = arith.maximumf %add3A_501, %max3A_503 : vector<16xf32>
          %swap3A_505 = arith.index_cast %scan3A_442 : i32 to index
          %swap3A_506 = arith.constant 48 : index
          %swap3A_507 = tpu.vector_load %arg21[%swap3A_505, %swap3A_506] {strides = array<i32>} : memref<64x128xf32, #tpu.memory_space<vmem>>, vector<16xf32>,
          tpu.vector_store %arg21[%swap3A_505, %swap3A_506], %max3A_504 {strides = array<i32>} : memref<64x128xf32, #tpu.memory_space<vmem>>, vector<16xf32>,
          %get3A_508 = arith.index_cast %scan3A_442 : i32 to index
          %get3A_509 = arith.constant 64 : index
          %get3A_510 = tpu.vector_load %arg18[%get3A_508, %get3A_509] {strides = array<i32>} : memref<64x128xf32, #tpu.memory_space<vmem>>, vector<16xf32>,
          %get3A_511 = arith.index_cast %scan3A_442 : i32 to index
          %get3A_512 = arith.constant 64 : index
          %get3A_513 = tpu.vector_load %arg19[%get3A_511, %get3A_512] {strides = array<i32>} : memref<64x128xf32, #tpu.memory_space<vmem>>, vector<16xf32>,
          %add3A_514 = arith.addf %get3A_510, %get3A_513 : vector<16xf32>
          %get3A_515 = arith.index_cast %scan3A_442 : i32 to index
          %get3A_516 = arith.constant 64 : index
          %get3A_517 = tpu.vector_load %arg21[%get3A_515, %get3A_516] {strides = array<i32>} : memref<64x128xf32, #tpu.memory_space<vmem>>, vector<16xf32>,
          %add3A_518 = arith.addf %add3A_514, %get3A_517 : vector<16xf32>
          %max3A_519 = arith.constant 0.000000e+00 : f32
          %max3A_520 = vector.broadcast %max3A_519 : f32 to vector<16xf32>
          %max3A_521 = arith.maximumf %add3A_518, %max3A_520 : vector<16xf32>
          %swap3A_522 = arith.index_cast %scan3A_442 : i32 to index
          %swap3A_523 = arith.constant 64 : index
          %swap3A_524 = tpu.vector_load %arg21[%swap3A_522, %swap3A_523] {strides = array<i32>} : memref<64x128xf32, #tpu.memory_space<vmem>>, vector<16xf32>,
          tpu.vector_store %arg21[%swap3A_522, %swap3A_523], %max3A_521 {strides = array<i32>} : memref<64x128xf32, #tpu.memory_space<vmem>>, vector<16xf32>,
          %get3A_525 = arith.index_cast %scan3A_442 : i32 to index
          %get3A_526 = arith.constant 80 : index
          %get3A_527 = tpu.vector_load %arg18[%get3A_525, %get3A_526] {strides = array<i32>} : memref<64x128xf32, #tpu.memory_space<vmem>>, vector<16xf32>,
          %get3A_528 = arith.index_cast %scan3A_442 : i32 to index
          %get3A_529 = arith.constant 80 : index
          %get3A_530 = tpu.vector_load %arg19[%get3A_528, %get3A_529] {strides = array<i32>} : memref<64x128xf32, #tpu.memory_space<vmem>>, vector<16xf32>,
          %add3A_531 = arith.addf %get3A_527, %get3A_530 : vector<16xf32>
          %get3A_532 = arith.index_cast %scan3A_442 : i32 to index
          %get3A_533 = arith.constant 80 : index
          %get3A_534 = tpu.vector_load %arg21[%get3A_532, %get3A_533] {strides = array<i32>} : memref<64x128xf32, #tpu.memory_space<vmem>>, vector<16xf32>,
          %add3A_535 = arith.addf %add3A_531, %get3A_534 : vector<16xf32>
          %max3A_536 = arith.constant 0.000000e+00 : f32
          %max3A_537 = vector.broadcast %max3A_536 : f32 to vector<16xf32>
          %max3A_538 = arith.maximumf %add3A_535, %max3A_537 : vector<16xf32>
          %swap3A_539 = arith.index_cast %scan3A_442 : i32 to index
          %swap3A_540 = arith.constant 80 : index
          %swap3A_541 = tpu.vector_load %arg21[%swap3A_539, %swap3A_540] {strides = array<i32>} : memref<64x128xf32, #tpu.memory_space<vmem>>, vector<16xf32>,
          tpu.vector_store %arg21[%swap3A_539, %swap3A_540], %max3A_538 {strides = array<i32>} : memref<64x128xf32, #tpu.memory_space<vmem>>, vector<16xf32>,
          %get3A_542 = arith.index_cast %scan3A_442 : i32 to index
          %get3A_543 = arith.constant 96 : index
          %get3A_544 = tpu.vector_load %arg18[%get3A_542, %get3A_543] {strides = array<i32>} : memref<64x128xf32, #tpu.memory_space<vmem>>, vector<16xf32>,
          %get3A_545 = arith.index_cast %scan3A_442 : i32 to index
          %get3A_546 = arith.constant 96 : index
          %get3A_547 = tpu.vector_load %arg19[%get3A_545, %get3A_546] {strides = array<i32>} : memref<64x128xf32, #tpu.memory_space<vmem>>, vector<16xf32>,
          %add3A_548 = arith.addf %get3A_544, %get3A_547 : vector<16xf32>
          %get3A_549 = arith.index_cast %scan3A_442 : i32 to index
          %get3A_550 = arith.constant 96 : index
          %get3A_551 = tpu.vector_load %arg21[%get3A_549, %get3A_550] {strides = array<i32>} : memref<64x128xf32, #tpu.memory_space<vmem>>, vector<16xf32>,
          %add3A_552 = arith.addf %add3A_548, %get3A_551 : vector<16xf32>
          %max3A_553 = arith.constant 0.000000e+00 : f32
          %max3A_554 = vector.broadcast %max3A_553 : f32 to vector<16xf32>
          %max3A_555 = arith.maximumf %add3A_552, %max3A_554 : vector<16xf32>
          %swap3A_556 = arith.index_cast %scan3A_442 : i32 to index
          %swap3A_557 = arith.constant 96 : index
          %swap3A_558 = tpu.vector_load %arg21[%swap3A_556, %swap3A_557] {strides = array<i32>} : memref<64x128xf32, #tpu.memory_space<vmem>>, vector<16xf32>,
          tpu.vector_store %arg21[%swap3A_556, %swap3A_557], %max3A_555 {strides = array<i32>} : memref<64x128xf32, #tpu.memory_space<vmem>>, vector<16xf32>,
          %get3A_559 = arith.index_cast %scan3A_442 : i32 to index
          %get3A_560 = arith.constant 112 : index
          %get3A_561 = tpu.vector_load %arg18[%get3A_559, %get3A_560] {strides = array<i32>} : memref<64x128xf32, #tpu.memory_space<vmem>>, vector<16xf32>,
          %get3A_562 = arith.index_cast %scan3A_442 : i32 to index
          %get3A_563 = arith.constant 112 : index
          %get3A_564 = tpu.vector_load %arg19[%get3A_562, %get3A_563] {strides = array<i32>} : memref<64x128xf32, #tpu.memory_space<vmem>>, vector<16xf32>,
          %add3A_565 = arith.addf %get3A_561, %get3A_564 : vector<16xf32>
          %get3A_566 = arith.index_cast %scan3A_442 : i32 to index
          %get3A_567 = arith.constant 112 : index
          %get3A_568 = tpu.vector_load %arg21[%get3A_566, %get3A_567] {strides = array<i32>} : memref<64x128xf32, #tpu.memory_space<vmem>>, vector<16xf32>,
          %add3A_569 = arith.addf %add3A_565, %get3A_568 : vector<16xf32>
          %max3A_570 = arith.constant 0.000000e+00 : f32
          %max3A_571 = vector.broadcast %max3A_570 : f32 to vector<16xf32>
          %max3A_572 = arith.maximumf %add3A_569, %max3A_571 : vector<16xf32>
          %swap3A_573 = arith.index_cast %scan3A_442 : i32 to index
          %swap3A_574 = arith.constant 112 : index
          %swap3A_575 = tpu.vector_load %arg21[%swap3A_573, %swap3A_574] {strides = array<i32>} : memref<64x128xf32, #tpu.memory_space<vmem>>, vector<16xf32>,
          tpu.vector_store %arg21[%swap3A_573, %swap3A_574], %max3A_572 {strides = array<i32>} : memref<64x128xf32, #tpu.memory_space<vmem>>, vector<16xf32>,
        }
        %scan3A_438 = arith.constant 64 : i32
        %dma_start3A_439 = arith.constant 0 : i32
        %dma_start3A_440 = arith.constant 0 : i32
        %dma_start3A_441 = tpu.memref_slice %arg22[%dma_start3A_439, %dma_start3A_440] : memref<10000x128xf32, #tpu.memory_space<vmem_shared>> -> memref<10000x128xf32, #tpu.memory_space<vmem_shared>>
        tpu.enqueue_indirect_dma source(%arg21 : memref<64x128xf32, #tpu.memory_space<vmem>>) target(%dma_start3A_441 : memref<10000x128xf32, #tpu.memory_space<vmem_shared>>) offsets(%arg11 : memref<64xi32, #tpu.memory_space<vmem>>) semaphore(%arg32 : memref<!tpu.dma_semaphore, #tpu.memory_space<semaphore_mem>>) {add = true}
      } else {
      }
      %add3A_334 = arith.constant 32 : i32
      %add3A_335 = arith.addi %add3A_309, %add3A_334 : i32
      %lt3A_336 = arith.constant 5000 : i32
      %lt3A_337 = arith.cmpi slt, %add3A_335, %lt3A_336 : i32
      %convert_element_type3A_338 = arith.extui %lt3A_337 : i1 to i32
      %cond3A_339 = arith.constant 0 : i32
      %cond3A_340 = arith.cmpi ne, %convert_element_type3A_338, %cond3A_339 : i32
      scf.if %cond3A_340 {
        %ge3A_428 = arith.constant 32 : i32
        %ge3A_429 = arith.cmpi sge, %add3A_309, %ge3A_428 : i32
        %convert_element_type3A_430 = arith.extui %ge3A_429 : i1 to i32
        %cond3A_431 = arith.constant 0 : i32
        %cond3A_432 = arith.cmpi ne, %convert_element_type3A_430, %cond3A_431 : i32
        scf.if %cond3A_432 {
          %dma_wait3A = arith.constant 0 : i32
          %dma_wait3A_441 = arith.constant 0 : i32
          %dma_wait3A_442 = tpu.memref_slice %arg22[%dma_wait3A, %dma_wait3A_441] : memref<10000x128xf32, #tpu.memory_space<vmem_shared>> -> memref<10000x128xf32, #tpu.memory_space<vmem_shared>>
          tpu.wait_indirect_dma semaphore(%arg31 : memref<!tpu.dma_semaphore, #tpu.memory_space<semaphore_mem>>) src(%arg20 : memref<64x128xf32, #tpu.memory_space<vmem>>) dst(%dma_wait3A_442 : memref<10000x128xf32, #tpu.memory_space<vmem_shared>>)
        } else {
        }
        %add3A_433 = arith.constant 32 : i32
        %add3A_434 = arith.addi %add3A_309, %add3A_433 : i32
        %mul3A_435 = arith.constant 64 : i32
        %mul3A_436 = arith.muli %add3A_434, %mul3A_435 : i32
        %dma_start3A_437 = arith.constant 0 : i32
        %dma_start3A_438 = tpu.memref_slice %arg4[%mul3A_436, %dma_start3A_437] : memref<320000x128xf32, #tpu.memory_space<hbm>> -> memref<64x128xf32, #tpu.memory_space<hbm>>
        %dma_start3A_439 = arith.constant 0 : i32
        %dma_start3A_440 = tpu.memref_slice %arg4[%mul3A_436, %dma_start3A_439] : memref<320000x128xf32, #tpu.memory_space<hbm>> -> memref<64x128xf32, #tpu.memory_space<hbm>>
        tpu.enqueue_dma source(%dma_start3A_440 : memref<64x128xf32, #tpu.memory_space<hbm>>) target(%arg20 : memref<64x128xf32, #tpu.memory_space<vmem>>) target_semaphore(%arg29 : memref<!tpu.dma_semaphore, #tpu.memory_space<semaphore_mem>>)
      } else {
      }
      %add3A_341 = arith.constant 64 : i32
      %add3A_342 = arith.addi %add3A_309, %add3A_341 : i32
      %lt3A_343 = arith.constant 5000 : i32
      %lt3A_344 = arith.cmpi slt, %add3A_342, %lt3A_343 : i32
      %convert_element_type3A_345 = arith.extui %lt3A_344 : i1 to i32
      %cond3A_346 = arith.constant 0 : i32
      %cond3A_347 = arith.cmpi ne, %convert_element_type3A_345, %cond3A_346 : i32
      scf.if %cond3A_347 {
        %mul3A_428 = arith.constant 64 : i32
        %mul3A_429 = arith.muli %add3A_342, %mul3A_428 : i32
        %dma_start3A_430 = tpu.memref_slice %arg5[%mul3A_429] : memref<320000xi32, #tpu.memory_space<hbm>> -> memref<64xi32, #tpu.memory_space<hbm>>
        %dma_start3A_431 = tpu.memref_slice %arg5[%mul3A_429] : memref<320000xi32, #tpu.memory_space<hbm>> -> memref<64xi32, #tpu.memory_space<hbm>>
        tpu.enqueue_dma source(%dma_start3A_431 : memref<64xi32, #tpu.memory_space<hbm>>) target(%arg14 : memref<64xi32, #tpu.memory_space<vmem>>) target_semaphore(%arg26 : memref<!tpu.dma_semaphore, #tpu.memory_space<semaphore_mem>>)
        %dma_start3A_432 = tpu.memref_slice %arg6[%mul3A_429] : memref<320000xi32, #tpu.memory_space<hbm>> -> memref<64xi32, #tpu.memory_space<hbm>>
        %dma_start3A_433 = tpu.memref_slice %arg6[%mul3A_429] : memref<320000xi32, #tpu.memory_space<hbm>> -> memref<64xi32, #tpu.memory_space<hbm>>
        tpu.enqueue_dma source(%dma_start3A_433 : memref<64xi32, #tpu.memory_space<hbm>>) target(%arg15 : memref<64xi32, #tpu.memory_space<vmem>>) target_semaphore(%arg26 : memref<!tpu.dma_semaphore, #tpu.memory_space<semaphore_mem>>)
      } else {
      }
      %add3A_348 = arith.constant 64 : i32
      %add3A_349 = arith.addi %add3A_267, %add3A_348 : i32
      %add3A_350 = arith.constant 32 : i32
      %add3A_351 = arith.addi %add3A_349, %add3A_350 : i32
      %lt3A_352 = arith.constant 5000 : i32
      %lt3A_353 = arith.cmpi slt, %add3A_351, %lt3A_352 : i32
      %convert_element_type3A_354 = arith.extui %lt3A_353 : i1 to i32
      %cond3A_355 = arith.constant 0 : i32
      %cond3A_356 = arith.cmpi ne, %convert_element_type3A_354, %cond3A_355 : i32
      scf.if %cond3A_356 {
        %dma_wait3A = arith.constant 0 : i32
        %dma_wait3A_428 = tpu.memref_slice %arg5[%dma_wait3A] : memref<320000xi32, #tpu.memory_space<hbm>> -> memref<64xi32, #tpu.memory_space<hbm>>
        %dma_wait3A_429 = arith.constant 0 : i32
        %dma_wait3A_430 = tpu.memref_slice %arg5[%dma_wait3A_429] : memref<320000xi32, #tpu.memory_space<hbm>> -> memref<64xi32, #tpu.memory_space<hbm>>
        tpu.wait_dma2 semaphore(%arg26 : memref<!tpu.dma_semaphore, #tpu.memory_space<semaphore_mem>>) src(%dma_wait3A_430 : memref<64xi32, #tpu.memory_space<hbm>>) dst(%arg14 : memref<64xi32, #tpu.memory_space<vmem>>)
        %dma_wait3A_431 = arith.constant 0 : i32
        %dma_wait3A_432 = tpu.memref_slice %arg6[%dma_wait3A_431] : memref<320000xi32, #tpu.memory_space<hbm>> -> memref<64xi32, #tpu.memory_space<hbm>>
        %dma_wait3A_433 = arith.constant 0 : i32
        %dma_wait3A_434 = tpu.memref_slice %arg6[%dma_wait3A_433] : memref<320000xi32, #tpu.memory_space<hbm>> -> memref<64xi32, #tpu.memory_space<hbm>>
        tpu.wait_dma2 semaphore(%arg26 : memref<!tpu.dma_semaphore, #tpu.memory_space<semaphore_mem>>) src(%dma_wait3A_434 : memref<64xi32, #tpu.memory_space<hbm>>) dst(%arg15 : memref<64xi32, #tpu.memory_space<vmem>>)
      } else {
      }
      %add3A_357 = arith.constant 32 : i32
      %add3A_358 = arith.addi %add3A_349, %add3A_357 : i32
      %lt3A_359 = arith.constant 5000 : i32
      %lt3A_360 = arith.cmpi slt, %add3A_358, %lt3A_359 : i32
      %convert_element_type3A_361 = arith.extui %lt3A_360 : i1 to i32
      %cond3A_362 = arith.constant 0 : i32
      %cond3A_363 = arith.cmpi ne, %convert_element_type3A_361, %cond3A_362 : i32
      scf.if %cond3A_363 {
        %dma_start3A_428 = arith.constant 0 : i32
        %dma_start3A_429 = arith.constant 0 : i32
        %dma_start3A_430 = tpu.memref_slice %arg2[%dma_start3A_428, %dma_start3A_429] : memref<10000x128xf32, #tpu.memory_space<hbm>> -> memref<10000x128xf32, #tpu.memory_space<hbm>>
        tpu.enqueue_indirect_dma source(%dma_start3A_430 : memref<10000x128xf32, #tpu.memory_space<hbm>>) target(%arg18 : memref<64x128xf32, #tpu.memory_space<vmem>>) offsets(%arg14 : memref<64xi32, #tpu.memory_space<vmem>>) semaphore(%arg28 : memref<!tpu.dma_semaphore, #tpu.memory_space<semaphore_mem>>)
        %dma_start3A_431 = arith.constant 0 : i32
        %dma_start3A_432 = arith.constant 0 : i32
        %dma_start3A_433 = tpu.memref_slice %arg3[%dma_start3A_431, %dma_start3A_432] : memref<10000x128xf32, #tpu.memory_space<hbm>> -> memref<10000x128xf32, #tpu.memory_space<hbm>>
        tpu.enqueue_indirect_dma source(%dma_start3A_433 : memref<10000x128xf32, #tpu.memory_space<hbm>>) target(%arg19 : memref<64x128xf32, #tpu.memory_space<vmem>>) offsets(%arg15 : memref<64xi32, #tpu.memory_space<vmem>>) semaphore(%arg28 : memref<!tpu.dma_semaphore, #tpu.memory_space<semaphore_mem>>)
      } else {
      }
      %lt3A_364 = arith.constant 5000 : i32
      %lt3A_365 = arith.cmpi slt, %add3A_349, %lt3A_364 : i32
      %convert_element_type3A_366 = arith.extui %lt3A_365 : i1 to i32
      %cond3A_367 = arith.constant 0 : i32
      %cond3A_368 = arith.cmpi ne, %convert_element_type3A_366, %cond3A_367 : i32
      scf.if %cond3A_368 {
        %dma_wait3A = arith.constant 0 : i32
        %dma_wait3A_428 = arith.constant 0 : i32
        %dma_wait3A_429 = tpu.memref_slice %arg2[%dma_wait3A, %dma_wait3A_428] : memref<10000x128xf32, #tpu.memory_space<hbm>> -> memref<10000x128xf32, #tpu.memory_space<hbm>>
        tpu.wait_indirect_dma semaphore(%arg27 : memref<!tpu.dma_semaphore, #tpu.memory_space<semaphore_mem>>) src(%dma_wait3A_429 : memref<10000x128xf32, #tpu.memory_space<hbm>>) dst(%arg16 : memref<64x128xf32, #tpu.memory_space<vmem>>)
        %dma_wait3A_430 = arith.constant 0 : i32
        %dma_wait3A_431 = arith.constant 0 : i32
        %dma_wait3A_432 = tpu.memref_slice %arg3[%dma_wait3A_430, %dma_wait3A_431] : memref<10000x128xf32, #tpu.memory_space<hbm>> -> memref<10000x128xf32, #tpu.memory_space<hbm>>
        tpu.wait_indirect_dma semaphore(%arg27 : memref<!tpu.dma_semaphore, #tpu.memory_space<semaphore_mem>>) src(%dma_wait3A_432 : memref<10000x128xf32, #tpu.memory_space<hbm>>) dst(%arg17 : memref<64x128xf32, #tpu.memory_space<vmem>>)
      } else {
      }
      %lt3A_369 = arith.constant 5000 : i32
      %lt3A_370 = arith.cmpi slt, %add3A_349, %lt3A_369 : i32
      %convert_element_type3A_371 = arith.extui %lt3A_370 : i1 to i32
      %cond3A_372 = arith.constant 0 : i32
      %cond3A_373 = arith.cmpi ne, %convert_element_type3A_371, %cond3A_372 : i32
      scf.if %cond3A_373 {
        %dma_wait3A = arith.constant 0 : i32
        %dma_wait3A_428 = arith.constant 0 : i32
        %dma_wait3A_429 = tpu.memref_slice %arg4[%dma_wait3A, %dma_wait3A_428] : memref<320000x128xf32, #tpu.memory_space<hbm>> -> memref<64x128xf32, #tpu.memory_space<hbm>>
        %dma_wait3A_430 = arith.constant 0 : i32
        %dma_wait3A_431 = arith.constant 0 : i32
        %dma_wait3A_432 = tpu.memref_slice %arg4[%dma_wait3A_430, %dma_wait3A_431] : memref<320000x128xf32, #tpu.memory_space<hbm>> -> memref<64x128xf32, #tpu.memory_space<hbm>>
        tpu.wait_dma2 semaphore(%arg29 : memref<!tpu.dma_semaphore, #tpu.memory_space<semaphore_mem>>) src(%dma_wait3A_432 : memref<64x128xf32, #tpu.memory_space<hbm>>) dst(%arg20 : memref<64x128xf32, #tpu.memory_space<vmem>>)
        %scan3A_433 = arith.constant 0 : i32
        %scan3A_434 = arith.constant 0 : i32
        %scan3A_435 = arith.constant 64 : i32
        %scan3A_436 = arith.addi %scan3A_434, %scan3A_435 : i32
        %scan3A_437 = arith.constant 1 : i32
        scf.for %scan3A_442 = %scan3A_434 to %scan3A_436 step %scan3A_437  : i32 {
          %get3A = arith.index_cast %scan3A_442 : i32 to index
          %get3A_443 = arith.constant 0 : index
          %get3A_444 = tpu.vector_load %arg16[%get3A, %get3A_443] {strides = array<i32>} : memref<64x128xf32, #tpu.memory_space<vmem>>, vector<16xf32>,
          %get3A_445 = arith.index_cast %scan3A_442 : i32 to index
          %get3A_446 = arith.constant 0 : index
          %get3A_447 = tpu.vector_load %arg17[%get3A_445, %get3A_446] {strides = array<i32>} : memref<64x128xf32, #tpu.memory_space<vmem>>, vector<16xf32>,
          %add3A_448 = arith.addf %get3A_444, %get3A_447 : vector<16xf32>
          %get3A_449 = arith.index_cast %scan3A_442 : i32 to index
          %get3A_450 = arith.constant 0 : index
          %get3A_451 = tpu.vector_load %arg20[%get3A_449, %get3A_450] {strides = array<i32>} : memref<64x128xf32, #tpu.memory_space<vmem>>, vector<16xf32>,
          %add3A_452 = arith.addf %add3A_448, %get3A_451 : vector<16xf32>
          %max3A = arith.constant 0.000000e+00 : f32
          %max3A_453 = vector.broadcast %max3A : f32 to vector<16xf32>
          %max3A_454 = arith.maximumf %add3A_452, %max3A_453 : vector<16xf32>
          %swap3A = arith.index_cast %scan3A_442 : i32 to index
          %swap3A_455 = arith.constant 0 : index
          %swap3A_456 = tpu.vector_load %arg20[%swap3A, %swap3A_455] {strides = array<i32>} : memref<64x128xf32, #tpu.memory_space<vmem>>, vector<16xf32>,
          tpu.vector_store %arg20[%swap3A, %swap3A_455], %max3A_454 {strides = array<i32>} : memref<64x128xf32, #tpu.memory_space<vmem>>, vector<16xf32>,
          %get3A_457 = arith.index_cast %scan3A_442 : i32 to index
          %get3A_458 = arith.constant 16 : index
          %get3A_459 = tpu.vector_load %arg16[%get3A_457, %get3A_458] {strides = array<i32>} : memref<64x128xf32, #tpu.memory_space<vmem>>, vector<16xf32>,
          %get3A_460 = arith.index_cast %scan3A_442 : i32 to index
          %get3A_461 = arith.constant 16 : index
          %get3A_462 = tpu.vector_load %arg17[%get3A_460, %get3A_461] {strides = array<i32>} : memref<64x128xf32, #tpu.memory_space<vmem>>, vector<16xf32>,
          %add3A_463 = arith.addf %get3A_459, %get3A_462 : vector<16xf32>
          %get3A_464 = arith.index_cast %scan3A_442 : i32 to index
          %get3A_465 = arith.constant 16 : index
          %get3A_466 = tpu.vector_load %arg20[%get3A_464, %get3A_465] {strides = array<i32>} : memref<64x128xf32, #tpu.memory_space<vmem>>, vector<16xf32>,
          %add3A_467 = arith.addf %add3A_463, %get3A_466 : vector<16xf32>
          %max3A_468 = arith.constant 0.000000e+00 : f32
          %max3A_469 = vector.broadcast %max3A_468 : f32 to vector<16xf32>
          %max3A_470 = arith.maximumf %add3A_467, %max3A_469 : vector<16xf32>
          %swap3A_471 = arith.index_cast %scan3A_442 : i32 to index
          %swap3A_472 = arith.constant 16 : index
          %swap3A_473 = tpu.vector_load %arg20[%swap3A_471, %swap3A_472] {strides = array<i32>} : memref<64x128xf32, #tpu.memory_space<vmem>>, vector<16xf32>,
          tpu.vector_store %arg20[%swap3A_471, %swap3A_472], %max3A_470 {strides = array<i32>} : memref<64x128xf32, #tpu.memory_space<vmem>>, vector<16xf32>,
          %get3A_474 = arith.index_cast %scan3A_442 : i32 to index
          %get3A_475 = arith.constant 32 : index
          %get3A_476 = tpu.vector_load %arg16[%get3A_474, %get3A_475] {strides = array<i32>} : memref<64x128xf32, #tpu.memory_space<vmem>>, vector<16xf32>,
          %get3A_477 = arith.index_cast %scan3A_442 : i32 to index
          %get3A_478 = arith.constant 32 : index
          %get3A_479 = tpu.vector_load %arg17[%get3A_477, %get3A_478] {strides = array<i32>} : memref<64x128xf32, #tpu.memory_space<vmem>>, vector<16xf32>,
          %add3A_480 = arith.addf %get3A_476, %get3A_479 : vector<16xf32>
          %get3A_481 = arith.index_cast %scan3A_442 : i32 to index
          %get3A_482 = arith.constant 32 : index
          %get3A_483 = tpu.vector_load %arg20[%get3A_481, %get3A_482] {strides = array<i32>} : memref<64x128xf32, #tpu.memory_space<vmem>>, vector<16xf32>,
          %add3A_484 = arith.addf %add3A_480, %get3A_483 : vector<16xf32>
          %max3A_485 = arith.constant 0.000000e+00 : f32
          %max3A_486 = vector.broadcast %max3A_485 : f32 to vector<16xf32>
          %max3A_487 = arith.maximumf %add3A_484, %max3A_486 : vector<16xf32>
          %swap3A_488 = arith.index_cast %scan3A_442 : i32 to index
          %swap3A_489 = arith.constant 32 : index
          %swap3A_490 = tpu.vector_load %arg20[%swap3A_488, %swap3A_489] {strides = array<i32>} : memref<64x128xf32, #tpu.memory_space<vmem>>, vector<16xf32>,
          tpu.vector_store %arg20[%swap3A_488, %swap3A_489], %max3A_487 {strides = array<i32>} : memref<64x128xf32, #tpu.memory_space<vmem>>, vector<16xf32>,
          %get3A_491 = arith.index_cast %scan3A_442 : i32 to index
          %get3A_492 = arith.constant 48 : index
          %get3A_493 = tpu.vector_load %arg16[%get3A_491, %get3A_492] {strides = array<i32>} : memref<64x128xf32, #tpu.memory_space<vmem>>, vector<16xf32>,
          %get3A_494 = arith.index_cast %scan3A_442 : i32 to index
          %get3A_495 = arith.constant 48 : index
          %get3A_496 = tpu.vector_load %arg17[%get3A_494, %get3A_495] {strides = array<i32>} : memref<64x128xf32, #tpu.memory_space<vmem>>, vector<16xf32>,
          %add3A_497 = arith.addf %get3A_493, %get3A_496 : vector<16xf32>
          %get3A_498 = arith.index_cast %scan3A_442 : i32 to index
          %get3A_499 = arith.constant 48 : index
          %get3A_500 = tpu.vector_load %arg20[%get3A_498, %get3A_499] {strides = array<i32>} : memref<64x128xf32, #tpu.memory_space<vmem>>, vector<16xf32>,
          %add3A_501 = arith.addf %add3A_497, %get3A_500 : vector<16xf32>
          %max3A_502 = arith.constant 0.000000e+00 : f32
          %max3A_503 = vector.broadcast %max3A_502 : f32 to vector<16xf32>
          %max3A_504 = arith.maximumf %add3A_501, %max3A_503 : vector<16xf32>
          %swap3A_505 = arith.index_cast %scan3A_442 : i32 to index
          %swap3A_506 = arith.constant 48 : index
          %swap3A_507 = tpu.vector_load %arg20[%swap3A_505, %swap3A_506] {strides = array<i32>} : memref<64x128xf32, #tpu.memory_space<vmem>>, vector<16xf32>,
          tpu.vector_store %arg20[%swap3A_505, %swap3A_506], %max3A_504 {strides = array<i32>} : memref<64x128xf32, #tpu.memory_space<vmem>>, vector<16xf32>,
          %get3A_508 = arith.index_cast %scan3A_442 : i32 to index
          %get3A_509 = arith.constant 64 : index
          %get3A_510 = tpu.vector_load %arg16[%get3A_508, %get3A_509] {strides = array<i32>} : memref<64x128xf32, #tpu.memory_space<vmem>>, vector<16xf32>,
          %get3A_511 = arith.index_cast %scan3A_442 : i32 to index
          %get3A_512 = arith.constant 64 : index
          %get3A_513 = tpu.vector_load %arg17[%get3A_511, %get3A_512] {strides = array<i32>} : memref<64x128xf32, #tpu.memory_space<vmem>>, vector<16xf32>,
          %add3A_514 = arith.addf %get3A_510, %get3A_513 : vector<16xf32>
          %get3A_515 = arith.index_cast %scan3A_442 : i32 to index
          %get3A_516 = arith.constant 64 : index
          %get3A_517 = tpu.vector_load %arg20[%get3A_515, %get3A_516] {strides = array<i32>} : memref<64x128xf32, #tpu.memory_space<vmem>>, vector<16xf32>,
          %add3A_518 = arith.addf %add3A_514, %get3A_517 : vector<16xf32>
          %max3A_519 = arith.constant 0.000000e+00 : f32
          %max3A_520 = vector.broadcast %max3A_519 : f32 to vector<16xf32>
          %max3A_521 = arith.maximumf %add3A_518, %max3A_520 : vector<16xf32>
          %swap3A_522 = arith.index_cast %scan3A_442 : i32 to index
          %swap3A_523 = arith.constant 64 : index
          %swap3A_524 = tpu.vector_load %arg20[%swap3A_522, %swap3A_523] {strides = array<i32>} : memref<64x128xf32, #tpu.memory_space<vmem>>, vector<16xf32>,
          tpu.vector_store %arg20[%swap3A_522, %swap3A_523], %max3A_521 {strides = array<i32>} : memref<64x128xf32, #tpu.memory_space<vmem>>, vector<16xf32>,
          %get3A_525 = arith.index_cast %scan3A_442 : i32 to index
          %get3A_526 = arith.constant 80 : index
          %get3A_527 = tpu.vector_load %arg16[%get3A_525, %get3A_526] {strides = array<i32>} : memref<64x128xf32, #tpu.memory_space<vmem>>, vector<16xf32>,
          %get3A_528 = arith.index_cast %scan3A_442 : i32 to index
          %get3A_529 = arith.constant 80 : index
          %get3A_530 = tpu.vector_load %arg17[%get3A_528, %get3A_529] {strides = array<i32>} : memref<64x128xf32, #tpu.memory_space<vmem>>, vector<16xf32>,
          %add3A_531 = arith.addf %get3A_527, %get3A_530 : vector<16xf32>
          %get3A_532 = arith.index_cast %scan3A_442 : i32 to index
          %get3A_533 = arith.constant 80 : index
          %get3A_534 = tpu.vector_load %arg20[%get3A_532, %get3A_533] {strides = array<i32>} : memref<64x128xf32, #tpu.memory_space<vmem>>, vector<16xf32>,
          %add3A_535 = arith.addf %add3A_531, %get3A_534 : vector<16xf32>
          %max3A_536 = arith.constant 0.000000e+00 : f32
          %max3A_537 = vector.broadcast %max3A_536 : f32 to vector<16xf32>
          %max3A_538 = arith.maximumf %add3A_535, %max3A_537 : vector<16xf32>
          %swap3A_539 = arith.index_cast %scan3A_442 : i32 to index
          %swap3A_540 = arith.constant 80 : index
          %swap3A_541 = tpu.vector_load %arg20[%swap3A_539, %swap3A_540] {strides = array<i32>} : memref<64x128xf32, #tpu.memory_space<vmem>>, vector<16xf32>,
          tpu.vector_store %arg20[%swap3A_539, %swap3A_540], %max3A_538 {strides = array<i32>} : memref<64x128xf32, #tpu.memory_space<vmem>>, vector<16xf32>,
          %get3A_542 = arith.index_cast %scan3A_442 : i32 to index
          %get3A_543 = arith.constant 96 : index
          %get3A_544 = tpu.vector_load %arg16[%get3A_542, %get3A_543] {strides = array<i32>} : memref<64x128xf32, #tpu.memory_space<vmem>>, vector<16xf32>,
          %get3A_545 = arith.index_cast %scan3A_442 : i32 to index
          %get3A_546 = arith.constant 96 : index
          %get3A_547 = tpu.vector_load %arg17[%get3A_545, %get3A_546] {strides = array<i32>} : memref<64x128xf32, #tpu.memory_space<vmem>>, vector<16xf32>,
          %add3A_548 = arith.addf %get3A_544, %get3A_547 : vector<16xf32>
          %get3A_549 = arith.index_cast %scan3A_442 : i32 to index
          %get3A_550 = arith.constant 96 : index
          %get3A_551 = tpu.vector_load %arg20[%get3A_549, %get3A_550] {strides = array<i32>} : memref<64x128xf32, #tpu.memory_space<vmem>>, vector<16xf32>,
          %add3A_552 = arith.addf %add3A_548, %get3A_551 : vector<16xf32>
          %max3A_553 = arith.constant 0.000000e+00 : f32
          %max3A_554 = vector.broadcast %max3A_553 : f32 to vector<16xf32>
          %max3A_555 = arith.maximumf %add3A_552, %max3A_554 : vector<16xf32>
          %swap3A_556 = arith.index_cast %scan3A_442 : i32 to index
          %swap3A_557 = arith.constant 96 : index
          %swap3A_558 = tpu.vector_load %arg20[%swap3A_556, %swap3A_557] {strides = array<i32>} : memref<64x128xf32, #tpu.memory_space<vmem>>, vector<16xf32>,
          tpu.vector_store %arg20[%swap3A_556, %swap3A_557], %max3A_555 {strides = array<i32>} : memref<64x128xf32, #tpu.memory_space<vmem>>, vector<16xf32>,
          %get3A_559 = arith.index_cast %scan3A_442 : i32 to index
          %get3A_560 = arith.constant 112 : index
          %get3A_561 = tpu.vector_load %arg16[%get3A_559, %get3A_560] {strides = array<i32>} : memref<64x128xf32, #tpu.memory_space<vmem>>, vector<16xf32>,
          %get3A_562 = arith.index_cast %scan3A_442 : i32 to index
          %get3A_563 = arith.constant 112 : index
          %get3A_564 = tpu.vector_load %arg17[%get3A_562, %get3A_563] {strides = array<i32>} : memref<64x128xf32, #tpu.memory_space<vmem>>, vector<16xf32>,
          %add3A_565 = arith.addf %get3A_561, %get3A_564 : vector<16xf32>
          %get3A_566 = arith.index_cast %scan3A_442 : i32 to index
          %get3A_567 = arith.constant 112 : index
          %get3A_568 = tpu.vector_load %arg20[%get3A_566, %get3A_567] {strides = array<i32>} : memref<64x128xf32, #tpu.memory_space<vmem>>, vector<16xf32>,
          %add3A_569 = arith.addf %add3A_565, %get3A_568 : vector<16xf32>
          %max3A_570 = arith.constant 0.000000e+00 : f32
          %max3A_571 = vector.broadcast %max3A_570 : f32 to vector<16xf32>
          %max3A_572 = arith.maximumf %add3A_569, %max3A_571 : vector<16xf32>
          %swap3A_573 = arith.index_cast %scan3A_442 : i32 to index
          %swap3A_574 = arith.constant 112 : index
          %swap3A_575 = tpu.vector_load %arg20[%swap3A_573, %swap3A_574] {strides = array<i32>} : memref<64x128xf32, #tpu.memory_space<vmem>>, vector<16xf32>,
          tpu.vector_store %arg20[%swap3A_573, %swap3A_574], %max3A_572 {strides = array<i32>} : memref<64x128xf32, #tpu.memory_space<vmem>>, vector<16xf32>,
        }
        %scan3A_438 = arith.constant 64 : i32
        %dma_start3A_439 = arith.constant 0 : i32
        %dma_start3A_440 = arith.constant 0 : i32
        %dma_start3A_441 = tpu.memref_slice %arg22[%dma_start3A_439, %dma_start3A_440] : memref<10000x128xf32, #tpu.memory_space<vmem_shared>> -> memref<10000x128xf32, #tpu.memory_space<vmem_shared>>
        tpu.enqueue_indirect_dma source(%arg20 : memref<64x128xf32, #tpu.memory_space<vmem>>) target(%dma_start3A_441 : memref<10000x128xf32, #tpu.memory_space<vmem_shared>>) offsets(%arg13 : memref<64xi32, #tpu.memory_space<vmem>>) semaphore(%arg31 : memref<!tpu.dma_semaphore, #tpu.memory_space<semaphore_mem>>) {add = true}
      } else {
      }
      %add3A_374 = arith.constant 32 : i32
      %add3A_375 = arith.addi %add3A_349, %add3A_374 : i32
      %lt3A_376 = arith.constant 5000 : i32
      %lt3A_377 = arith.cmpi slt, %add3A_375, %lt3A_376 : i32
      %convert_element_type3A_378 = arith.extui %lt3A_377 : i1 to i32
      %cond3A_379 = arith.constant 0 : i32
      %cond3A_380 = arith.cmpi ne, %convert_element_type3A_378, %cond3A_379 : i32
      scf.if %cond3A_380 {
        %ge3A_428 = arith.constant 32 : i32
        %ge3A_429 = arith.cmpi sge, %add3A_349, %ge3A_428 : i32
        %convert_element_type3A_430 = arith.extui %ge3A_429 : i1 to i32
        %cond3A_431 = arith.constant 0 : i32
        %cond3A_432 = arith.cmpi ne, %convert_element_type3A_430, %cond3A_431 : i32
        scf.if %cond3A_432 {
          %dma_wait3A = arith.constant 0 : i32
          %dma_wait3A_441 = arith.constant 0 : i32
          %dma_wait3A_442 = tpu.memref_slice %arg22[%dma_wait3A, %dma_wait3A_441] : memref<10000x128xf32, #tpu.memory_space<vmem_shared>> -> memref<10000x128xf32, #tpu.memory_space<vmem_shared>>
          tpu.wait_indirect_dma semaphore(%arg32 : memref<!tpu.dma_semaphore, #tpu.memory_space<semaphore_mem>>) src(%arg21 : memref<64x128xf32, #tpu.memory_space<vmem>>) dst(%dma_wait3A_442 : memref<10000x128xf32, #tpu.memory_space<vmem_shared>>)
        } else {
        }
        %add3A_433 = arith.constant 32 : i32
        %add3A_434 = arith.addi %add3A_349, %add3A_433 : i32
        %mul3A_435 = arith.constant 64 : i32
        %mul3A_436 = arith.muli %add3A_434, %mul3A_435 : i32
        %dma_start3A_437 = arith.constant 0 : i32
        %dma_start3A_438 = tpu.memref_slice %arg4[%mul3A_436, %dma_start3A_437] : memref<320000x128xf32, #tpu.memory_space<hbm>> -> memref<64x128xf32, #tpu.memory_space<hbm>>
        %dma_start3A_439 = arith.constant 0 : i32
        %dma_start3A_440 = tpu.memref_slice %arg4[%mul3A_436, %dma_start3A_439] : memref<320000x128xf32, #tpu.memory_space<hbm>> -> memref<64x128xf32, #tpu.memory_space<hbm>>
        tpu.enqueue_dma source(%dma_start3A_440 : memref<64x128xf32, #tpu.memory_space<hbm>>) target(%arg21 : memref<64x128xf32, #tpu.memory_space<vmem>>) target_semaphore(%arg30 : memref<!tpu.dma_semaphore, #tpu.memory_space<semaphore_mem>>)
      } else {
      }
      %add3A_381 = arith.constant 64 : i32
      %add3A_382 = arith.addi %add3A_349, %add3A_381 : i32
      %lt3A_383 = arith.constant 5000 : i32
      %lt3A_384 = arith.cmpi slt, %add3A_382, %lt3A_383 : i32
      %convert_element_type3A_385 = arith.extui %lt3A_384 : i1 to i32
      %cond3A_386 = arith.constant 0 : i32
      %cond3A_387 = arith.cmpi ne, %convert_element_type3A_385, %cond3A_386 : i32
      scf.if %cond3A_387 {
        %mul3A_428 = arith.constant 64 : i32
        %mul3A_429 = arith.muli %add3A_382, %mul3A_428 : i32
        %dma_start3A_430 = tpu.memref_slice %arg5[%mul3A_429] : memref<320000xi32, #tpu.memory_space<hbm>> -> memref<64xi32, #tpu.memory_space<hbm>>
        %dma_start3A_431 = tpu.memref_slice %arg5[%mul3A_429] : memref<320000xi32, #tpu.memory_space<hbm>> -> memref<64xi32, #tpu.memory_space<hbm>>
        tpu.enqueue_dma source(%dma_start3A_431 : memref<64xi32, #tpu.memory_space<hbm>>) target(%arg8 : memref<64xi32, #tpu.memory_space<vmem>>) target_semaphore(%arg23 : memref<!tpu.dma_semaphore, #tpu.memory_space<semaphore_mem>>)
        %dma_start3A_432 = tpu.memref_slice %arg6[%mul3A_429] : memref<320000xi32, #tpu.memory_space<hbm>> -> memref<64xi32, #tpu.memory_space<hbm>>
        %dma_start3A_433 = tpu.memref_slice %arg6[%mul3A_429] : memref<320000xi32, #tpu.memory_space<hbm>> -> memref<64xi32, #tpu.memory_space<hbm>>
        tpu.enqueue_dma source(%dma_start3A_433 : memref<64xi32, #tpu.memory_space<hbm>>) target(%arg9 : memref<64xi32, #tpu.memory_space<vmem>>) target_semaphore(%arg23 : memref<!tpu.dma_semaphore, #tpu.memory_space<semaphore_mem>>)
      } else {
      }
      %add3A_388 = arith.constant 96 : i32
      %add3A_389 = arith.addi %add3A_267, %add3A_388 : i32
      %add3A_390 = arith.constant 32 : i32
      %add3A_391 = arith.addi %add3A_389, %add3A_390 : i32
      %lt3A_392 = arith.constant 5000 : i32
      %lt3A_393 = arith.cmpi slt, %add3A_391, %lt3A_392 : i32
      %convert_element_type3A_394 = arith.extui %lt3A_393 : i1 to i32
      %cond3A_395 = arith.constant 0 : i32
      %cond3A_396 = arith.cmpi ne, %convert_element_type3A_394, %cond3A_395 : i32
      scf.if %cond3A_396 {
        %dma_wait3A = arith.constant 0 : i32
        %dma_wait3A_428 = tpu.memref_slice %arg5[%dma_wait3A] : memref<320000xi32, #tpu.memory_space<hbm>> -> memref<64xi32, #tpu.memory_space<hbm>>
        %dma_wait3A_429 = arith.constant 0 : i32
        %dma_wait3A_430 = tpu.memref_slice %arg5[%dma_wait3A_429] : memref<320000xi32, #tpu.memory_space<hbm>> -> memref<64xi32, #tpu.memory_space<hbm>>
        tpu.wait_dma2 semaphore(%arg23 : memref<!tpu.dma_semaphore, #tpu.memory_space<semaphore_mem>>) src(%dma_wait3A_430 : memref<64xi32, #tpu.memory_space<hbm>>) dst(%arg8 : memref<64xi32, #tpu.memory_space<vmem>>)
        %dma_wait3A_431 = arith.constant 0 : i32
        %dma_wait3A_432 = tpu.memref_slice %arg6[%dma_wait3A_431] : memref<320000xi32, #tpu.memory_space<hbm>> -> memref<64xi32, #tpu.memory_space<hbm>>
        %dma_wait3A_433 = arith.constant 0 : i32
        %dma_wait3A_434 = tpu.memref_slice %arg6[%dma_wait3A_433] : memref<320000xi32, #tpu.memory_space<hbm>> -> memref<64xi32, #tpu.memory_space<hbm>>
        tpu.wait_dma2 semaphore(%arg23 : memref<!tpu.dma_semaphore, #tpu.memory_space<semaphore_mem>>) src(%dma_wait3A_434 : memref<64xi32, #tpu.memory_space<hbm>>) dst(%arg9 : memref<64xi32, #tpu.memory_space<vmem>>)
      } else {
      }
      %add3A_397 = arith.constant 32 : i32
      %add3A_398 = arith.addi %add3A_389, %add3A_397 : i32
      %lt3A_399 = arith.constant 5000 : i32
      %lt3A_400 = arith.cmpi slt, %add3A_398, %lt3A_399 : i32
      %convert_element_type3A_401 = arith.extui %lt3A_400 : i1 to i32
      %cond3A_402 = arith.constant 0 : i32
      %cond3A_403 = arith.cmpi ne, %convert_element_type3A_401, %cond3A_402 : i32
      scf.if %cond3A_403 {
        %dma_start3A_428 = arith.constant 0 : i32
        %dma_start3A_429 = arith.constant 0 : i32
        %dma_start3A_430 = tpu.memref_slice %arg2[%dma_start3A_428, %dma_start3A_429] : memref<10000x128xf32, #tpu.memory_space<hbm>> -> memref<10000x128xf32, #tpu.memory_space<hbm>>
        tpu.enqueue_indirect_dma source(%dma_start3A_430 : memref<10000x128xf32, #tpu.memory_space<hbm>>) target(%arg16 : memref<64x128xf32, #tpu.memory_space<vmem>>) offsets(%arg8 : memref<64xi32, #tpu.memory_space<vmem>>) semaphore(%arg27 : memref<!tpu.dma_semaphore, #tpu.memory_space<semaphore_mem>>)
        %dma_start3A_431 = arith.constant 0 : i32
        %dma_start3A_432 = arith.constant 0 : i32
        %dma_start3A_433 = tpu.memref_slice %arg3[%dma_start3A_431, %dma_start3A_432] : memref<10000x128xf32, #tpu.memory_space<hbm>> -> memref<10000x128xf32, #tpu.memory_space<hbm>>
        tpu.enqueue_indirect_dma source(%dma_start3A_433 : memref<10000x128xf32, #tpu.memory_space<hbm>>) target(%arg17 : memref<64x128xf32, #tpu.memory_space<vmem>>) offsets(%arg9 : memref<64xi32, #tpu.memory_space<vmem>>) semaphore(%arg27 : memref<!tpu.dma_semaphore, #tpu.memory_space<semaphore_mem>>)
      } else {
      }
      %lt3A_404 = arith.constant 5000 : i32
      %lt3A_405 = arith.cmpi slt, %add3A_389, %lt3A_404 : i32
      %convert_element_type3A_406 = arith.extui %lt3A_405 : i1 to i32
      %cond3A_407 = arith.constant 0 : i32
      %cond3A_408 = arith.cmpi ne, %convert_element_type3A_406, %cond3A_407 : i32
      scf.if %cond3A_408 {
        %dma_wait3A = arith.constant 0 : i32
        %dma_wait3A_428 = arith.constant 0 : i32
        %dma_wait3A_429 = tpu.memref_slice %arg2[%dma_wait3A, %dma_wait3A_428] : memref<10000x128xf32, #tpu.memory_space<hbm>> -> memref<10000x128xf32, #tpu.memory_space<hbm>>
        tpu.wait_indirect_dma semaphore(%arg28 : memref<!tpu.dma_semaphore, #tpu.memory_space<semaphore_mem>>) src(%dma_wait3A_429 : memref<10000x128xf32, #tpu.memory_space<hbm>>) dst(%arg18 : memref<64x128xf32, #tpu.memory_space<vmem>>)
        %dma_wait3A_430 = arith.constant 0 : i32
        %dma_wait3A_431 = arith.constant 0 : i32
        %dma_wait3A_432 = tpu.memref_slice %arg3[%dma_wait3A_430, %dma_wait3A_431] : memref<10000x128xf32, #tpu.memory_space<hbm>> -> memref<10000x128xf32, #tpu.memory_space<hbm>>
        tpu.wait_indirect_dma semaphore(%arg28 : memref<!tpu.dma_semaphore, #tpu.memory_space<semaphore_mem>>) src(%dma_wait3A_432 : memref<10000x128xf32, #tpu.memory_space<hbm>>) dst(%arg19 : memref<64x128xf32, #tpu.memory_space<vmem>>)
      } else {
      }
      %lt3A_409 = arith.constant 5000 : i32
      %lt3A_410 = arith.cmpi slt, %add3A_389, %lt3A_409 : i32
      %convert_element_type3A_411 = arith.extui %lt3A_410 : i1 to i32
      %cond3A_412 = arith.constant 0 : i32
      %cond3A_413 = arith.cmpi ne, %convert_element_type3A_411, %cond3A_412 : i32
      scf.if %cond3A_413 {
        %dma_wait3A = arith.constant 0 : i32
        %dma_wait3A_428 = arith.constant 0 : i32
        %dma_wait3A_429 = tpu.memref_slice %arg4[%dma_wait3A, %dma_wait3A_428] : memref<320000x128xf32, #tpu.memory_space<hbm>> -> memref<64x128xf32, #tpu.memory_space<hbm>>
        %dma_wait3A_430 = arith.constant 0 : i32
        %dma_wait3A_431 = arith.constant 0 : i32
        %dma_wait3A_432 = tpu.memref_slice %arg4[%dma_wait3A_430, %dma_wait3A_431] : memref<320000x128xf32, #tpu.memory_space<hbm>> -> memref<64x128xf32, #tpu.memory_space<hbm>>
        tpu.wait_dma2 semaphore(%arg30 : memref<!tpu.dma_semaphore, #tpu.memory_space<semaphore_mem>>) src(%dma_wait3A_432 : memref<64x128xf32, #tpu.memory_space<hbm>>) dst(%arg21 : memref<64x128xf32, #tpu.memory_space<vmem>>)
        %scan3A_433 = arith.constant 0 : i32
        %scan3A_434 = arith.constant 0 : i32
        %scan3A_435 = arith.constant 64 : i32
        %scan3A_436 = arith.addi %scan3A_434, %scan3A_435 : i32
        %scan3A_437 = arith.constant 1 : i32
        scf.for %scan3A_442 = %scan3A_434 to %scan3A_436 step %scan3A_437  : i32 {
          %get3A = arith.index_cast %scan3A_442 : i32 to index
          %get3A_443 = arith.constant 0 : index
          %get3A_444 = tpu.vector_load %arg18[%get3A, %get3A_443] {strides = array<i32>} : memref<64x128xf32, #tpu.memory_space<vmem>>, vector<16xf32>,
          %get3A_445 = arith.index_cast %scan3A_442 : i32 to index
          %get3A_446 = arith.constant 0 : index
          %get3A_447 = tpu.vector_load %arg19[%get3A_445, %get3A_446] {strides = array<i32>} : memref<64x128xf32, #tpu.memory_space<vmem>>, vector<16xf32>,
          %add3A_448 = arith.addf %get3A_444, %get3A_447 : vector<16xf32>
          %get3A_449 = arith.index_cast %scan3A_442 : i32 to index
          %get3A_450 = arith.constant 0 : index
          %get3A_451 = tpu.vector_load %arg21[%get3A_449, %get3A_450] {strides = array<i32>} : memref<64x128xf32, #tpu.memory_space<vmem>>, vector<16xf32>,
          %add3A_452 = arith.addf %add3A_448, %get3A_451 : vector<16xf32>
          %max3A = arith.constant 0.000000e+00 : f32
          %max3A_453 = vector.broadcast %max3A : f32 to vector<16xf32>
          %max3A_454 = arith.maximumf %add3A_452, %max3A_453 : vector<16xf32>
          %swap3A = arith.index_cast %scan3A_442 : i32 to index
          %swap3A_455 = arith.constant 0 : index
          %swap3A_456 = tpu.vector_load %arg21[%swap3A, %swap3A_455] {strides = array<i32>} : memref<64x128xf32, #tpu.memory_space<vmem>>, vector<16xf32>,
          tpu.vector_store %arg21[%swap3A, %swap3A_455], %max3A_454 {strides = array<i32>} : memref<64x128xf32, #tpu.memory_space<vmem>>, vector<16xf32>,
          %get3A_457 = arith.index_cast %scan3A_442 : i32 to index
          %get3A_458 = arith.constant 16 : index
          %get3A_459 = tpu.vector_load %arg18[%get3A_457, %get3A_458] {strides = array<i32>} : memref<64x128xf32, #tpu.memory_space<vmem>>, vector<16xf32>,
          %get3A_460 = arith.index_cast %scan3A_442 : i32 to index
          %get3A_461 = arith.constant 16 : index
          %get3A_462 = tpu.vector_load %arg19[%get3A_460, %get3A_461] {strides = array<i32>} : memref<64x128xf32, #tpu.memory_space<vmem>>, vector<16xf32>,
          %add3A_463 = arith.addf %get3A_459, %get3A_462 : vector<16xf32>
          %get3A_464 = arith.index_cast %scan3A_442 : i32 to index
          %get3A_465 = arith.constant 16 : index
          %get3A_466 = tpu.vector_load %arg21[%get3A_464, %get3A_465] {strides = array<i32>} : memref<64x128xf32, #tpu.memory_space<vmem>>, vector<16xf32>,
          %add3A_467 = arith.addf %add3A_463, %get3A_466 : vector<16xf32>
          %max3A_468 = arith.constant 0.000000e+00 : f32
          %max3A_469 = vector.broadcast %max3A_468 : f32 to vector<16xf32>
          %max3A_470 = arith.maximumf %add3A_467, %max3A_469 : vector<16xf32>
          %swap3A_471 = arith.index_cast %scan3A_442 : i32 to index
          %swap3A_472 = arith.constant 16 : index
          %swap3A_473 = tpu.vector_load %arg21[%swap3A_471, %swap3A_472] {strides = array<i32>} : memref<64x128xf32, #tpu.memory_space<vmem>>, vector<16xf32>,
          tpu.vector_store %arg21[%swap3A_471, %swap3A_472], %max3A_470 {strides = array<i32>} : memref<64x128xf32, #tpu.memory_space<vmem>>, vector<16xf32>,
          %get3A_474 = arith.index_cast %scan3A_442 : i32 to index
          %get3A_475 = arith.constant 32 : index
          %get3A_476 = tpu.vector_load %arg18[%get3A_474, %get3A_475] {strides = array<i32>} : memref<64x128xf32, #tpu.memory_space<vmem>>, vector<16xf32>,
          %get3A_477 = arith.index_cast %scan3A_442 : i32 to index
          %get3A_478 = arith.constant 32 : index
          %get3A_479 = tpu.vector_load %arg19[%get3A_477, %get3A_478] {strides = array<i32>} : memref<64x128xf32, #tpu.memory_space<vmem>>, vector<16xf32>,
          %add3A_480 = arith.addf %get3A_476, %get3A_479 : vector<16xf32>
          %get3A_481 = arith.index_cast %scan3A_442 : i32 to index
          %get3A_482 = arith.constant 32 : index
          %get3A_483 = tpu.vector_load %arg21[%get3A_481, %get3A_482] {strides = array<i32>} : memref<64x128xf32, #tpu.memory_space<vmem>>, vector<16xf32>,
          %add3A_484 = arith.addf %add3A_480, %get3A_483 : vector<16xf32>
          %max3A_485 = arith.constant 0.000000e+00 : f32
          %max3A_486 = vector.broadcast %max3A_485 : f32 to vector<16xf32>
          %max3A_487 = arith.maximumf %add3A_484, %max3A_486 : vector<16xf32>
          %swap3A_488 = arith.index_cast %scan3A_442 : i32 to index
          %swap3A_489 = arith.constant 32 : index
          %swap3A_490 = tpu.vector_load %arg21[%swap3A_488, %swap3A_489] {strides = array<i32>} : memref<64x128xf32, #tpu.memory_space<vmem>>, vector<16xf32>,
          tpu.vector_store %arg21[%swap3A_488, %swap3A_489], %max3A_487 {strides = array<i32>} : memref<64x128xf32, #tpu.memory_space<vmem>>, vector<16xf32>,
          %get3A_491 = arith.index_cast %scan3A_442 : i32 to index
          %get3A_492 = arith.constant 48 : index
          %get3A_493 = tpu.vector_load %arg18[%get3A_491, %get3A_492] {strides = array<i32>} : memref<64x128xf32, #tpu.memory_space<vmem>>, vector<16xf32>,
          %get3A_494 = arith.index_cast %scan3A_442 : i32 to index
          %get3A_495 = arith.constant 48 : index
          %get3A_496 = tpu.vector_load %arg19[%get3A_494, %get3A_495] {strides = array<i32>} : memref<64x128xf32, #tpu.memory_space<vmem>>, vector<16xf32>,
          %add3A_497 = arith.addf %get3A_493, %get3A_496 : vector<16xf32>
          %get3A_498 = arith.index_cast %scan3A_442 : i32 to index
          %get3A_499 = arith.constant 48 : index
          %get3A_500 = tpu.vector_load %arg21[%get3A_498, %get3A_499] {strides = array<i32>} : memref<64x128xf32, #tpu.memory_space<vmem>>, vector<16xf32>,
          %add3A_501 = arith.addf %add3A_497, %get3A_500 : vector<16xf32>
          %max3A_502 = arith.constant 0.000000e+00 : f32
          %max3A_503 = vector.broadcast %max3A_502 : f32 to vector<16xf32>
          %max3A_504 = arith.maximumf %add3A_501, %max3A_503 : vector<16xf32>
          %swap3A_505 = arith.index_cast %scan3A_442 : i32 to index
          %swap3A_506 = arith.constant 48 : index
          %swap3A_507 = tpu.vector_load %arg21[%swap3A_505, %swap3A_506] {strides = array<i32>} : memref<64x128xf32, #tpu.memory_space<vmem>>, vector<16xf32>,
          tpu.vector_store %arg21[%swap3A_505, %swap3A_506], %max3A_504 {strides = array<i32>} : memref<64x128xf32, #tpu.memory_space<vmem>>, vector<16xf32>,
          %get3A_508 = arith.index_cast %scan3A_442 : i32 to index
          %get3A_509 = arith.constant 64 : index
          %get3A_510 = tpu.vector_load %arg18[%get3A_508, %get3A_509] {strides = array<i32>} : memref<64x128xf32, #tpu.memory_space<vmem>>, vector<16xf32>,
          %get3A_511 = arith.index_cast %scan3A_442 : i32 to index
          %get3A_512 = arith.constant 64 : index
          %get3A_513 = tpu.vector_load %arg19[%get3A_511, %get3A_512] {strides = array<i32>} : memref<64x128xf32, #tpu.memory_space<vmem>>, vector<16xf32>,
          %add3A_514 = arith.addf %get3A_510, %get3A_513 : vector<16xf32>
          %get3A_515 = arith.index_cast %scan3A_442 : i32 to index
          %get3A_516 = arith.constant 64 : index
          %get3A_517 = tpu.vector_load %arg21[%get3A_515, %get3A_516] {strides = array<i32>} : memref<64x128xf32, #tpu.memory_space<vmem>>, vector<16xf32>,
          %add3A_518 = arith.addf %add3A_514, %get3A_517 : vector<16xf32>
          %max3A_519 = arith.constant 0.000000e+00 : f32
          %max3A_520 = vector.broadcast %max3A_519 : f32 to vector<16xf32>
          %max3A_521 = arith.maximumf %add3A_518, %max3A_520 : vector<16xf32>
          %swap3A_522 = arith.index_cast %scan3A_442 : i32 to index
          %swap3A_523 = arith.constant 64 : index
          %swap3A_524 = tpu.vector_load %arg21[%swap3A_522, %swap3A_523] {strides = array<i32>} : memref<64x128xf32, #tpu.memory_space<vmem>>, vector<16xf32>,
          tpu.vector_store %arg21[%swap3A_522, %swap3A_523], %max3A_521 {strides = array<i32>} : memref<64x128xf32, #tpu.memory_space<vmem>>, vector<16xf32>,
          %get3A_525 = arith.index_cast %scan3A_442 : i32 to index
          %get3A_526 = arith.constant 80 : index
          %get3A_527 = tpu.vector_load %arg18[%get3A_525, %get3A_526] {strides = array<i32>} : memref<64x128xf32, #tpu.memory_space<vmem>>, vector<16xf32>,
          %get3A_528 = arith.index_cast %scan3A_442 : i32 to index
          %get3A_529 = arith.constant 80 : index
          %get3A_530 = tpu.vector_load %arg19[%get3A_528, %get3A_529] {strides = array<i32>} : memref<64x128xf32, #tpu.memory_space<vmem>>, vector<16xf32>,
          %add3A_531 = arith.addf %get3A_527, %get3A_530 : vector<16xf32>
          %get3A_532 = arith.index_cast %scan3A_442 : i32 to index
          %get3A_533 = arith.constant 80 : index
          %get3A_534 = tpu.vector_load %arg21[%get3A_532, %get3A_533] {strides = array<i32>} : memref<64x128xf32, #tpu.memory_space<vmem>>, vector<16xf32>,
          %add3A_535 = arith.addf %add3A_531, %get3A_534 : vector<16xf32>
          %max3A_536 = arith.constant 0.000000e+00 : f32
          %max3A_537 = vector.broadcast %max3A_536 : f32 to vector<16xf32>
          %max3A_538 = arith.maximumf %add3A_535, %max3A_537 : vector<16xf32>
          %swap3A_539 = arith.index_cast %scan3A_442 : i32 to index
          %swap3A_540 = arith.constant 80 : index
          %swap3A_541 = tpu.vector_load %arg21[%swap3A_539, %swap3A_540] {strides = array<i32>} : memref<64x128xf32, #tpu.memory_space<vmem>>, vector<16xf32>,
          tpu.vector_store %arg21[%swap3A_539, %swap3A_540], %max3A_538 {strides = array<i32>} : memref<64x128xf32, #tpu.memory_space<vmem>>, vector<16xf32>,
          %get3A_542 = arith.index_cast %scan3A_442 : i32 to index
          %get3A_543 = arith.constant 96 : index
          %get3A_544 = tpu.vector_load %arg18[%get3A_542, %get3A_543] {strides = array<i32>} : memref<64x128xf32, #tpu.memory_space<vmem>>, vector<16xf32>,
          %get3A_545 = arith.index_cast %scan3A_442 : i32 to index
          %get3A_546 = arith.constant 96 : index
          %get3A_547 = tpu.vector_load %arg19[%get3A_545, %get3A_546] {strides = array<i32>} : memref<64x128xf32, #tpu.memory_space<vmem>>, vector<16xf32>,
          %add3A_548 = arith.addf %get3A_544, %get3A_547 : vector<16xf32>
          %get3A_549 = arith.index_cast %scan3A_442 : i32 to index
          %get3A_550 = arith.constant 96 : index
          %get3A_551 = tpu.vector_load %arg21[%get3A_549, %get3A_550] {strides = array<i32>} : memref<64x128xf32, #tpu.memory_space<vmem>>, vector<16xf32>,
          %add3A_552 = arith.addf %add3A_548, %get3A_551 : vector<16xf32>
          %max3A_553 = arith.constant 0.000000e+00 : f32
          %max3A_554 = vector.broadcast %max3A_553 : f32 to vector<16xf32>
          %max3A_555 = arith.maximumf %add3A_552, %max3A_554 : vector<16xf32>
          %swap3A_556 = arith.index_cast %scan3A_442 : i32 to index
          %swap3A_557 = arith.constant 96 : index
          %swap3A_558 = tpu.vector_load %arg21[%swap3A_556, %swap3A_557] {strides = array<i32>} : memref<64x128xf32, #tpu.memory_space<vmem>>, vector<16xf32>,
          tpu.vector_store %arg21[%swap3A_556, %swap3A_557], %max3A_555 {strides = array<i32>} : memref<64x128xf32, #tpu.memory_space<vmem>>, vector<16xf32>,
          %get3A_559 = arith.index_cast %scan3A_442 : i32 to index
          %get3A_560 = arith.constant 112 : index
          %get3A_561 = tpu.vector_load %arg18[%get3A_559, %get3A_560] {strides = array<i32>} : memref<64x128xf32, #tpu.memory_space<vmem>>, vector<16xf32>,
          %get3A_562 = arith.index_cast %scan3A_442 : i32 to index
          %get3A_563 = arith.constant 112 : index
          %get3A_564 = tpu.vector_load %arg19[%get3A_562, %get3A_563] {strides = array<i32>} : memref<64x128xf32, #tpu.memory_space<vmem>>, vector<16xf32>,
          %add3A_565 = arith.addf %get3A_561, %get3A_564 : vector<16xf32>
          %get3A_566 = arith.index_cast %scan3A_442 : i32 to index
          %get3A_567 = arith.constant 112 : index
          %get3A_568 = tpu.vector_load %arg21[%get3A_566, %get3A_567] {strides = array<i32>} : memref<64x128xf32, #tpu.memory_space<vmem>>, vector<16xf32>,
          %add3A_569 = arith.addf %add3A_565, %get3A_568 : vector<16xf32>
          %max3A_570 = arith.constant 0.000000e+00 : f32
          %max3A_571 = vector.broadcast %max3A_570 : f32 to vector<16xf32>
          %max3A_572 = arith.maximumf %add3A_569, %max3A_571 : vector<16xf32>
          %swap3A_573 = arith.index_cast %scan3A_442 : i32 to index
          %swap3A_574 = arith.constant 112 : index
          %swap3A_575 = tpu.vector_load %arg21[%swap3A_573, %swap3A_574] {strides = array<i32>} : memref<64x128xf32, #tpu.memory_space<vmem>>, vector<16xf32>,
          tpu.vector_store %arg21[%swap3A_573, %swap3A_574], %max3A_572 {strides = array<i32>} : memref<64x128xf32, #tpu.memory_space<vmem>>, vector<16xf32>,
        }
        %scan3A_438 = arith.constant 64 : i32
        %dma_start3A_439 = arith.constant 0 : i32
        %dma_start3A_440 = arith.constant 0 : i32
        %dma_start3A_441 = tpu.memref_slice %arg22[%dma_start3A_439, %dma_start3A_440] : memref<10000x128xf32, #tpu.memory_space<vmem_shared>> -> memref<10000x128xf32, #tpu.memory_space<vmem_shared>>
        tpu.enqueue_indirect_dma source(%arg21 : memref<64x128xf32, #tpu.memory_space<vmem>>) target(%dma_start3A_441 : memref<10000x128xf32, #tpu.memory_space<vmem_shared>>) offsets(%arg15 : memref<64xi32, #tpu.memory_space<vmem>>) semaphore(%arg32 : memref<!tpu.dma_semaphore, #tpu.memory_space<semaphore_mem>>) {add = true}
      } else {
      }
      %add3A_414 = arith.constant 32 : i32
      %add3A_415 = arith.addi %add3A_389, %add3A_414 : i32
      %lt3A_416 = arith.constant 5000 : i32
      %lt3A_417 = arith.cmpi slt, %add3A_415, %lt3A_416 : i32
      %convert_element_type3A_418 = arith.extui %lt3A_417 : i1 to i32
      %cond3A_419 = arith.constant 0 : i32
      %cond3A_420 = arith.cmpi ne, %convert_element_type3A_418, %cond3A_419 : i32
      scf.if %cond3A_420 {
        %ge3A_428 = arith.constant 32 : i32
        %ge3A_429 = arith.cmpi sge, %add3A_389, %ge3A_428 : i32
        %convert_element_type3A_430 = arith.extui %ge3A_429 : i1 to i32
        %cond3A_431 = arith.constant 0 : i32
        %cond3A_432 = arith.cmpi ne, %convert_element_type3A_430, %cond3A_431 : i32
        scf.if %cond3A_432 {
          %dma_wait3A = arith.constant 0 : i32
          %dma_wait3A_441 = arith.constant 0 : i32
          %dma_wait3A_442 = tpu.memref_slice %arg22[%dma_wait3A, %dma_wait3A_441] : memref<10000x128xf32, #tpu.memory_space<vmem_shared>> -> memref<10000x128xf32, #tpu.memory_space<vmem_shared>>
          tpu.wait_indirect_dma semaphore(%arg31 : memref<!tpu.dma_semaphore, #tpu.memory_space<semaphore_mem>>) src(%arg20 : memref<64x128xf32, #tpu.memory_space<vmem>>) dst(%dma_wait3A_442 : memref<10000x128xf32, #tpu.memory_space<vmem_shared>>)
        } else {
        }
        %add3A_433 = arith.constant 32 : i32
        %add3A_434 = arith.addi %add3A_389, %add3A_433 : i32
        %mul3A_435 = arith.constant 64 : i32
        %mul3A_436 = arith.muli %add3A_434, %mul3A_435 : i32
        %dma_start3A_437 = arith.constant 0 : i32
        %dma_start3A_438 = tpu.memref_slice %arg4[%mul3A_436, %dma_start3A_437] : memref<320000x128xf32, #tpu.memory_space<hbm>> -> memref<64x128xf32, #tpu.memory_space<hbm>>
        %dma_start3A_439 = arith.constant 0 : i32
        %dma_start3A_440 = tpu.memref_slice %arg4[%mul3A_436, %dma_start3A_439] : memref<320000x128xf32, #tpu.memory_space<hbm>> -> memref<64x128xf32, #tpu.memory_space<hbm>>
        tpu.enqueue_dma source(%dma_start3A_440 : memref<64x128xf32, #tpu.memory_space<hbm>>) target(%arg20 : memref<64x128xf32, #tpu.memory_space<vmem>>) target_semaphore(%arg29 : memref<!tpu.dma_semaphore, #tpu.memory_space<semaphore_mem>>)
      } else {
      }
      %add3A_421 = arith.constant 64 : i32
      %add3A_422 = arith.addi %add3A_389, %add3A_421 : i32
      %lt3A_423 = arith.constant 5000 : i32
      %lt3A_424 = arith.cmpi slt, %add3A_422, %lt3A_423 : i32
      %convert_element_type3A_425 = arith.extui %lt3A_424 : i1 to i32
      %cond3A_426 = arith.constant 0 : i32
      %cond3A_427 = arith.cmpi ne, %convert_element_type3A_425, %cond3A_426 : i32
      scf.if %cond3A_427 {
        %mul3A_428 = arith.constant 64 : i32
        %mul3A_429 = arith.muli %add3A_422, %mul3A_428 : i32
        %dma_start3A_430 = tpu.memref_slice %arg5[%mul3A_429] : memref<320000xi32, #tpu.memory_space<hbm>> -> memref<64xi32, #tpu.memory_space<hbm>>
        %dma_start3A_431 = tpu.memref_slice %arg5[%mul3A_429] : memref<320000xi32, #tpu.memory_space<hbm>> -> memref<64xi32, #tpu.memory_space<hbm>>
        tpu.enqueue_dma source(%dma_start3A_431 : memref<64xi32, #tpu.memory_space<hbm>>) target(%arg10 : memref<64xi32, #tpu.memory_space<vmem>>) target_semaphore(%arg24 : memref<!tpu.dma_semaphore, #tpu.memory_space<semaphore_mem>>)
        %dma_start3A_432 = tpu.memref_slice %arg6[%mul3A_429] : memref<320000xi32, #tpu.memory_space<hbm>> -> memref<64xi32, #tpu.memory_space<hbm>>
        %dma_start3A_433 = tpu.memref_slice %arg6[%mul3A_429] : memref<320000xi32, #tpu.memory_space<hbm>> -> memref<64xi32, #tpu.memory_space<hbm>>
        tpu.enqueue_dma source(%dma_start3A_433 : memref<64xi32, #tpu.memory_space<hbm>>) target(%arg11 : memref<64xi32, #tpu.memory_space<vmem>>) target_semaphore(%arg24 : memref<!tpu.dma_semaphore, #tpu.memory_space<semaphore_mem>>)
      } else {
      }
    }
    %scan3A_131 = arith.constant 40 : i32
    %add3A_132 = arith.constant 4928 : i32
    %add3A_133 = arith.addi %add3A_132, %add3A : i32
    %lt3A_134 = arith.constant 5000 : i32
    %lt3A_135 = arith.cmpi slt, %add3A_133, %lt3A_134 : i32
    %add3A_136 = arith.constant 64 : i32
    %add3A_137 = arith.addi %add3A_133, %add3A_136 : i32
    %ge3A = arith.constant 5000 : i32
    %ge3A_138 = arith.cmpi sge, %add3A_137, %ge3A : i32
    %and3A = arith.andi %lt3A_135, %ge3A_138 : i1
    %convert_element_type3A_139 = arith.extui %and3A : i1 to i32
    %cond3A_140 = arith.constant 0 : i32
    %cond3A_141 = arith.cmpi ne, %convert_element_type3A_139, %cond3A_140 : i32
    scf.if %cond3A_141 {
      %dma_wait3A = arith.constant 0 : i32
      %dma_wait3A_262 = arith.constant 0 : i32
      %dma_wait3A_263 = tpu.memref_slice %arg22[%dma_wait3A, %dma_wait3A_262] : memref<10000x128xf32, #tpu.memory_space<vmem_shared>> -> memref<10000x128xf32, #tpu.memory_space<vmem_shared>>
      tpu.wait_indirect_dma semaphore(%arg31 : memref<!tpu.dma_semaphore, #tpu.memory_space<semaphore_mem>>) src(%arg20 : memref<64x128xf32, #tpu.memory_space<vmem>>) dst(%dma_wait3A_263 : memref<10000x128xf32, #tpu.memory_space<vmem_shared>>)
    } else {
    }
    %add3A_142 = arith.constant 4960 : i32
    %add3A_143 = arith.addi %add3A_142, %add3A : i32
    %lt3A_144 = arith.constant 5000 : i32
    %lt3A_145 = arith.cmpi slt, %add3A_143, %lt3A_144 : i32
    %add3A_146 = arith.constant 64 : i32
    %add3A_147 = arith.addi %add3A_143, %add3A_146 : i32
    %ge3A_148 = arith.constant 5000 : i32
    %ge3A_149 = arith.cmpi sge, %add3A_147, %ge3A_148 : i32
    %and3A_150 = arith.andi %lt3A_145, %ge3A_149 : i1
    %convert_element_type3A_151 = arith.extui %and3A_150 : i1 to i32
    %cond3A_152 = arith.constant 0 : i32
    %cond3A_153 = arith.cmpi ne, %convert_element_type3A_151, %cond3A_152 : i32
    scf.if %cond3A_153 {
      %dma_wait3A = arith.constant 0 : i32
      %dma_wait3A_262 = arith.constant 0 : i32
      %dma_wait3A_263 = tpu.memref_slice %arg22[%dma_wait3A, %dma_wait3A_262] : memref<10000x128xf32, #tpu.memory_space<vmem_shared>> -> memref<10000x128xf32, #tpu.memory_space<vmem_shared>>
      tpu.wait_indirect_dma semaphore(%arg32 : memref<!tpu.dma_semaphore, #tpu.memory_space<semaphore_mem>>) src(%arg21 : memref<64x128xf32, #tpu.memory_space<vmem>>) dst(%dma_wait3A_263 : memref<10000x128xf32, #tpu.memory_space<vmem_shared>>)
    } else {
    }
    %add3A_154 = arith.constant 4992 : i32
    %add3A_155 = arith.addi %add3A_154, %add3A : i32
    %lt3A_156 = arith.constant 5000 : i32
    %lt3A_157 = arith.cmpi slt, %add3A_155, %lt3A_156 : i32
    %add3A_158 = arith.constant 64 : i32
    %add3A_159 = arith.addi %add3A_155, %add3A_158 : i32
    %ge3A_160 = arith.constant 5000 : i32
    %ge3A_161 = arith.cmpi sge, %add3A_159, %ge3A_160 : i32
    %and3A_162 = arith.andi %lt3A_157, %ge3A_161 : i1
    %convert_element_type3A_163 = arith.extui %and3A_162 : i1 to i32
    %cond3A_164 = arith.constant 0 : i32
    %cond3A_165 = arith.cmpi ne, %convert_element_type3A_163, %cond3A_164 : i32
    scf.if %cond3A_165 {
      %dma_wait3A = arith.constant 0 : i32
      %dma_wait3A_262 = arith.constant 0 : i32
      %dma_wait3A_263 = tpu.memref_slice %arg22[%dma_wait3A, %dma_wait3A_262] : memref<10000x128xf32, #tpu.memory_space<vmem_shared>> -> memref<10000x128xf32, #tpu.memory_space<vmem_shared>>
      tpu.wait_indirect_dma semaphore(%arg31 : memref<!tpu.dma_semaphore, #tpu.memory_space<semaphore_mem>>) src(%arg20 : memref<64x128xf32, #tpu.memory_space<vmem>>) dst(%dma_wait3A_263 : memref<10000x128xf32, #tpu.memory_space<vmem_shared>>)
    } else {
    }
    %barrier3A_166 = arith.constant 0 : index
    tpu.barrier barrier_id(%barrier3A_166)
    %add3A_167 = arith.constant 0 : i32
    %add3A_168 = arith.addi %mul3A_8, %add3A_167 : i32
    %add3A_169 = arith.constant 64 : i32
    %add3A_170 = arith.addi %add3A_168, %add3A_169 : i32
    %le3A_171 = arith.constant 10000 : i32
    %le3A_172 = arith.cmpi sle, %add3A_170, %le3A_171 : i32
    %convert_element_type3A_173 = arith.extui %le3A_172 : i1 to i32
    %cond3A_174 = arith.constant 0 : i32
    %cond3A_175 = arith.cmpi ne, %convert_element_type3A_173, %cond3A_174 : i32
    scf.if %cond3A_175 {
      %add3A_262 = arith.constant 0 : i32
      %add3A_263 = arith.addi %mul3A_8, %add3A_262 : i32
      "tpu.region"() ({
        %run_scoped3A = tpu.sem_alloc : memref<!tpu.dma_semaphore, #tpu.memory_space<semaphore_mem>>
        %dma_start3A_266 = arith.constant 0 : i32
        %dma_start3A_267 = tpu.memref_slice %arg22[%add3A_263, %dma_start3A_266] : memref<10000x128xf32, #tpu.memory_space<vmem_shared>> -> memref<64x128xf32, #tpu.memory_space<vmem_shared>>
        %dma_start3A_268 = arith.constant 0 : i32
        %dma_start3A_269 = tpu.memref_slice %arg22[%add3A_263, %dma_start3A_268] : memref<10000x128xf32, #tpu.memory_space<vmem_shared>> -> memref<64x128xf32, #tpu.memory_space<vmem_shared>>
        tpu.enqueue_dma source(%dma_start3A_269 : memref<64x128xf32, #tpu.memory_space<vmem_shared>>) target(%arg20 : memref<64x128xf32, #tpu.memory_space<vmem>>) target_semaphore(%run_scoped3A : memref<!tpu.dma_semaphore, #tpu.memory_space<semaphore_mem>>)
        %dma_wait3A = arith.constant 0 : i32
        %dma_wait3A_270 = tpu.memref_slice %arg22[%add3A_263, %dma_wait3A] : memref<10000x128xf32, #tpu.memory_space<vmem_shared>> -> memref<64x128xf32, #tpu.memory_space<vmem_shared>>
        %dma_wait3A_271 = arith.constant 0 : i32
        %dma_wait3A_272 = tpu.memref_slice %arg22[%add3A_263, %dma_wait3A_271] : memref<10000x128xf32, #tpu.memory_space<vmem_shared>> -> memref<64x128xf32, #tpu.memory_space<vmem_shared>>
        tpu.wait_dma2 semaphore(%run_scoped3A : memref<!tpu.dma_semaphore, #tpu.memory_space<semaphore_mem>>) src(%dma_wait3A_272 : memref<64x128xf32, #tpu.memory_space<vmem_shared>>) dst(%arg20 : memref<64x128xf32, #tpu.memory_space<vmem>>)
        tpu.yield
      }) : () -> ()
      %add3A_264 = arith.constant 0 : i32
      %add3A_265 = arith.addi %mul3A_8, %add3A_264 : i32
      "tpu.region"() ({
        %run_scoped3A = tpu.sem_alloc : memref<!tpu.dma_semaphore, #tpu.memory_space<semaphore_mem>>
        %dma_start3A_266 = arith.constant 0 : i32
        %dma_start3A_267 = tpu.memref_slice %arg7[%arg0, %add3A_265, %dma_start3A_266] : memref<2x10000x128xf32, #tpu.memory_space<hbm>> -> memref<1x64x128xf32, #tpu.memory_space<hbm>>
        %dma_start3A_268 = tpu.memref_squeeze %dma_start3A_267 : memref<1x64x128xf32, #tpu.memory_space<hbm>> -> memref<64x128xf32, #tpu.memory_space<hbm>>
        %dma_start3A_269 = arith.constant 0 : i32
        %dma_start3A_270 = tpu.memref_slice %arg7[%arg0, %add3A_265, %dma_start3A_269] : memref<2x10000x128xf32, #tpu.memory_space<hbm>> -> memref<1x64x128xf32, #tpu.memory_space<hbm>>
        %dma_start3A_271 = tpu.memref_squeeze %dma_start3A_270 : memref<1x64x128xf32, #tpu.memory_space<hbm>> -> memref<64x128xf32, #tpu.memory_space<hbm>>
        tpu.enqueue_dma source(%arg20 : memref<64x128xf32, #tpu.memory_space<vmem>>) target(%dma_start3A_271 : memref<64x128xf32, #tpu.memory_space<hbm>>) target_semaphore(%run_scoped3A : memref<!tpu.dma_semaphore, #tpu.memory_space<semaphore_mem>>)
        %dma_wait3A = arith.constant 0 : i32
        %dma_wait3A_272 = tpu.memref_slice %arg7[%arg0, %add3A_265, %dma_wait3A] : memref<2x10000x128xf32, #tpu.memory_space<hbm>> -> memref<1x64x128xf32, #tpu.memory_space<hbm>>
        %dma_wait3A_273 = tpu.memref_squeeze %dma_wait3A_272 : memref<1x64x128xf32, #tpu.memory_space<hbm>> -> memref<64x128xf32, #tpu.memory_space<hbm>>
        %dma_wait3A_274 = arith.constant 0 : i32
        %dma_wait3A_275 = tpu.memref_slice %arg7[%arg0, %add3A_265, %dma_wait3A_274] : memref<2x10000x128xf32, #tpu.memory_space<hbm>> -> memref<1x64x128xf32, #tpu.memory_space<hbm>>
        %dma_wait3A_276 = tpu.memref_squeeze %dma_wait3A_275 : memref<1x64x128xf32, #tpu.memory_space<hbm>> -> memref<64x128xf32, #tpu.memory_space<hbm>>
        tpu.wait_dma2 semaphore(%run_scoped3A : memref<!tpu.dma_semaphore, #tpu.memory_space<semaphore_mem>>) src(%arg20 : memref<64x128xf32, #tpu.memory_space<vmem>>) dst(%dma_wait3A_276 : memref<64x128xf32, #tpu.memory_space<hbm>>)
        tpu.yield
      }) : () -> ()
    } else {
    }
    %add3A_176 = arith.constant 64 : i32
    %add3A_177 = arith.addi %mul3A_8, %add3A_176 : i32
    %add3A_178 = arith.constant 64 : i32
    %add3A_179 = arith.addi %add3A_177, %add3A_178 : i32
    %le3A_180 = arith.constant 10000 : i32
    %le3A_181 = arith.cmpi sle, %add3A_179, %le3A_180 : i32
    %convert_element_type3A_182 = arith.extui %le3A_181 : i1 to i32
    %cond3A_183 = arith.constant 0 : i32
    %cond3A_184 = arith.cmpi ne, %convert_element_type3A_182, %cond3A_183 : i32
    scf.if %cond3A_184 {
      %add3A_262 = arith.constant 64 : i32
      %add3A_263 = arith.addi %mul3A_8, %add3A_262 : i32
      "tpu.region"() ({
        %run_scoped3A = tpu.sem_alloc : memref<!tpu.dma_semaphore, #tpu.memory_space<semaphore_mem>>
        %dma_start3A_266 = arith.constant 0 : i32
        %dma_start3A_267 = tpu.memref_slice %arg22[%add3A_263, %dma_start3A_266] : memref<10000x128xf32, #tpu.memory_space<vmem_shared>> -> memref<64x128xf32, #tpu.memory_space<vmem_shared>>
        %dma_start3A_268 = arith.constant 0 : i32
        %dma_start3A_269 = tpu.memref_slice %arg22[%add3A_263, %dma_start3A_268] : memref<10000x128xf32, #tpu.memory_space<vmem_shared>> -> memref<64x128xf32, #tpu.memory_space<vmem_shared>>
        tpu.enqueue_dma source(%dma_start3A_269 : memref<64x128xf32, #tpu.memory_space<vmem_shared>>) target(%arg20 : memref<64x128xf32, #tpu.memory_space<vmem>>) target_semaphore(%run_scoped3A : memref<!tpu.dma_semaphore, #tpu.memory_space<semaphore_mem>>)
        %dma_wait3A = arith.constant 0 : i32
        %dma_wait3A_270 = tpu.memref_slice %arg22[%add3A_263, %dma_wait3A] : memref<10000x128xf32, #tpu.memory_space<vmem_shared>> -> memref<64x128xf32, #tpu.memory_space<vmem_shared>>
        %dma_wait3A_271 = arith.constant 0 : i32
        %dma_wait3A_272 = tpu.memref_slice %arg22[%add3A_263, %dma_wait3A_271] : memref<10000x128xf32, #tpu.memory_space<vmem_shared>> -> memref<64x128xf32, #tpu.memory_space<vmem_shared>>
        tpu.wait_dma2 semaphore(%run_scoped3A : memref<!tpu.dma_semaphore, #tpu.memory_space<semaphore_mem>>) src(%dma_wait3A_272 : memref<64x128xf32, #tpu.memory_space<vmem_shared>>) dst(%arg20 : memref<64x128xf32, #tpu.memory_space<vmem>>)
        tpu.yield
      }) : () -> ()
      %add3A_264 = arith.constant 64 : i32
      %add3A_265 = arith.addi %mul3A_8, %add3A_264 : i32
      "tpu.region"() ({
        %run_scoped3A = tpu.sem_alloc : memref<!tpu.dma_semaphore, #tpu.memory_space<semaphore_mem>>
        %dma_start3A_266 = arith.constant 0 : i32
        %dma_start3A_267 = tpu.memref_slice %arg7[%arg0, %add3A_265, %dma_start3A_266] : memref<2x10000x128xf32, #tpu.memory_space<hbm>> -> memref<1x64x128xf32, #tpu.memory_space<hbm>>
        %dma_start3A_268 = tpu.memref_squeeze %dma_start3A_267 : memref<1x64x128xf32, #tpu.memory_space<hbm>> -> memref<64x128xf32, #tpu.memory_space<hbm>>
        %dma_start3A_269 = arith.constant 0 : i32
        %dma_start3A_270 = tpu.memref_slice %arg7[%arg0, %add3A_265, %dma_start3A_269] : memref<2x10000x128xf32, #tpu.memory_space<hbm>> -> memref<1x64x128xf32, #tpu.memory_space<hbm>>
        %dma_start3A_271 = tpu.memref_squeeze %dma_start3A_270 : memref<1x64x128xf32, #tpu.memory_space<hbm>> -> memref<64x128xf32, #tpu.memory_space<hbm>>
        tpu.enqueue_dma source(%arg20 : memref<64x128xf32, #tpu.memory_space<vmem>>) target(%dma_start3A_271 : memref<64x128xf32, #tpu.memory_space<hbm>>) target_semaphore(%run_scoped3A : memref<!tpu.dma_semaphore, #tpu.memory_space<semaphore_mem>>)
        %dma_wait3A = arith.constant 0 : i32
        %dma_wait3A_272 = tpu.memref_slice %arg7[%arg0, %add3A_265, %dma_wait3A] : memref<2x10000x128xf32, #tpu.memory_space<hbm>> -> memref<1x64x128xf32, #tpu.memory_space<hbm>>
        %dma_wait3A_273 = tpu.memref_squeeze %dma_wait3A_272 : memref<1x64x128xf32, #tpu.memory_space<hbm>> -> memref<64x128xf32, #tpu.memory_space<hbm>>
        %dma_wait3A_274 = arith.constant 0 : i32
        %dma_wait3A_275 = tpu.memref_slice %arg7[%arg0, %add3A_265, %dma_wait3A_274] : memref<2x10000x128xf32, #tpu.memory_space<hbm>> -> memref<1x64x128xf32, #tpu.memory_space<hbm>>
        %dma_wait3A_276 = tpu.memref_squeeze %dma_wait3A_275 : memref<1x64x128xf32, #tpu.memory_space<hbm>> -> memref<64x128xf32, #tpu.memory_space<hbm>>
        tpu.wait_dma2 semaphore(%run_scoped3A : memref<!tpu.dma_semaphore, #tpu.memory_space<semaphore_mem>>) src(%arg20 : memref<64x128xf32, #tpu.memory_space<vmem>>) dst(%dma_wait3A_276 : memref<64x128xf32, #tpu.memory_space<hbm>>)
        tpu.yield
      }) : () -> ()
    } else {
    }
    %add3A_185 = arith.constant 128 : i32
    %add3A_186 = arith.addi %mul3A_8, %add3A_185 : i32
    %add3A_187 = arith.constant 64 : i32
    %add3A_188 = arith.addi %add3A_186, %add3A_187 : i32
    %le3A_189 = arith.constant 10000 : i32
    %le3A_190 = arith.cmpi sle, %add3A_188, %le3A_189 : i32
    %convert_element_type3A_191 = arith.extui %le3A_190 : i1 to i32
    %cond3A_192 = arith.constant 0 : i32
    %cond3A_193 = arith.cmpi ne, %convert_element_type3A_191, %cond3A_192 : i32
    scf.if %cond3A_193 {
      %add3A_262 = arith.constant 128 : i32
      %add3A_263 = arith.addi %mul3A_8, %add3A_262 : i32
      "tpu.region"() ({
        %run_scoped3A = tpu.sem_alloc : memref<!tpu.dma_semaphore, #tpu.memory_space<semaphore_mem>>
        %dma_start3A_266 = arith.constant 0 : i32
        %dma_start3A_267 = tpu.memref_slice %arg22[%add3A_263, %dma_start3A_266] : memref<10000x128xf32, #tpu.memory_space<vmem_shared>> -> memref<64x128xf32, #tpu.memory_space<vmem_shared>>
        %dma_start3A_268 = arith.constant 0 : i32
        %dma_start3A_269 = tpu.memref_slice %arg22[%add3A_263, %dma_start3A_268] : memref<10000x128xf32, #tpu.memory_space<vmem_shared>> -> memref<64x128xf32, #tpu.memory_space<vmem_shared>>
        tpu.enqueue_dma source(%dma_start3A_269 : memref<64x128xf32, #tpu.memory_space<vmem_shared>>) target(%arg20 : memref<64x128xf32, #tpu.memory_space<vmem>>) target_semaphore(%run_scoped3A : memref<!tpu.dma_semaphore, #tpu.memory_space<semaphore_mem>>)
        %dma_wait3A = arith.constant 0 : i32
        %dma_wait3A_270 = tpu.memref_slice %arg22[%add3A_263, %dma_wait3A] : memref<10000x128xf32, #tpu.memory_space<vmem_shared>> -> memref<64x128xf32, #tpu.memory_space<vmem_shared>>
        %dma_wait3A_271 = arith.constant 0 : i32
        %dma_wait3A_272 = tpu.memref_slice %arg22[%add3A_263, %dma_wait3A_271] : memref<10000x128xf32, #tpu.memory_space<vmem_shared>> -> memref<64x128xf32, #tpu.memory_space<vmem_shared>>
        tpu.wait_dma2 semaphore(%run_scoped3A : memref<!tpu.dma_semaphore, #tpu.memory_space<semaphore_mem>>) src(%dma_wait3A_272 : memref<64x128xf32, #tpu.memory_space<vmem_shared>>) dst(%arg20 : memref<64x128xf32, #tpu.memory_space<vmem>>)
        tpu.yield
      }) : () -> ()
      %add3A_264 = arith.constant 128 : i32
      %add3A_265 = arith.addi %mul3A_8, %add3A_264 : i32
      "tpu.region"() ({
        %run_scoped3A = tpu.sem_alloc : memref<!tpu.dma_semaphore, #tpu.memory_space<semaphore_mem>>
        %dma_start3A_266 = arith.constant 0 : i32
        %dma_start3A_267 = tpu.memref_slice %arg7[%arg0, %add3A_265, %dma_start3A_266] : memref<2x10000x128xf32, #tpu.memory_space<hbm>> -> memref<1x64x128xf32, #tpu.memory_space<hbm>>
        %dma_start3A_268 = tpu.memref_squeeze %dma_start3A_267 : memref<1x64x128xf32, #tpu.memory_space<hbm>> -> memref<64x128xf32, #tpu.memory_space<hbm>>
        %dma_start3A_269 = arith.constant 0 : i32
        %dma_start3A_270 = tpu.memref_slice %arg7[%arg0, %add3A_265, %dma_start3A_269] : memref<2x10000x128xf32, #tpu.memory_space<hbm>> -> memref<1x64x128xf32, #tpu.memory_space<hbm>>
        %dma_start3A_271 = tpu.memref_squeeze %dma_start3A_270 : memref<1x64x128xf32, #tpu.memory_space<hbm>> -> memref<64x128xf32, #tpu.memory_space<hbm>>
        tpu.enqueue_dma source(%arg20 : memref<64x128xf32, #tpu.memory_space<vmem>>) target(%dma_start3A_271 : memref<64x128xf32, #tpu.memory_space<hbm>>) target_semaphore(%run_scoped3A : memref<!tpu.dma_semaphore, #tpu.memory_space<semaphore_mem>>)
        %dma_wait3A = arith.constant 0 : i32
        %dma_wait3A_272 = tpu.memref_slice %arg7[%arg0, %add3A_265, %dma_wait3A] : memref<2x10000x128xf32, #tpu.memory_space<hbm>> -> memref<1x64x128xf32, #tpu.memory_space<hbm>>
        %dma_wait3A_273 = tpu.memref_squeeze %dma_wait3A_272 : memref<1x64x128xf32, #tpu.memory_space<hbm>> -> memref<64x128xf32, #tpu.memory_space<hbm>>
        %dma_wait3A_274 = arith.constant 0 : i32
        %dma_wait3A_275 = tpu.memref_slice %arg7[%arg0, %add3A_265, %dma_wait3A_274] : memref<2x10000x128xf32, #tpu.memory_space<hbm>> -> memref<1x64x128xf32, #tpu.memory_space<hbm>>
        %dma_wait3A_276 = tpu.memref_squeeze %dma_wait3A_275 : memref<1x64x128xf32, #tpu.memory_space<hbm>> -> memref<64x128xf32, #tpu.memory_space<hbm>>
        tpu.wait_dma2 semaphore(%run_scoped3A : memref<!tpu.dma_semaphore, #tpu.memory_space<semaphore_mem>>) src(%arg20 : memref<64x128xf32, #tpu.memory_space<vmem>>) dst(%dma_wait3A_276 : memref<64x128xf32, #tpu.memory_space<hbm>>)
        tpu.yield
      }) : () -> ()
    } else {
    }
    %add3A_194 = arith.constant 192 : i32
    %add3A_195 = arith.addi %mul3A_8, %add3A_194 : i32
    %add3A_196 = arith.constant 64 : i32
    %add3A_197 = arith.addi %add3A_195, %add3A_196 : i32
    %le3A_198 = arith.constant 10000 : i32
    %le3A_199 = arith.cmpi sle, %add3A_197, %le3A_198 : i32
    %convert_element_type3A_200 = arith.extui %le3A_199 : i1 to i32
    %cond3A_201 = arith.constant 0 : i32
    %cond3A_202 = arith.cmpi ne, %convert_element_type3A_200, %cond3A_201 : i32
    scf.if %cond3A_202 {
      %add3A_262 = arith.constant 192 : i32
      %add3A_263 = arith.addi %mul3A_8, %add3A_262 : i32
      "tpu.region"() ({
        %run_scoped3A = tpu.sem_alloc : memref<!tpu.dma_semaphore, #tpu.memory_space<semaphore_mem>>
        %dma_start3A_266 = arith.constant 0 : i32
        %dma_start3A_267 = tpu.memref_slice %arg22[%add3A_263, %dma_start3A_266] : memref<10000x128xf32, #tpu.memory_space<vmem_shared>> -> memref<64x128xf32, #tpu.memory_space<vmem_shared>>
        %dma_start3A_268 = arith.constant 0 : i32
        %dma_start3A_269 = tpu.memref_slice %arg22[%add3A_263, %dma_start3A_268] : memref<10000x128xf32, #tpu.memory_space<vmem_shared>> -> memref<64x128xf32, #tpu.memory_space<vmem_shared>>
        tpu.enqueue_dma source(%dma_start3A_269 : memref<64x128xf32, #tpu.memory_space<vmem_shared>>) target(%arg20 : memref<64x128xf32, #tpu.memory_space<vmem>>) target_semaphore(%run_scoped3A : memref<!tpu.dma_semaphore, #tpu.memory_space<semaphore_mem>>)
        %dma_wait3A = arith.constant 0 : i32
        %dma_wait3A_270 = tpu.memref_slice %arg22[%add3A_263, %dma_wait3A] : memref<10000x128xf32, #tpu.memory_space<vmem_shared>> -> memref<64x128xf32, #tpu.memory_space<vmem_shared>>
        %dma_wait3A_271 = arith.constant 0 : i32
        %dma_wait3A_272 = tpu.memref_slice %arg22[%add3A_263, %dma_wait3A_271] : memref<10000x128xf32, #tpu.memory_space<vmem_shared>> -> memref<64x128xf32, #tpu.memory_space<vmem_shared>>
        tpu.wait_dma2 semaphore(%run_scoped3A : memref<!tpu.dma_semaphore, #tpu.memory_space<semaphore_mem>>) src(%dma_wait3A_272 : memref<64x128xf32, #tpu.memory_space<vmem_shared>>) dst(%arg20 : memref<64x128xf32, #tpu.memory_space<vmem>>)
        tpu.yield
      }) : () -> ()
      %add3A_264 = arith.constant 192 : i32
      %add3A_265 = arith.addi %mul3A_8, %add3A_264 : i32
      "tpu.region"() ({
        %run_scoped3A = tpu.sem_alloc : memref<!tpu.dma_semaphore, #tpu.memory_space<semaphore_mem>>
        %dma_start3A_266 = arith.constant 0 : i32
        %dma_start3A_267 = tpu.memref_slice %arg7[%arg0, %add3A_265, %dma_start3A_266] : memref<2x10000x128xf32, #tpu.memory_space<hbm>> -> memref<1x64x128xf32, #tpu.memory_space<hbm>>
        %dma_start3A_268 = tpu.memref_squeeze %dma_start3A_267 : memref<1x64x128xf32, #tpu.memory_space<hbm>> -> memref<64x128xf32, #tpu.memory_space<hbm>>
        %dma_start3A_269 = arith.constant 0 : i32
        %dma_start3A_270 = tpu.memref_slice %arg7[%arg0, %add3A_265, %dma_start3A_269] : memref<2x10000x128xf32, #tpu.memory_space<hbm>> -> memref<1x64x128xf32, #tpu.memory_space<hbm>>
        %dma_start3A_271 = tpu.memref_squeeze %dma_start3A_270 : memref<1x64x128xf32, #tpu.memory_space<hbm>> -> memref<64x128xf32, #tpu.memory_space<hbm>>
        tpu.enqueue_dma source(%arg20 : memref<64x128xf32, #tpu.memory_space<vmem>>) target(%dma_start3A_271 : memref<64x128xf32, #tpu.memory_space<hbm>>) target_semaphore(%run_scoped3A : memref<!tpu.dma_semaphore, #tpu.memory_space<semaphore_mem>>)
        %dma_wait3A = arith.constant 0 : i32
        %dma_wait3A_272 = tpu.memref_slice %arg7[%arg0, %add3A_265, %dma_wait3A] : memref<2x10000x128xf32, #tpu.memory_space<hbm>> -> memref<1x64x128xf32, #tpu.memory_space<hbm>>
        %dma_wait3A_273 = tpu.memref_squeeze %dma_wait3A_272 : memref<1x64x128xf32, #tpu.memory_space<hbm>> -> memref<64x128xf32, #tpu.memory_space<hbm>>
        %dma_wait3A_274 = arith.constant 0 : i32
        %dma_wait3A_275 = tpu.memref_slice %arg7[%arg0, %add3A_265, %dma_wait3A_274] : memref<2x10000x128xf32, #tpu.memory_space<hbm>> -> memref<1x64x128xf32, #tpu.memory_space<hbm>>
        %dma_wait3A_276 = tpu.memref_squeeze %dma_wait3A_275 : memref<1x64x128xf32, #tpu.memory_space<hbm>> -> memref<64x128xf32, #tpu.memory_space<hbm>>
        tpu.wait_dma2 semaphore(%run_scoped3A : memref<!tpu.dma_semaphore, #tpu.memory_space<semaphore_mem>>) src(%arg20 : memref<64x128xf32, #tpu.memory_space<vmem>>) dst(%dma_wait3A_276 : memref<64x128xf32, #tpu.memory_space<hbm>>)
        tpu.yield
      }) : () -> ()
    } else {
    }
    %add3A_203 = arith.constant 256 : i32
    %add3A_204 = arith.addi %mul3A_8, %add3A_203 : i32
    %add3A_205 = arith.constant 64 : i32
    %add3A_206 = arith.addi %add3A_204, %add3A_205 : i32
    %le3A_207 = arith.constant 10000 : i32
    %le3A_208 = arith.cmpi sle, %add3A_206, %le3A_207 : i32
    %convert_element_type3A_209 = arith.extui %le3A_208 : i1 to i32
    %cond3A_210 = arith.constant 0 : i32
    %cond3A_211 = arith.cmpi ne, %convert_element_type3A_209, %cond3A_210 : i32
    scf.if %cond3A_211 {
      %add3A_262 = arith.constant 256 : i32
      %add3A_263 = arith.addi %mul3A_8, %add3A_262 : i32
      "tpu.region"() ({
        %run_scoped3A = tpu.sem_alloc : memref<!tpu.dma_semaphore, #tpu.memory_space<semaphore_mem>>
        %dma_start3A_266 = arith.constant 0 : i32
        %dma_start3A_267 = tpu.memref_slice %arg22[%add3A_263, %dma_start3A_266] : memref<10000x128xf32, #tpu.memory_space<vmem_shared>> -> memref<64x128xf32, #tpu.memory_space<vmem_shared>>
        %dma_start3A_268 = arith.constant 0 : i32
        %dma_start3A_269 = tpu.memref_slice %arg22[%add3A_263, %dma_start3A_268] : memref<10000x128xf32, #tpu.memory_space<vmem_shared>> -> memref<64x128xf32, #tpu.memory_space<vmem_shared>>
        tpu.enqueue_dma source(%dma_start3A_269 : memref<64x128xf32, #tpu.memory_space<vmem_shared>>) target(%arg20 : memref<64x128xf32, #tpu.memory_space<vmem>>) target_semaphore(%run_scoped3A : memref<!tpu.dma_semaphore, #tpu.memory_space<semaphore_mem>>)
        %dma_wait3A = arith.constant 0 : i32
        %dma_wait3A_270 = tpu.memref_slice %arg22[%add3A_263, %dma_wait3A] : memref<10000x128xf32, #tpu.memory_space<vmem_shared>> -> memref<64x128xf32, #tpu.memory_space<vmem_shared>>
        %dma_wait3A_271 = arith.constant 0 : i32
        %dma_wait3A_272 = tpu.memref_slice %arg22[%add3A_263, %dma_wait3A_271] : memref<10000x128xf32, #tpu.memory_space<vmem_shared>> -> memref<64x128xf32, #tpu.memory_space<vmem_shared>>
        tpu.wait_dma2 semaphore(%run_scoped3A : memref<!tpu.dma_semaphore, #tpu.memory_space<semaphore_mem>>) src(%dma_wait3A_272 : memref<64x128xf32, #tpu.memory_space<vmem_shared>>) dst(%arg20 : memref<64x128xf32, #tpu.memory_space<vmem>>)
        tpu.yield
      }) : () -> ()
      %add3A_264 = arith.constant 256 : i32
      %add3A_265 = arith.addi %mul3A_8, %add3A_264 : i32
      "tpu.region"() ({
        %run_scoped3A = tpu.sem_alloc : memref<!tpu.dma_semaphore, #tpu.memory_space<semaphore_mem>>
        %dma_start3A_266 = arith.constant 0 : i32
        %dma_start3A_267 = tpu.memref_slice %arg7[%arg0, %add3A_265, %dma_start3A_266] : memref<2x10000x128xf32, #tpu.memory_space<hbm>> -> memref<1x64x128xf32, #tpu.memory_space<hbm>>
        %dma_start3A_268 = tpu.memref_squeeze %dma_start3A_267 : memref<1x64x128xf32, #tpu.memory_space<hbm>> -> memref<64x128xf32, #tpu.memory_space<hbm>>
        %dma_start3A_269 = arith.constant 0 : i32
        %dma_start3A_270 = tpu.memref_slice %arg7[%arg0, %add3A_265, %dma_start3A_269] : memref<2x10000x128xf32, #tpu.memory_space<hbm>> -> memref<1x64x128xf32, #tpu.memory_space<hbm>>
        %dma_start3A_271 = tpu.memref_squeeze %dma_start3A_270 : memref<1x64x128xf32, #tpu.memory_space<hbm>> -> memref<64x128xf32, #tpu.memory_space<hbm>>
        tpu.enqueue_dma source(%arg20 : memref<64x128xf32, #tpu.memory_space<vmem>>) target(%dma_start3A_271 : memref<64x128xf32, #tpu.memory_space<hbm>>) target_semaphore(%run_scoped3A : memref<!tpu.dma_semaphore, #tpu.memory_space<semaphore_mem>>)
        %dma_wait3A = arith.constant 0 : i32
        %dma_wait3A_272 = tpu.memref_slice %arg7[%arg0, %add3A_265, %dma_wait3A] : memref<2x10000x128xf32, #tpu.memory_space<hbm>> -> memref<1x64x128xf32, #tpu.memory_space<hbm>>
        %dma_wait3A_273 = tpu.memref_squeeze %dma_wait3A_272 : memref<1x64x128xf32, #tpu.memory_space<hbm>> -> memref<64x128xf32, #tpu.memory_space<hbm>>
        %dma_wait3A_274 = arith.constant 0 : i32
        %dma_wait3A_275 = tpu.memref_slice %arg7[%arg0, %add3A_265, %dma_wait3A_274] : memref<2x10000x128xf32, #tpu.memory_space<hbm>> -> memref<1x64x128xf32, #tpu.memory_space<hbm>>
        %dma_wait3A_276 = tpu.memref_squeeze %dma_wait3A_275 : memref<1x64x128xf32, #tpu.memory_space<hbm>> -> memref<64x128xf32, #tpu.memory_space<hbm>>
        tpu.wait_dma2 semaphore(%run_scoped3A : memref<!tpu.dma_semaphore, #tpu.memory_space<semaphore_mem>>) src(%arg20 : memref<64x128xf32, #tpu.memory_space<vmem>>) dst(%dma_wait3A_276 : memref<64x128xf32, #tpu.memory_space<hbm>>)
        tpu.yield
      }) : () -> ()
    } else {
    }
    %add3A_212 = arith.constant 320 : i32
    %add3A_213 = arith.addi %mul3A_8, %add3A_212 : i32
    %add3A_214 = arith.constant 64 : i32
    %add3A_215 = arith.addi %add3A_213, %add3A_214 : i32
    %le3A_216 = arith.constant 10000 : i32
    %le3A_217 = arith.cmpi sle, %add3A_215, %le3A_216 : i32
    %convert_element_type3A_218 = arith.extui %le3A_217 : i1 to i32
    %cond3A_219 = arith.constant 0 : i32
    %cond3A_220 = arith.cmpi ne, %convert_element_type3A_218, %cond3A_219 : i32
    scf.if %cond3A_220 {
      %add3A_262 = arith.constant 320 : i32
      %add3A_263 = arith.addi %mul3A_8, %add3A_262 : i32
      "tpu.region"() ({
        %run_scoped3A = tpu.sem_alloc : memref<!tpu.dma_semaphore, #tpu.memory_space<semaphore_mem>>
        %dma_start3A_266 = arith.constant 0 : i32
        %dma_start3A_267 = tpu.memref_slice %arg22[%add3A_263, %dma_start3A_266] : memref<10000x128xf32, #tpu.memory_space<vmem_shared>> -> memref<64x128xf32, #tpu.memory_space<vmem_shared>>
        %dma_start3A_268 = arith.constant 0 : i32
        %dma_start3A_269 = tpu.memref_slice %arg22[%add3A_263, %dma_start3A_268] : memref<10000x128xf32, #tpu.memory_space<vmem_shared>> -> memref<64x128xf32, #tpu.memory_space<vmem_shared>>
        tpu.enqueue_dma source(%dma_start3A_269 : memref<64x128xf32, #tpu.memory_space<vmem_shared>>) target(%arg20 : memref<64x128xf32, #tpu.memory_space<vmem>>) target_semaphore(%run_scoped3A : memref<!tpu.dma_semaphore, #tpu.memory_space<semaphore_mem>>)
        %dma_wait3A = arith.constant 0 : i32
        %dma_wait3A_270 = tpu.memref_slice %arg22[%add3A_263, %dma_wait3A] : memref<10000x128xf32, #tpu.memory_space<vmem_shared>> -> memref<64x128xf32, #tpu.memory_space<vmem_shared>>
        %dma_wait3A_271 = arith.constant 0 : i32
        %dma_wait3A_272 = tpu.memref_slice %arg22[%add3A_263, %dma_wait3A_271] : memref<10000x128xf32, #tpu.memory_space<vmem_shared>> -> memref<64x128xf32, #tpu.memory_space<vmem_shared>>
        tpu.wait_dma2 semaphore(%run_scoped3A : memref<!tpu.dma_semaphore, #tpu.memory_space<semaphore_mem>>) src(%dma_wait3A_272 : memref<64x128xf32, #tpu.memory_space<vmem_shared>>) dst(%arg20 : memref<64x128xf32, #tpu.memory_space<vmem>>)
        tpu.yield
      }) : () -> ()
      %add3A_264 = arith.constant 320 : i32
      %add3A_265 = arith.addi %mul3A_8, %add3A_264 : i32
      "tpu.region"() ({
        %run_scoped3A = tpu.sem_alloc : memref<!tpu.dma_semaphore, #tpu.memory_space<semaphore_mem>>
        %dma_start3A_266 = arith.constant 0 : i32
        %dma_start3A_267 = tpu.memref_slice %arg7[%arg0, %add3A_265, %dma_start3A_266] : memref<2x10000x128xf32, #tpu.memory_space<hbm>> -> memref<1x64x128xf32, #tpu.memory_space<hbm>>
        %dma_start3A_268 = tpu.memref_squeeze %dma_start3A_267 : memref<1x64x128xf32, #tpu.memory_space<hbm>> -> memref<64x128xf32, #tpu.memory_space<hbm>>
        %dma_start3A_269 = arith.constant 0 : i32
        %dma_start3A_270 = tpu.memref_slice %arg7[%arg0, %add3A_265, %dma_start3A_269] : memref<2x10000x128xf32, #tpu.memory_space<hbm>> -> memref<1x64x128xf32, #tpu.memory_space<hbm>>
        %dma_start3A_271 = tpu.memref_squeeze %dma_start3A_270 : memref<1x64x128xf32, #tpu.memory_space<hbm>> -> memref<64x128xf32, #tpu.memory_space<hbm>>
        tpu.enqueue_dma source(%arg20 : memref<64x128xf32, #tpu.memory_space<vmem>>) target(%dma_start3A_271 : memref<64x128xf32, #tpu.memory_space<hbm>>) target_semaphore(%run_scoped3A : memref<!tpu.dma_semaphore, #tpu.memory_space<semaphore_mem>>)
        %dma_wait3A = arith.constant 0 : i32
        %dma_wait3A_272 = tpu.memref_slice %arg7[%arg0, %add3A_265, %dma_wait3A] : memref<2x10000x128xf32, #tpu.memory_space<hbm>> -> memref<1x64x128xf32, #tpu.memory_space<hbm>>
        %dma_wait3A_273 = tpu.memref_squeeze %dma_wait3A_272 : memref<1x64x128xf32, #tpu.memory_space<hbm>> -> memref<64x128xf32, #tpu.memory_space<hbm>>
        %dma_wait3A_274 = arith.constant 0 : i32
        %dma_wait3A_275 = tpu.memref_slice %arg7[%arg0, %add3A_265, %dma_wait3A_274] : memref<2x10000x128xf32, #tpu.memory_space<hbm>> -> memref<1x64x128xf32, #tpu.memory_space<hbm>>
        %dma_wait3A_276 = tpu.memref_squeeze %dma_wait3A_275 : memref<1x64x128xf32, #tpu.memory_space<hbm>> -> memref<64x128xf32, #tpu.memory_space<hbm>>
        tpu.wait_dma2 semaphore(%run_scoped3A : memref<!tpu.dma_semaphore, #tpu.memory_space<semaphore_mem>>) src(%arg20 : memref<64x128xf32, #tpu.memory_space<vmem>>) dst(%dma_wait3A_276 : memref<64x128xf32, #tpu.memory_space<hbm>>)
        tpu.yield
      }) : () -> ()
    } else {
    }
    %add3A_221 = arith.constant 384 : i32
    %add3A_222 = arith.addi %mul3A_8, %add3A_221 : i32
    %add3A_223 = arith.constant 64 : i32
    %add3A_224 = arith.addi %add3A_222, %add3A_223 : i32
    %le3A_225 = arith.constant 10000 : i32
    %le3A_226 = arith.cmpi sle, %add3A_224, %le3A_225 : i32
    %convert_element_type3A_227 = arith.extui %le3A_226 : i1 to i32
    %cond3A_228 = arith.constant 0 : i32
    %cond3A_229 = arith.cmpi ne, %convert_element_type3A_227, %cond3A_228 : i32
    scf.if %cond3A_229 {
      %add3A_262 = arith.constant 384 : i32
      %add3A_263 = arith.addi %mul3A_8, %add3A_262 : i32
      "tpu.region"() ({
        %run_scoped3A = tpu.sem_alloc : memref<!tpu.dma_semaphore, #tpu.memory_space<semaphore_mem>>
        %dma_start3A_266 = arith.constant 0 : i32
        %dma_start3A_267 = tpu.memref_slice %arg22[%add3A_263, %dma_start3A_266] : memref<10000x128xf32, #tpu.memory_space<vmem_shared>> -> memref<64x128xf32, #tpu.memory_space<vmem_shared>>
        %dma_start3A_268 = arith.constant 0 : i32
        %dma_start3A_269 = tpu.memref_slice %arg22[%add3A_263, %dma_start3A_268] : memref<10000x128xf32, #tpu.memory_space<vmem_shared>> -> memref<64x128xf32, #tpu.memory_space<vmem_shared>>
        tpu.enqueue_dma source(%dma_start3A_269 : memref<64x128xf32, #tpu.memory_space<vmem_shared>>) target(%arg20 : memref<64x128xf32, #tpu.memory_space<vmem>>) target_semaphore(%run_scoped3A : memref<!tpu.dma_semaphore, #tpu.memory_space<semaphore_mem>>)
        %dma_wait3A = arith.constant 0 : i32
        %dma_wait3A_270 = tpu.memref_slice %arg22[%add3A_263, %dma_wait3A] : memref<10000x128xf32, #tpu.memory_space<vmem_shared>> -> memref<64x128xf32, #tpu.memory_space<vmem_shared>>
        %dma_wait3A_271 = arith.constant 0 : i32
        %dma_wait3A_272 = tpu.memref_slice %arg22[%add3A_263, %dma_wait3A_271] : memref<10000x128xf32, #tpu.memory_space<vmem_shared>> -> memref<64x128xf32, #tpu.memory_space<vmem_shared>>
        tpu.wait_dma2 semaphore(%run_scoped3A : memref<!tpu.dma_semaphore, #tpu.memory_space<semaphore_mem>>) src(%dma_wait3A_272 : memref<64x128xf32, #tpu.memory_space<vmem_shared>>) dst(%arg20 : memref<64x128xf32, #tpu.memory_space<vmem>>)
        tpu.yield
      }) : () -> ()
      %add3A_264 = arith.constant 384 : i32
      %add3A_265 = arith.addi %mul3A_8, %add3A_264 : i32
      "tpu.region"() ({
        %run_scoped3A = tpu.sem_alloc : memref<!tpu.dma_semaphore, #tpu.memory_space<semaphore_mem>>
        %dma_start3A_266 = arith.constant 0 : i32
        %dma_start3A_267 = tpu.memref_slice %arg7[%arg0, %add3A_265, %dma_start3A_266] : memref<2x10000x128xf32, #tpu.memory_space<hbm>> -> memref<1x64x128xf32, #tpu.memory_space<hbm>>
        %dma_start3A_268 = tpu.memref_squeeze %dma_start3A_267 : memref<1x64x128xf32, #tpu.memory_space<hbm>> -> memref<64x128xf32, #tpu.memory_space<hbm>>
        %dma_start3A_269 = arith.constant 0 : i32
        %dma_start3A_270 = tpu.memref_slice %arg7[%arg0, %add3A_265, %dma_start3A_269] : memref<2x10000x128xf32, #tpu.memory_space<hbm>> -> memref<1x64x128xf32, #tpu.memory_space<hbm>>
        %dma_start3A_271 = tpu.memref_squeeze %dma_start3A_270 : memref<1x64x128xf32, #tpu.memory_space<hbm>> -> memref<64x128xf32, #tpu.memory_space<hbm>>
        tpu.enqueue_dma source(%arg20 : memref<64x128xf32, #tpu.memory_space<vmem>>) target(%dma_start3A_271 : memref<64x128xf32, #tpu.memory_space<hbm>>) target_semaphore(%run_scoped3A : memref<!tpu.dma_semaphore, #tpu.memory_space<semaphore_mem>>)
        %dma_wait3A = arith.constant 0 : i32
        %dma_wait3A_272 = tpu.memref_slice %arg7[%arg0, %add3A_265, %dma_wait3A] : memref<2x10000x128xf32, #tpu.memory_space<hbm>> -> memref<1x64x128xf32, #tpu.memory_space<hbm>>
        %dma_wait3A_273 = tpu.memref_squeeze %dma_wait3A_272 : memref<1x64x128xf32, #tpu.memory_space<hbm>> -> memref<64x128xf32, #tpu.memory_space<hbm>>
        %dma_wait3A_274 = arith.constant 0 : i32
        %dma_wait3A_275 = tpu.memref_slice %arg7[%arg0, %add3A_265, %dma_wait3A_274] : memref<2x10000x128xf32, #tpu.memory_space<hbm>> -> memref<1x64x128xf32, #tpu.memory_space<hbm>>
        %dma_wait3A_276 = tpu.memref_squeeze %dma_wait3A_275 : memref<1x64x128xf32, #tpu.memory_space<hbm>> -> memref<64x128xf32, #tpu.memory_space<hbm>>
        tpu.wait_dma2 semaphore(%run_scoped3A : memref<!tpu.dma_semaphore, #tpu.memory_space<semaphore_mem>>) src(%arg20 : memref<64x128xf32, #tpu.memory_space<vmem>>) dst(%dma_wait3A_276 : memref<64x128xf32, #tpu.memory_space<hbm>>)
        tpu.yield
      }) : () -> ()
    } else {
    }
    %add3A_230 = arith.constant 448 : i32
    %add3A_231 = arith.addi %mul3A_8, %add3A_230 : i32
    %add3A_232 = arith.constant 64 : i32
    %add3A_233 = arith.addi %add3A_231, %add3A_232 : i32
    %le3A_234 = arith.constant 10000 : i32
    %le3A_235 = arith.cmpi sle, %add3A_233, %le3A_234 : i32
    %convert_element_type3A_236 = arith.extui %le3A_235 : i1 to i32
    %cond3A_237 = arith.constant 0 : i32
    %cond3A_238 = arith.cmpi ne, %convert_element_type3A_236, %cond3A_237 : i32
    scf.if %cond3A_238 {
      %add3A_262 = arith.constant 448 : i32
      %add3A_263 = arith.addi %mul3A_8, %add3A_262 : i32
      "tpu.region"() ({
        %run_scoped3A = tpu.sem_alloc : memref<!tpu.dma_semaphore, #tpu.memory_space<semaphore_mem>>
        %dma_start3A_266 = arith.constant 0 : i32
        %dma_start3A_267 = tpu.memref_slice %arg22[%add3A_263, %dma_start3A_266] : memref<10000x128xf32, #tpu.memory_space<vmem_shared>> -> memref<64x128xf32, #tpu.memory_space<vmem_shared>>
        %dma_start3A_268 = arith.constant 0 : i32
        %dma_start3A_269 = tpu.memref_slice %arg22[%add3A_263, %dma_start3A_268] : memref<10000x128xf32, #tpu.memory_space<vmem_shared>> -> memref<64x128xf32, #tpu.memory_space<vmem_shared>>
        tpu.enqueue_dma source(%dma_start3A_269 : memref<64x128xf32, #tpu.memory_space<vmem_shared>>) target(%arg20 : memref<64x128xf32, #tpu.memory_space<vmem>>) target_semaphore(%run_scoped3A : memref<!tpu.dma_semaphore, #tpu.memory_space<semaphore_mem>>)
        %dma_wait3A = arith.constant 0 : i32
        %dma_wait3A_270 = tpu.memref_slice %arg22[%add3A_263, %dma_wait3A] : memref<10000x128xf32, #tpu.memory_space<vmem_shared>> -> memref<64x128xf32, #tpu.memory_space<vmem_shared>>
        %dma_wait3A_271 = arith.constant 0 : i32
        %dma_wait3A_272 = tpu.memref_slice %arg22[%add3A_263, %dma_wait3A_271] : memref<10000x128xf32, #tpu.memory_space<vmem_shared>> -> memref<64x128xf32, #tpu.memory_space<vmem_shared>>
        tpu.wait_dma2 semaphore(%run_scoped3A : memref<!tpu.dma_semaphore, #tpu.memory_space<semaphore_mem>>) src(%dma_wait3A_272 : memref<64x128xf32, #tpu.memory_space<vmem_shared>>) dst(%arg20 : memref<64x128xf32, #tpu.memory_space<vmem>>)
        tpu.yield
      }) : () -> ()
      %add3A_264 = arith.constant 448 : i32
      %add3A_265 = arith.addi %mul3A_8, %add3A_264 : i32
      "tpu.region"() ({
        %run_scoped3A = tpu.sem_alloc : memref<!tpu.dma_semaphore, #tpu.memory_space<semaphore_mem>>
        %dma_start3A_266 = arith.constant 0 : i32
        %dma_start3A_267 = tpu.memref_slice %arg7[%arg0, %add3A_265, %dma_start3A_266] : memref<2x10000x128xf32, #tpu.memory_space<hbm>> -> memref<1x64x128xf32, #tpu.memory_space<hbm>>
        %dma_start3A_268 = tpu.memref_squeeze %dma_start3A_267 : memref<1x64x128xf32, #tpu.memory_space<hbm>> -> memref<64x128xf32, #tpu.memory_space<hbm>>
        %dma_start3A_269 = arith.constant 0 : i32
        %dma_start3A_270 = tpu.memref_slice %arg7[%arg0, %add3A_265, %dma_start3A_269] : memref<2x10000x128xf32, #tpu.memory_space<hbm>> -> memref<1x64x128xf32, #tpu.memory_space<hbm>>
        %dma_start3A_271 = tpu.memref_squeeze %dma_start3A_270 : memref<1x64x128xf32, #tpu.memory_space<hbm>> -> memref<64x128xf32, #tpu.memory_space<hbm>>
        tpu.enqueue_dma source(%arg20 : memref<64x128xf32, #tpu.memory_space<vmem>>) target(%dma_start3A_271 : memref<64x128xf32, #tpu.memory_space<hbm>>) target_semaphore(%run_scoped3A : memref<!tpu.dma_semaphore, #tpu.memory_space<semaphore_mem>>)
        %dma_wait3A = arith.constant 0 : i32
        %dma_wait3A_272 = tpu.memref_slice %arg7[%arg0, %add3A_265, %dma_wait3A] : memref<2x10000x128xf32, #tpu.memory_space<hbm>> -> memref<1x64x128xf32, #tpu.memory_space<hbm>>
        %dma_wait3A_273 = tpu.memref_squeeze %dma_wait3A_272 : memref<1x64x128xf32, #tpu.memory_space<hbm>> -> memref<64x128xf32, #tpu.memory_space<hbm>>
        %dma_wait3A_274 = arith.constant 0 : i32
        %dma_wait3A_275 = tpu.memref_slice %arg7[%arg0, %add3A_265, %dma_wait3A_274] : memref<2x10000x128xf32, #tpu.memory_space<hbm>> -> memref<1x64x128xf32, #tpu.memory_space<hbm>>
        %dma_wait3A_276 = tpu.memref_squeeze %dma_wait3A_275 : memref<1x64x128xf32, #tpu.memory_space<hbm>> -> memref<64x128xf32, #tpu.memory_space<hbm>>
        tpu.wait_dma2 semaphore(%run_scoped3A : memref<!tpu.dma_semaphore, #tpu.memory_space<semaphore_mem>>) src(%arg20 : memref<64x128xf32, #tpu.memory_space<vmem>>) dst(%dma_wait3A_276 : memref<64x128xf32, #tpu.memory_space<hbm>>)
        tpu.yield
      }) : () -> ()
    } else {
    }
    %add3A_239 = arith.constant 512 : i32
    %add3A_240 = arith.addi %mul3A_8, %add3A_239 : i32
    %add3A_241 = arith.constant 64 : i32
    %add3A_242 = arith.addi %add3A_240, %add3A_241 : i32
    %le3A_243 = arith.constant 10000 : i32
    %le3A_244 = arith.cmpi sle, %add3A_242, %le3A_243 : i32
    %convert_element_type3A_245 = arith.extui %le3A_244 : i1 to i32
    %cond3A_246 = arith.constant 0 : i32
    %cond3A_247 = arith.cmpi ne, %convert_element_type3A_245, %cond3A_246 : i32
    scf.if %cond3A_247 {
      %add3A_262 = arith.constant 512 : i32
      %add3A_263 = arith.addi %mul3A_8, %add3A_262 : i32
      "tpu.region"() ({
        %run_scoped3A = tpu.sem_alloc : memref<!tpu.dma_semaphore, #tpu.memory_space<semaphore_mem>>
        %dma_start3A_266 = arith.constant 0 : i32
        %dma_start3A_267 = tpu.memref_slice %arg22[%add3A_263, %dma_start3A_266] : memref<10000x128xf32, #tpu.memory_space<vmem_shared>> -> memref<64x128xf32, #tpu.memory_space<vmem_shared>>
        %dma_start3A_268 = arith.constant 0 : i32
        %dma_start3A_269 = tpu.memref_slice %arg22[%add3A_263, %dma_start3A_268] : memref<10000x128xf32, #tpu.memory_space<vmem_shared>> -> memref<64x128xf32, #tpu.memory_space<vmem_shared>>
        tpu.enqueue_dma source(%dma_start3A_269 : memref<64x128xf32, #tpu.memory_space<vmem_shared>>) target(%arg20 : memref<64x128xf32, #tpu.memory_space<vmem>>) target_semaphore(%run_scoped3A : memref<!tpu.dma_semaphore, #tpu.memory_space<semaphore_mem>>)
        %dma_wait3A = arith.constant 0 : i32
        %dma_wait3A_270 = tpu.memref_slice %arg22[%add3A_263, %dma_wait3A] : memref<10000x128xf32, #tpu.memory_space<vmem_shared>> -> memref<64x128xf32, #tpu.memory_space<vmem_shared>>
        %dma_wait3A_271 = arith.constant 0 : i32
        %dma_wait3A_272 = tpu.memref_slice %arg22[%add3A_263, %dma_wait3A_271] : memref<10000x128xf32, #tpu.memory_space<vmem_shared>> -> memref<64x128xf32, #tpu.memory_space<vmem_shared>>
        tpu.wait_dma2 semaphore(%run_scoped3A : memref<!tpu.dma_semaphore, #tpu.memory_space<semaphore_mem>>) src(%dma_wait3A_272 : memref<64x128xf32, #tpu.memory_space<vmem_shared>>) dst(%arg20 : memref<64x128xf32, #tpu.memory_space<vmem>>)
        tpu.yield
      }) : () -> ()
      %add3A_264 = arith.constant 512 : i32
      %add3A_265 = arith.addi %mul3A_8, %add3A_264 : i32
      "tpu.region"() ({
        %run_scoped3A = tpu.sem_alloc : memref<!tpu.dma_semaphore, #tpu.memory_space<semaphore_mem>>
        %dma_start3A_266 = arith.constant 0 : i32
        %dma_start3A_267 = tpu.memref_slice %arg7[%arg0, %add3A_265, %dma_start3A_266] : memref<2x10000x128xf32, #tpu.memory_space<hbm>> -> memref<1x64x128xf32, #tpu.memory_space<hbm>>
        %dma_start3A_268 = tpu.memref_squeeze %dma_start3A_267 : memref<1x64x128xf32, #tpu.memory_space<hbm>> -> memref<64x128xf32, #tpu.memory_space<hbm>>
        %dma_start3A_269 = arith.constant 0 : i32
        %dma_start3A_270 = tpu.memref_slice %arg7[%arg0, %add3A_265, %dma_start3A_269] : memref<2x10000x128xf32, #tpu.memory_space<hbm>> -> memref<1x64x128xf32, #tpu.memory_space<hbm>>
        %dma_start3A_271 = tpu.memref_squeeze %dma_start3A_270 : memref<1x64x128xf32, #tpu.memory_space<hbm>> -> memref<64x128xf32, #tpu.memory_space<hbm>>
        tpu.enqueue_dma source(%arg20 : memref<64x128xf32, #tpu.memory_space<vmem>>) target(%dma_start3A_271 : memref<64x128xf32, #tpu.memory_space<hbm>>) target_semaphore(%run_scoped3A : memref<!tpu.dma_semaphore, #tpu.memory_space<semaphore_mem>>)
        %dma_wait3A = arith.constant 0 : i32
        %dma_wait3A_272 = tpu.memref_slice %arg7[%arg0, %add3A_265, %dma_wait3A] : memref<2x10000x128xf32, #tpu.memory_space<hbm>> -> memref<1x64x128xf32, #tpu.memory_space<hbm>>
        %dma_wait3A_273 = tpu.memref_squeeze %dma_wait3A_272 : memref<1x64x128xf32, #tpu.memory_space<hbm>> -> memref<64x128xf32, #tpu.memory_space<hbm>>
        %dma_wait3A_274 = arith.constant 0 : i32
        %dma_wait3A_275 = tpu.memref_slice %arg7[%arg0, %add3A_265, %dma_wait3A_274] : memref<2x10000x128xf32, #tpu.memory_space<hbm>> -> memref<1x64x128xf32, #tpu.memory_space<hbm>>
        %dma_wait3A_276 = tpu.memref_squeeze %dma_wait3A_275 : memref<1x64x128xf32, #tpu.memory_space<hbm>> -> memref<64x128xf32, #tpu.memory_space<hbm>>
        tpu.wait_dma2 semaphore(%run_scoped3A : memref<!tpu.dma_semaphore, #tpu.memory_space<semaphore_mem>>) src(%arg20 : memref<64x128xf32, #tpu.memory_space<vmem>>) dst(%dma_wait3A_276 : memref<64x128xf32, #tpu.memory_space<hbm>>)
        tpu.yield
      }) : () -> ()
    } else {
    }
    %add3A_248 = arith.constant 576 : i32
    %add3A_249 = arith.addi %mul3A_8, %add3A_248 : i32
    %add3A_250 = arith.constant 64 : i32
    %add3A_251 = arith.addi %add3A_249, %add3A_250 : i32
    %le3A_252 = arith.constant 10000 : i32
    %le3A_253 = arith.cmpi sle, %add3A_251, %le3A_252 : i32
    %convert_element_type3A_254 = arith.extui %le3A_253 : i1 to i32
    %cond3A_255 = arith.constant 0 : i32
    %cond3A_256 = arith.cmpi ne, %convert_element_type3A_254, %cond3A_255 : i32
    scf.if %cond3A_256 {
      %add3A_262 = arith.constant 576 : i32
      %add3A_263 = arith.addi %mul3A_8, %add3A_262 : i32
      "tpu.region"() ({
        %run_scoped3A = tpu.sem_alloc : memref<!tpu.dma_semaphore, #tpu.memory_space<semaphore_mem>>
        %dma_start3A_266 = arith.constant 0 : i32
        %dma_start3A_267 = tpu.memref_slice %arg22[%add3A_263, %dma_start3A_266] : memref<10000x128xf32, #tpu.memory_space<vmem_shared>> -> memref<64x128xf32, #tpu.memory_space<vmem_shared>>
        %dma_start3A_268 = arith.constant 0 : i32
        %dma_start3A_269 = tpu.memref_slice %arg22[%add3A_263, %dma_start3A_268] : memref<10000x128xf32, #tpu.memory_space<vmem_shared>> -> memref<64x128xf32, #tpu.memory_space<vmem_shared>>
        tpu.enqueue_dma source(%dma_start3A_269 : memref<64x128xf32, #tpu.memory_space<vmem_shared>>) target(%arg20 : memref<64x128xf32, #tpu.memory_space<vmem>>) target_semaphore(%run_scoped3A : memref<!tpu.dma_semaphore, #tpu.memory_space<semaphore_mem>>)
        %dma_wait3A = arith.constant 0 : i32
        %dma_wait3A_270 = tpu.memref_slice %arg22[%add3A_263, %dma_wait3A] : memref<10000x128xf32, #tpu.memory_space<vmem_shared>> -> memref<64x128xf32, #tpu.memory_space<vmem_shared>>
        %dma_wait3A_271 = arith.constant 0 : i32
        %dma_wait3A_272 = tpu.memref_slice %arg22[%add3A_263, %dma_wait3A_271] : memref<10000x128xf32, #tpu.memory_space<vmem_shared>> -> memref<64x128xf32, #tpu.memory_space<vmem_shared>>
        tpu.wait_dma2 semaphore(%run_scoped3A : memref<!tpu.dma_semaphore, #tpu.memory_space<semaphore_mem>>) src(%dma_wait3A_272 : memref<64x128xf32, #tpu.memory_space<vmem_shared>>) dst(%arg20 : memref<64x128xf32, #tpu.memory_space<vmem>>)
        tpu.yield
      }) : () -> ()
      %add3A_264 = arith.constant 576 : i32
      %add3A_265 = arith.addi %mul3A_8, %add3A_264 : i32
      "tpu.region"() ({
        %run_scoped3A = tpu.sem_alloc : memref<!tpu.dma_semaphore, #tpu.memory_space<semaphore_mem>>
        %dma_start3A_266 = arith.constant 0 : i32
        %dma_start3A_267 = tpu.memref_slice %arg7[%arg0, %add3A_265, %dma_start3A_266] : memref<2x10000x128xf32, #tpu.memory_space<hbm>> -> memref<1x64x128xf32, #tpu.memory_space<hbm>>
        %dma_start3A_268 = tpu.memref_squeeze %dma_start3A_267 : memref<1x64x128xf32, #tpu.memory_space<hbm>> -> memref<64x128xf32, #tpu.memory_space<hbm>>
        %dma_start3A_269 = arith.constant 0 : i32
        %dma_start3A_270 = tpu.memref_slice %arg7[%arg0, %add3A_265, %dma_start3A_269] : memref<2x10000x128xf32, #tpu.memory_space<hbm>> -> memref<1x64x128xf32, #tpu.memory_space<hbm>>
        %dma_start3A_271 = tpu.memref_squeeze %dma_start3A_270 : memref<1x64x128xf32, #tpu.memory_space<hbm>> -> memref<64x128xf32, #tpu.memory_space<hbm>>
        tpu.enqueue_dma source(%arg20 : memref<64x128xf32, #tpu.memory_space<vmem>>) target(%dma_start3A_271 : memref<64x128xf32, #tpu.memory_space<hbm>>) target_semaphore(%run_scoped3A : memref<!tpu.dma_semaphore, #tpu.memory_space<semaphore_mem>>)
        %dma_wait3A = arith.constant 0 : i32
        %dma_wait3A_272 = tpu.memref_slice %arg7[%arg0, %add3A_265, %dma_wait3A] : memref<2x10000x128xf32, #tpu.memory_space<hbm>> -> memref<1x64x128xf32, #tpu.memory_space<hbm>>
        %dma_wait3A_273 = tpu.memref_squeeze %dma_wait3A_272 : memref<1x64x128xf32, #tpu.memory_space<hbm>> -> memref<64x128xf32, #tpu.memory_space<hbm>>
        %dma_wait3A_274 = arith.constant 0 : i32
        %dma_wait3A_275 = tpu.memref_slice %arg7[%arg0, %add3A_265, %dma_wait3A_274] : memref<2x10000x128xf32, #tpu.memory_space<hbm>> -> memref<1x64x128xf32, #tpu.memory_space<hbm>>
        %dma_wait3A_276 = tpu.memref_squeeze %dma_wait3A_275 : memref<1x64x128xf32, #tpu.memory_space<hbm>> -> memref<64x128xf32, #tpu.memory_space<hbm>>
        tpu.wait_dma2 semaphore(%run_scoped3A : memref<!tpu.dma_semaphore, #tpu.memory_space<semaphore_mem>>) src(%arg20 : memref<64x128xf32, #tpu.memory_space<vmem>>) dst(%dma_wait3A_276 : memref<64x128xf32, #tpu.memory_space<hbm>>)
        tpu.yield
      }) : () -> ()
    } else {
    }
    %eq3A_257 = arith.constant 15 : i32
    %eq3A_258 = arith.cmpi eq, %arg1, %eq3A_257 : i32
    %convert_element_type3A_259 = arith.extui %eq3A_258 : i1 to i32
    %cond3A_260 = arith.constant 0 : i32
    %cond3A_261 = arith.cmpi ne, %convert_element_type3A_259, %cond3A_260 : i32
    scf.if %cond3A_261 {
      "tpu.region"() ({
        %run_scoped3A = tpu.sem_alloc : memref<!tpu.dma_semaphore, #tpu.memory_space<semaphore_mem>>
        %dma_start3A_262 = arith.constant 0 : i32
        %dma_start3A_263 = arith.constant 0 : i32
        %dma_start3A_264 = tpu.memref_slice %arg20[%dma_start3A_262, %dma_start3A_263] : memref<64x128xf32, #tpu.memory_space<vmem>> -> memref<16x128xf32, #tpu.memory_space<vmem>>
        %dma_start3A_265 = arith.constant 9984 : i32
        %dma_start3A_266 = arith.constant 0 : i32
        %dma_start3A_267 = tpu.memref_slice %arg22[%dma_start3A_265, %dma_start3A_266] : memref<10000x128xf32, #tpu.memory_space<vmem_shared>> -> memref<16x128xf32, #tpu.memory_space<vmem_shared>>
        %dma_start3A_268 = arith.constant 0 : i32
        %dma_start3A_269 = arith.constant 0 : i32
        %dma_start3A_270 = tpu.memref_slice %arg20[%dma_start3A_268, %dma_start3A_269] : memref<64x128xf32, #tpu.memory_space<vmem>> -> memref<16x128xf32, #tpu.memory_space<vmem>>
        %dma_start3A_271 = arith.constant 9984 : i32
        %dma_start3A_272 = arith.constant 0 : i32
        %dma_start3A_273 = tpu.memref_slice %arg22[%dma_start3A_271, %dma_start3A_272] : memref<10000x128xf32, #tpu.memory_space<vmem_shared>> -> memref<16x128xf32, #tpu.memory_space<vmem_shared>>
        tpu.enqueue_dma source(%dma_start3A_273 : memref<16x128xf32, #tpu.memory_space<vmem_shared>>) target(%dma_start3A_270 : memref<16x128xf32, #tpu.memory_space<vmem>>) target_semaphore(%run_scoped3A : memref<!tpu.dma_semaphore, #tpu.memory_space<semaphore_mem>>)
        %dma_wait3A = arith.constant 0 : i32
        %dma_wait3A_274 = arith.constant 0 : i32
        %dma_wait3A_275 = tpu.memref_slice %arg20[%dma_wait3A, %dma_wait3A_274] : memref<64x128xf32, #tpu.memory_space<vmem>> -> memref<16x128xf32, #tpu.memory_space<vmem>>
        %dma_wait3A_276 = arith.constant 9984 : i32
        %dma_wait3A_277 = arith.constant 0 : i32
        %dma_wait3A_278 = tpu.memref_slice %arg22[%dma_wait3A_276, %dma_wait3A_277] : memref<10000x128xf32, #tpu.memory_space<vmem_shared>> -> memref<16x128xf32, #tpu.memory_space<vmem_shared>>
        %dma_wait3A_279 = arith.constant 0 : i32
        %dma_wait3A_280 = arith.constant 0 : i32
        %dma_wait3A_281 = tpu.memref_slice %arg20[%dma_wait3A_279, %dma_wait3A_280] : memref<64x128xf32, #tpu.memory_space<vmem>> -> memref<16x128xf32, #tpu.memory_space<vmem>>
        %dma_wait3A_282 = arith.constant 9984 : i32
        %dma_wait3A_283 = arith.constant 0 : i32
        %dma_wait3A_284 = tpu.memref_slice %arg22[%dma_wait3A_282, %dma_wait3A_283] : memref<10000x128xf32, #tpu.memory_space<vmem_shared>> -> memref<16x128xf32, #tpu.memory_space<vmem_shared>>
        tpu.wait_dma2 semaphore(%run_scoped3A : memref<!tpu.dma_semaphore, #tpu.memory_space<semaphore_mem>>) src(%dma_wait3A_284 : memref<16x128xf32, #tpu.memory_space<vmem_shared>>) dst(%dma_wait3A_281 : memref<16x128xf32, #tpu.memory_space<vmem>>)
        tpu.yield
      }) : () -> ()
      "tpu.region"() ({
        %run_scoped3A = tpu.sem_alloc : memref<!tpu.dma_semaphore, #tpu.memory_space<semaphore_mem>>
        %dma_start3A_262 = arith.constant 0 : i32
        %dma_start3A_263 = arith.constant 0 : i32
        %dma_start3A_264 = tpu.memref_slice %arg20[%dma_start3A_262, %dma_start3A_263] : memref<64x128xf32, #tpu.memory_space<vmem>> -> memref<16x128xf32, #tpu.memory_space<vmem>>
        %dma_start3A_265 = arith.constant 9984 : i32
        %dma_start3A_266 = arith.constant 0 : i32
        %dma_start3A_267 = tpu.memref_slice %arg7[%arg0, %dma_start3A_265, %dma_start3A_266] : memref<2x10000x128xf32, #tpu.memory_space<hbm>> -> memref<1x16x128xf32, #tpu.memory_space<hbm>>
        %dma_start3A_268 = tpu.memref_squeeze %dma_start3A_267 : memref<1x16x128xf32, #tpu.memory_space<hbm>> -> memref<16x128xf32, #tpu.memory_space<hbm>>
        %dma_start3A_269 = arith.constant 9984 : i32
        %dma_start3A_270 = arith.constant 0 : i32
        %dma_start3A_271 = tpu.memref_slice %arg7[%arg0, %dma_start3A_269, %dma_start3A_270] : memref<2x10000x128xf32, #tpu.memory_space<hbm>> -> memref<1x16x128xf32, #tpu.memory_space<hbm>>
        %dma_start3A_272 = tpu.memref_squeeze %dma_start3A_271 : memref<1x16x128xf32, #tpu.memory_space<hbm>> -> memref<16x128xf32, #tpu.memory_space<hbm>>
        %dma_start3A_273 = arith.constant 0 : i32
        %dma_start3A_274 = arith.constant 0 : i32
        %dma_start3A_275 = tpu.memref_slice %arg20[%dma_start3A_273, %dma_start3A_274] : memref<64x128xf32, #tpu.memory_space<vmem>> -> memref<16x128xf32, #tpu.memory_space<vmem>>
        tpu.enqueue_dma source(%dma_start3A_275 : memref<16x128xf32, #tpu.memory_space<vmem>>) target(%dma_start3A_272 : memref<16x128xf32, #tpu.memory_space<hbm>>) target_semaphore(%run_scoped3A : memref<!tpu.dma_semaphore, #tpu.memory_space<semaphore_mem>>)
        %dma_wait3A = arith.constant 0 : i32
        %dma_wait3A_276 = arith.constant 0 : i32
        %dma_wait3A_277 = tpu.memref_slice %arg20[%dma_wait3A, %dma_wait3A_276] : memref<64x128xf32, #tpu.memory_space<vmem>> -> memref<16x128xf32, #tpu.memory_space<vmem>>
        %dma_wait3A_278 = arith.constant 9984 : i32
        %dma_wait3A_279 = arith.constant 0 : i32
        %dma_wait3A_280 = tpu.memref_slice %arg7[%arg0, %dma_wait3A_278, %dma_wait3A_279] : memref<2x10000x128xf32, #tpu.memory_space<hbm>> -> memref<1x16x128xf32, #tpu.memory_space<hbm>>
        %dma_wait3A_281 = tpu.memref_squeeze %dma_wait3A_280 : memref<1x16x128xf32, #tpu.memory_space<hbm>> -> memref<16x128xf32, #tpu.memory_space<hbm>>
        %dma_wait3A_282 = arith.constant 9984 : i32
        %dma_wait3A_283 = arith.constant 0 : i32
        %dma_wait3A_284 = tpu.memref_slice %arg7[%arg0, %dma_wait3A_282, %dma_wait3A_283] : memref<2x10000x128xf32, #tpu.memory_space<hbm>> -> memref<1x16x128xf32, #tpu.memory_space<hbm>>
        %dma_wait3A_285 = tpu.memref_squeeze %dma_wait3A_284 : memref<1x16x128xf32, #tpu.memory_space<hbm>> -> memref<16x128xf32, #tpu.memory_space<hbm>>
        %dma_wait3A_286 = arith.constant 0 : i32
        %dma_wait3A_287 = arith.constant 0 : i32
        %dma_wait3A_288 = tpu.memref_slice %arg20[%dma_wait3A_286, %dma_wait3A_287] : memref<64x128xf32, #tpu.memory_space<vmem>> -> memref<16x128xf32, #tpu.memory_space<vmem>>
        tpu.wait_dma2 semaphore(%run_scoped3A : memref<!tpu.dma_semaphore, #tpu.memory_space<semaphore_mem>>) src(%dma_wait3A_288 : memref<16x128xf32, #tpu.memory_space<vmem>>) dst(%dma_wait3A_285 : memref<16x128xf32, #tpu.memory_space<hbm>>)
        tpu.yield
      }) : () -> ()
    } else {
    }
    return
  }
}

module attributes {stable_mosaic.version = 14 : i64} {
  func.func @_pq_body(%arg0: i32, %arg1: memref<2000x128xf32, #tpu.memory_space<vmem>>, %arg2: memref<128x256xf32, #tpu.memory_space<vmem>>, %arg3: memref<2000x128xf32, #tpu.memory_space<vmem>>, %arg4: memref<2000x128xf32, #tpu.memory_space<vmem>>) attributes {dimension_semantics = [#tpu.dimension_semantics<arbitrary>], iteration_bounds = array<i64: 5>, scalar_prefetch = 0 : i64, scratch_operands = 0 : i64, tpu.core_type = #tpu.core_type<tc>, window_params = [{transform_indices = @transform_0, window_bounds = array<i64: 2000, 128>}, {pipeline_mode = #tpu.pipeline_mode<synchronous>, transform_indices = @transform_1, window_bounds = array<i64: 128, 256>}, {transform_indices = @transform_2, window_bounds = array<i64: 2000, 128>}, {transform_indices = @transform_3, window_bounds = array<i64: 2000, 128>}]} {
    %get3A = arith.constant 0 : index
    %get3A_0 = arith.constant 0 : index
    %get3A_1 = vector.load %arg1[%get3A, %get3A_0] : memref<2000x128xf32, #tpu.memory_space<vmem>>, vector<2000x128xf32>
    %get3A_2 = arith.constant 0 : index
    %get3A_3 = arith.constant 0 : index
    %get3A_4 = vector.load %arg2[%get3A_2, %get3A_3] : memref<128x256xf32, #tpu.memory_space<vmem>>, vector<128x256xf32>
    %dot_general3A = arith.constant dense<0.000000e+00> : vector<2000x256xf32>
    %dot_general3A_5 = tpu.matmul %get3A_1, %get3A_4, %dot_general3A {dimension_numbers = #tpu.dot_dimension_numbers<[1], [0], [0], [1], [0, 0, 1, 1], [], []>, transpose_lhs_hint = false} : vector<2000x128xf32>, vector<128x256xf32>, vector<2000x256xf32> -> vector<2000x256xf32>
    %slice3A = vector.extract_strided_slice %dot_general3A_5 {offsets = [0, 0], sizes = [2000, 128], strides = [1, 1]} : vector<2000x256xf32> to vector<2000x128xf32>
    %swap3A = arith.constant 0 : index
    %swap3A_6 = arith.constant 0 : index
    %swap3A_7 = vector.load %arg3[%swap3A, %swap3A_6] : memref<2000x128xf32, #tpu.memory_space<vmem>>, vector<2000x128xf32>
    tpu.vector_store %arg3[%swap3A, %swap3A_6], %slice3A {strides = array<i32>} : memref<2000x128xf32, #tpu.memory_space<vmem>>, vector<2000x128xf32>,
    %slice3A_8 = vector.extract_strided_slice %dot_general3A_5 {offsets = [0, 128], sizes = [2000, 128], strides = [1, 1]} : vector<2000x256xf32> to vector<2000x128xf32>
    %swap3A_9 = arith.constant 0 : index
    %swap3A_10 = arith.constant 0 : index
    %swap3A_11 = vector.load %arg4[%swap3A_9, %swap3A_10] : memref<2000x128xf32, #tpu.memory_space<vmem>>, vector<2000x128xf32>
    tpu.vector_store %arg4[%swap3A_9, %swap3A_10], %slice3A_8 {strides = array<i32>} : memref<2000x128xf32, #tpu.memory_space<vmem>>, vector<2000x128xf32>,
    return
  }
  func.func @transform_0(%arg0: i32) -> (i32, i32) {
    %c0_i32 = arith.constant 0 : i32
    %c0_i32_0 = arith.constant 0 : i32
    return %arg0, %c0_i32 : i32, i32
  }
  func.func @transform_1(%arg0: i32) -> (i32, i32) {
    %c0_i32 = arith.constant 0 : i32
    %c0_i32_0 = arith.constant 0 : i32
    %c0_i32_1 = arith.constant 0 : i32
    return %c0_i32, %c0_i32_0 : i32, i32
  }
  func.func @transform_2(%arg0: i32) -> (i32, i32) {
    %c0_i32 = arith.constant 0 : i32
    %c0_i32_0 = arith.constant 0 : i32
    return %arg0, %c0_i32 : i32, i32
  }
  func.func @transform_3(%arg0: i32) -> (i32, i32) {
    %c0_i32 = arith.constant 0 : i32
    %c0_i32_0 = arith.constant 0 : i32
    return %arg0, %c0_i32 : i32, i32
  }
}

module attributes {stable_mosaic.version = 14 : i64} {
  func.func @_eproj_body(%arg0: i32, %arg1: memref<8000x4xf32, #tpu.memory_space<vmem>>, %arg2: memref<4x128xf32, #tpu.memory_space<vmem>>, %arg3: memref<1x128xf32, #tpu.memory_space<vmem>>, %arg4: memref<8000x128xf32, #tpu.memory_space<vmem>>) attributes {dimension_semantics = [#tpu.dimension_semantics<arbitrary>], iteration_bounds = array<i64: 40>, scalar_prefetch = 0 : i64, scratch_operands = 0 : i64, tpu.core_type = #tpu.core_type<tc>, window_params = [{transform_indices = @transform_0, window_bounds = array<i64: 8000, 4>}, {pipeline_mode = #tpu.pipeline_mode<synchronous>, transform_indices = @transform_1, window_bounds = array<i64: 4, 128>}, {pipeline_mode = #tpu.pipeline_mode<synchronous>, transform_indices = @transform_2, window_bounds = array<i64: 1, 128>}, {transform_indices = @transform_3, window_bounds = array<i64: 8000, 128>}]} {
    %get3A = arith.constant 0 : index
    %get3A_0 = arith.constant 0 : index
    %get3A_1 = vector.load %arg1[%get3A, %get3A_0] : memref<8000x4xf32, #tpu.memory_space<vmem>>, vector<8000x4xf32>
    %get3A_2 = arith.constant 0 : index
    %get3A_3 = arith.constant 0 : index
    %get3A_4 = vector.load %arg2[%get3A_2, %get3A_3] : memref<4x128xf32, #tpu.memory_space<vmem>>, vector<4x128xf32>
    %dot_general3A = arith.constant dense<0.000000e+00> : vector<8000x128xf32>
    %dot_general3A_5 = tpu.matmul %get3A_1, %get3A_4, %dot_general3A {dimension_numbers = #tpu.dot_dimension_numbers<[1], [0], [0], [1], [0, 0, 1, 1], [], []>, transpose_lhs_hint = false} : vector<8000x4xf32>, vector<4x128xf32>, vector<8000x128xf32> -> vector<8000x128xf32>
    %get3A_6 = arith.constant 0 : index
    %get3A_7 = arith.constant 0 : index
    %get3A_8 = vector.load %arg3[%get3A_6, %get3A_7] : memref<1x128xf32, #tpu.memory_space<vmem>>, vector<1x128xf32>
    %add3A = vector.broadcast %get3A_8 : vector<1x128xf32> to vector<8000x128xf32>
    %add3A_9 = arith.addf %dot_general3A_5, %add3A : vector<8000x128xf32>
    %swap3A = arith.constant 0 : index
    %swap3A_10 = arith.constant 0 : index
    %swap3A_11 = vector.load %arg4[%swap3A, %swap3A_10] : memref<8000x128xf32, #tpu.memory_space<vmem>>, vector<8000x128xf32>
    tpu.vector_store %arg4[%swap3A, %swap3A_10], %add3A_9 {strides = array<i32>} : memref<8000x128xf32, #tpu.memory_space<vmem>>, vector<8000x128xf32>,
    return
  }
  func.func @transform_0(%arg0: i32) -> (i32, i32) {
    %c0_i32 = arith.constant 0 : i32
    %c0_i32_0 = arith.constant 0 : i32
    return %arg0, %c0_i32 : i32, i32
  }
  func.func @transform_1(%arg0: i32) -> (i32, i32) {
    %c0_i32 = arith.constant 0 : i32
    %c0_i32_0 = arith.constant 0 : i32
    %c0_i32_1 = arith.constant 0 : i32
    return %c0_i32, %c0_i32_0 : i32, i32
  }
  func.func @transform_2(%arg0: i32) -> (i32, i32) {
    %c0_i32 = arith.constant 0 : i32
    %c0_i32_0 = arith.constant 0 : i32
    %c0_i32_1 = arith.constant 0 : i32
    return %c0_i32, %c0_i32_0 : i32, i32
  }
  func.func @transform_3(%arg0: i32) -> (i32, i32) {
    %c0_i32 = arith.constant 0 : i32
    %c0_i32_0 = arith.constant 0 : i32
    return %arg0, %c0_i32 : i32, i32
  }
}

module attributes {stable_mosaic.version = 14 : i64} {
  func.func @_update_body(%arg0: i32, %arg1: memref<2000x128xf32, #tpu.memory_space<vmem>>, %arg2: memref<2x2000x128xf32, #tpu.memory_space<vmem>>, %arg3: memref<2x2000x1xf32, #tpu.memory_space<vmem>>, %arg4: memref<128x128xf32, #tpu.memory_space<vmem>>, %arg5: memref<1x128xf32, #tpu.memory_space<vmem>>, %arg6: memref<128x128xf32, #tpu.memory_space<vmem>>, %arg7: memref<128x128xf32, #tpu.memory_space<vmem>>, %arg8: memref<1x128xf32, #tpu.memory_space<vmem>>, %arg9: memref<128x128xf32, #tpu.memory_space<vmem>>, %arg10: memref<128x128xf32, #tpu.memory_space<vmem>>, %arg11: memref<1x128xf32, #tpu.memory_space<vmem>>, %arg12: memref<128x128xf32, #tpu.memory_space<vmem>>, %arg13: memref<128x128xf32, #tpu.memory_space<vmem>>, %arg14: memref<1x128xf32, #tpu.memory_space<vmem>>, %arg15: memref<2000x128xf32, #tpu.memory_space<vmem>>) attributes {dimension_semantics = [#tpu.dimension_semantics<arbitrary>], iteration_bounds = array<i64: 5>, scalar_prefetch = 0 : i64, scratch_operands = 0 : i64, tpu.core_type = #tpu.core_type<tc>, window_params = [{transform_indices = @transform_0, window_bounds = array<i64: 2000, 128>}, {transform_indices = @transform_1, window_bounds = array<i64: 2, 2000, 128>}, {transform_indices = @transform_2, window_bounds = array<i64: 2, 2000, 1>}, {pipeline_mode = #tpu.pipeline_mode<synchronous>, transform_indices = @transform_3, window_bounds = array<i64: 128, 128>}, {pipeline_mode = #tpu.pipeline_mode<synchronous>, transform_indices = @transform_4, window_bounds = array<i64: 1, 128>}, {pipeline_mode = #tpu.pipeline_mode<synchronous>, transform_indices = @transform_5, window_bounds = array<i64: 128, 128>}, {pipeline_mode = #tpu.pipeline_mode<synchronous>, transform_indices = @transform_6, window_bounds = array<i64: 128, 128>}, {pipeline_mode = #tpu.pipeline_mode<synchronous>, transform_indices = @transform_7, window_bounds = array<i64: 1, 128>}, {pipeline_mode = #tpu.pipeline_mode<synchronous>, transform_indices = @transform_8, window_bounds = array<i64: 128, 128>}, {pipeline_mode = #tpu.pipeline_mode<synchronous>, transform_indices = @transform_9, window_bounds = array<i64: 128, 128>}, {pipeline_mode = #tpu.pipeline_mode<synchronous>, transform_indices = @transform_10, window_bounds = array<i64: 1, 128>}, {pipeline_mode = #tpu.pipeline_mode<synchronous>, transform_indices = @transform_11, window_bounds = array<i64: 128, 128>}, {pipeline_mode = #tpu.pipeline_mode<synchronous>, transform_indices = @transform_12, window_bounds = array<i64: 128, 128>}, {pipeline_mode = #tpu.pipeline_mode<synchronous>, transform_indices = @transform_13, window_bounds = array<i64: 1, 128>}, {transform_indices = @transform_14, window_bounds = array<i64: 2000, 128>}]} {
    %get3A = arith.constant 0 : index
    %get3A_0 = arith.constant 0 : index
    %get3A_1 = vector.load %arg1[%get3A, %get3A_0] : memref<2000x128xf32, #tpu.memory_space<vmem>>, vector<2000x128xf32>
    %get3A_2 = arith.constant 0 : index
    %get3A_3 = arith.constant 0 : index
    %get3A_4 = arith.constant 0 : index
    %get3A_5 = vector.load %arg2[%get3A_2, %get3A_3, %get3A_4] : memref<2x2000x128xf32, #tpu.memory_space<vmem>>, vector<1x2000x128xf32>
    %get3A_6 = vector.shape_cast %get3A_5 : vector<1x2000x128xf32> to vector<2000x128xf32>
    %get3A_7 = arith.constant 1 : index
    %get3A_8 = arith.constant 0 : index
    %get3A_9 = arith.constant 0 : index
    %get3A_10 = vector.load %arg2[%get3A_7, %get3A_8, %get3A_9] : memref<2x2000x128xf32, #tpu.memory_space<vmem>>, vector<1x2000x128xf32>
    %get3A_11 = vector.shape_cast %get3A_10 : vector<1x2000x128xf32> to vector<2000x128xf32>
    %add3A = arith.addf %get3A_6, %get3A_11 : vector<2000x128xf32>
    %get3A_12 = arith.constant 0 : index
    %get3A_13 = arith.constant 0 : index
    %get3A_14 = arith.constant 0 : index
    %get3A_15 = vector.load %arg3[%get3A_12, %get3A_13, %get3A_14] : memref<2x2000x1xf32, #tpu.memory_space<vmem>>, vector<1x2000x1xf32>
    %get3A_16 = vector.shape_cast %get3A_15 : vector<1x2000x1xf32> to vector<2000x1xf32>
    %get3A_17 = arith.constant 1 : index
    %get3A_18 = arith.constant 0 : index
    %get3A_19 = arith.constant 0 : index
    %get3A_20 = vector.load %arg3[%get3A_17, %get3A_18, %get3A_19] : memref<2x2000x1xf32, #tpu.memory_space<vmem>>, vector<1x2000x1xf32>
    %get3A_21 = vector.shape_cast %get3A_20 : vector<1x2000x1xf32> to vector<2000x1xf32>
    %add3A_22 = arith.addf %get3A_16, %get3A_21 : vector<2000x1xf32>
    %get3A_23 = arith.constant 0 : index
    %get3A_24 = arith.constant 0 : index
    %get3A_25 = vector.load %arg4[%get3A_23, %get3A_24] : memref<128x128xf32, #tpu.memory_space<vmem>>, vector<128x128xf32>
    %dot_general3A = arith.constant dense<0.000000e+00> : vector<2000x128xf32>
    %dot_general3A_26 = tpu.matmul %add3A, %get3A_25, %dot_general3A {dimension_numbers = #tpu.dot_dimension_numbers<[1], [0], [0], [1], [0, 0, 1, 1], [], []>, transpose_lhs_hint = false} : vector<2000x128xf32>, vector<128x128xf32>, vector<2000x128xf32> -> vector<2000x128xf32>
    %get3A_27 = arith.constant 0 : index
    %get3A_28 = arith.constant 0 : index
    %get3A_29 = vector.load %arg5[%get3A_27, %get3A_28] : memref<1x128xf32, #tpu.memory_space<vmem>>, vector<1x128xf32>
    %mul3A = vector.broadcast %add3A_22 : vector<2000x1xf32> to vector<2000x128xf32>
    %mul3A_30 = vector.broadcast %get3A_29 : vector<1x128xf32> to vector<2000x128xf32>
    %mul3A_31 = arith.mulf %mul3A, %mul3A_30 : vector<2000x128xf32>
    %add3A_32 = arith.addf %dot_general3A_26, %mul3A_31 : vector<2000x128xf32>
    %get3A_33 = arith.constant 0 : index
    %get3A_34 = arith.constant 0 : index
    %get3A_35 = vector.load %arg6[%get3A_33, %get3A_34] : memref<128x128xf32, #tpu.memory_space<vmem>>, vector<128x128xf32>
    %dot_general3A_36 = arith.constant dense<0.000000e+00> : vector<2000x128xf32>
    %dot_general3A_37 = tpu.matmul %get3A_1, %get3A_35, %dot_general3A_36 {dimension_numbers = #tpu.dot_dimension_numbers<[1], [0], [0], [1], [0, 0, 1, 1], [], []>, transpose_lhs_hint = false} : vector<2000x128xf32>, vector<128x128xf32>, vector<2000x128xf32> -> vector<2000x128xf32>
    %get3A_38 = arith.constant 0 : index
    %get3A_39 = arith.constant 0 : index
    %get3A_40 = vector.load %arg7[%get3A_38, %get3A_39] : memref<128x128xf32, #tpu.memory_space<vmem>>, vector<128x128xf32>
    %dot_general3A_41 = arith.constant dense<0.000000e+00> : vector<2000x128xf32>
    %dot_general3A_42 = tpu.matmul %add3A_32, %get3A_40, %dot_general3A_41 {dimension_numbers = #tpu.dot_dimension_numbers<[1], [0], [0], [1], [0, 0, 1, 1], [], []>, transpose_lhs_hint = false} : vector<2000x128xf32>, vector<128x128xf32>, vector<2000x128xf32> -> vector<2000x128xf32>
    %add3A_43 = arith.addf %dot_general3A_37, %dot_general3A_42 : vector<2000x128xf32>
    %get3A_44 = arith.constant 0 : index
    %get3A_45 = arith.constant 0 : index
    %get3A_46 = vector.load %arg8[%get3A_44, %get3A_45] : memref<1x128xf32, #tpu.memory_space<vmem>>, vector<1x128xf32>
    %add3A_47 = vector.broadcast %get3A_46 : vector<1x128xf32> to vector<2000x128xf32>
    %add3A_48 = arith.addf %add3A_43, %add3A_47 : vector<2000x128xf32>
    %logistic3A = arith.negf %add3A_48 : vector<2000x128xf32>
    %logistic3A_49 = math.exp %logistic3A : vector<2000x128xf32>
    %logistic3A_50 = arith.constant 1.000000e+00 : f32
    %logistic3A_51 = vector.broadcast %logistic3A_50 : f32 to vector<2000x128xf32>
    %logistic3A_52 = arith.addf %logistic3A_51, %logistic3A_49 : vector<2000x128xf32>
    %logistic3A_53 = arith.divf %logistic3A_51, %logistic3A_52 : vector<2000x128xf32>
    %get3A_54 = arith.constant 0 : index
    %get3A_55 = arith.constant 0 : index
    %get3A_56 = vector.load %arg9[%get3A_54, %get3A_55] : memref<128x128xf32, #tpu.memory_space<vmem>>, vector<128x128xf32>
    %dot_general3A_57 = arith.constant dense<0.000000e+00> : vector<2000x128xf32>
    %dot_general3A_58 = tpu.matmul %get3A_1, %get3A_56, %dot_general3A_57 {dimension_numbers = #tpu.dot_dimension_numbers<[1], [0], [0], [1], [0, 0, 1, 1], [], []>, transpose_lhs_hint = false} : vector<2000x128xf32>, vector<128x128xf32>, vector<2000x128xf32> -> vector<2000x128xf32>
    %get3A_59 = arith.constant 0 : index
    %get3A_60 = arith.constant 0 : index
    %get3A_61 = vector.load %arg10[%get3A_59, %get3A_60] : memref<128x128xf32, #tpu.memory_space<vmem>>, vector<128x128xf32>
    %dot_general3A_62 = arith.constant dense<0.000000e+00> : vector<2000x128xf32>
    %dot_general3A_63 = tpu.matmul %add3A_32, %get3A_61, %dot_general3A_62 {dimension_numbers = #tpu.dot_dimension_numbers<[1], [0], [0], [1], [0, 0, 1, 1], [], []>, transpose_lhs_hint = false} : vector<2000x128xf32>, vector<128x128xf32>, vector<2000x128xf32> -> vector<2000x128xf32>
    %add3A_64 = arith.addf %dot_general3A_58, %dot_general3A_63 : vector<2000x128xf32>
    %get3A_65 = arith.constant 0 : index
    %get3A_66 = arith.constant 0 : index
    %get3A_67 = vector.load %arg11[%get3A_65, %get3A_66] : memref<1x128xf32, #tpu.memory_space<vmem>>, vector<1x128xf32>
    %add3A_68 = vector.broadcast %get3A_67 : vector<1x128xf32> to vector<2000x128xf32>
    %add3A_69 = arith.addf %add3A_64, %add3A_68 : vector<2000x128xf32>
    %logistic3A_70 = arith.negf %add3A_69 : vector<2000x128xf32>
    %logistic3A_71 = math.exp %logistic3A_70 : vector<2000x128xf32>
    %logistic3A_72 = arith.constant 1.000000e+00 : f32
    %logistic3A_73 = vector.broadcast %logistic3A_72 : f32 to vector<2000x128xf32>
    %logistic3A_74 = arith.addf %logistic3A_73, %logistic3A_71 : vector<2000x128xf32>
    %logistic3A_75 = arith.divf %logistic3A_73, %logistic3A_74 : vector<2000x128xf32>
    %mul3A_76 = arith.mulf %logistic3A_75, %get3A_1 : vector<2000x128xf32>
    %get3A_77 = arith.constant 0 : index
    %get3A_78 = arith.constant 0 : index
    %get3A_79 = vector.load %arg12[%get3A_77, %get3A_78] : memref<128x128xf32, #tpu.memory_space<vmem>>, vector<128x128xf32>
    %dot_general3A_80 = arith.constant dense<0.000000e+00> : vector<2000x128xf32>
    %dot_general3A_81 = tpu.matmul %mul3A_76, %get3A_79, %dot_general3A_80 {dimension_numbers = #tpu.dot_dimension_numbers<[1], [0], [0], [1], [0, 0, 1, 1], [], []>, transpose_lhs_hint = false} : vector<2000x128xf32>, vector<128x128xf32>, vector<2000x128xf32> -> vector<2000x128xf32>
    %get3A_82 = arith.constant 0 : index
    %get3A_83 = arith.constant 0 : index
    %get3A_84 = vector.load %arg13[%get3A_82, %get3A_83] : memref<128x128xf32, #tpu.memory_space<vmem>>, vector<128x128xf32>
    %dot_general3A_85 = arith.constant dense<0.000000e+00> : vector<2000x128xf32>
    %dot_general3A_86 = tpu.matmul %add3A_32, %get3A_84, %dot_general3A_85 {dimension_numbers = #tpu.dot_dimension_numbers<[1], [0], [0], [1], [0, 0, 1, 1], [], []>, transpose_lhs_hint = false} : vector<2000x128xf32>, vector<128x128xf32>, vector<2000x128xf32> -> vector<2000x128xf32>
    %add3A_87 = arith.addf %dot_general3A_81, %dot_general3A_86 : vector<2000x128xf32>
    %get3A_88 = arith.constant 0 : index
    %get3A_89 = arith.constant 0 : index
    %get3A_90 = vector.load %arg14[%get3A_88, %get3A_89] : memref<1x128xf32, #tpu.memory_space<vmem>>, vector<1x128xf32>
    %add3A_91 = vector.broadcast %get3A_90 : vector<1x128xf32> to vector<2000x128xf32>
    %add3A_92 = arith.addf %add3A_87, %add3A_91 : vector<2000x128xf32>
    %tanh3A = math.tanh %add3A_92 : vector<2000x128xf32>
    %sub3A = arith.subf %tanh3A, %get3A_1 : vector<2000x128xf32>
    %mul3A_93 = arith.mulf %logistic3A_53, %sub3A : vector<2000x128xf32>
    %add3A_94 = arith.addf %get3A_1, %mul3A_93 : vector<2000x128xf32>
    %swap3A = arith.constant 0 : index
    %swap3A_95 = arith.constant 0 : index
    %swap3A_96 = vector.load %arg15[%swap3A, %swap3A_95] : memref<2000x128xf32, #tpu.memory_space<vmem>>, vector<2000x128xf32>
    tpu.vector_store %arg15[%swap3A, %swap3A_95], %add3A_94 {strides = array<i32>} : memref<2000x128xf32, #tpu.memory_space<vmem>>, vector<2000x128xf32>,
    return
  }
  func.func @transform_0(%arg0: i32) -> (i32, i32) {
    %c0_i32 = arith.constant 0 : i32
    %c0_i32_0 = arith.constant 0 : i32
    return %arg0, %c0_i32 : i32, i32
  }
  func.func @transform_1(%arg0: i32) -> (i32, i32, i32) {
    %c0_i32 = arith.constant 0 : i32
    %c0_i32_0 = arith.constant 0 : i32
    %c0_i32_1 = arith.constant 0 : i32
    return %c0_i32, %arg0, %c0_i32_0 : i32, i32, i32
  }
  func.func @transform_2(%arg0: i32) -> (i32, i32, i32) {
    %c0_i32 = arith.constant 0 : i32
    %c0_i32_0 = arith.constant 0 : i32
    %c0_i32_1 = arith.constant 0 : i32
    return %c0_i32, %arg0, %c0_i32_0 : i32, i32, i32
  }
  func.func @transform_3(%arg0: i32) -> (i32, i32) {
    %c0_i32 = arith.constant 0 : i32
    %c0_i32_0 = arith.constant 0 : i32
    %c0_i32_1 = arith.constant 0 : i32
    return %c0_i32, %c0_i32_0 : i32, i32
  }
  func.func @transform_4(%arg0: i32) -> (i32, i32) {
    %c0_i32 = arith.constant 0 : i32
    %c0_i32_0 = arith.constant 0 : i32
    %c0_i32_1 = arith.constant 0 : i32
    return %c0_i32, %c0_i32_0 : i32, i32
  }
  func.func @transform_5(%arg0: i32) -> (i32, i32) {
    %c0_i32 = arith.constant 0 : i32
    %c0_i32_0 = arith.constant 0 : i32
    %c0_i32_1 = arith.constant 0 : i32
    return %c0_i32, %c0_i32_0 : i32, i32
  }
  func.func @transform_6(%arg0: i32) -> (i32, i32) {
    %c0_i32 = arith.constant 0 : i32
    %c0_i32_0 = arith.constant 0 : i32
    %c0_i32_1 = arith.constant 0 : i32
    return %c0_i32, %c0_i32_0 : i32, i32
  }
  func.func @transform_7(%arg0: i32) -> (i32, i32) {
    %c0_i32 = arith.constant 0 : i32
    %c0_i32_0 = arith.constant 0 : i32
    %c0_i32_1 = arith.constant 0 : i32
    return %c0_i32, %c0_i32_0 : i32, i32
  }
  func.func @transform_8(%arg0: i32) -> (i32, i32) {
    %c0_i32 = arith.constant 0 : i32
    %c0_i32_0 = arith.constant 0 : i32
    %c0_i32_1 = arith.constant 0 : i32
    return %c0_i32, %c0_i32_0 : i32, i32
  }
  func.func @transform_9(%arg0: i32) -> (i32, i32) {
    %c0_i32 = arith.constant 0 : i32
    %c0_i32_0 = arith.constant 0 : i32
    %c0_i32_1 = arith.constant 0 : i32
    return %c0_i32, %c0_i32_0 : i32, i32
  }
  func.func @transform_10(%arg0: i32) -> (i32, i32) {
    %c0_i32 = arith.constant 0 : i32
    %c0_i32_0 = arith.constant 0 : i32
    %c0_i32_1 = arith.constant 0 : i32
    return %c0_i32, %c0_i32_0 : i32, i32
  }
  func.func @transform_11(%arg0: i32) -> (i32, i32) {
    %c0_i32 = arith.constant 0 : i32
    %c0_i32_0 = arith.constant 0 : i32
    %c0_i32_1 = arith.constant 0 : i32
    return %c0_i32, %c0_i32_0 : i32, i32
  }
  func.func @transform_12(%arg0: i32) -> (i32, i32) {
    %c0_i32 = arith.constant 0 : i32
    %c0_i32_0 = arith.constant 0 : i32
    %c0_i32_1 = arith.constant 0 : i32
    return %c0_i32, %c0_i32_0 : i32, i32
  }
  func.func @transform_13(%arg0: i32) -> (i32, i32) {
    %c0_i32 = arith.constant 0 : i32
    %c0_i32_0 = arith.constant 0 : i32
    %c0_i32_1 = arith.constant 0 : i32
    return %c0_i32, %c0_i32_0 : i32, i32
  }
  func.func @transform_14(%arg0: i32) -> (i32, i32) {
    %c0_i32 = arith.constant 0 : i32
    %c0_i32_0 = arith.constant 0 : i32
    return %arg0, %c0_i32 : i32, i32
  }
}

</mosaic_0001>

<sc_bundles>
// kernel: kernel.10.cloned.1.call-start
scs
__scs_entry_jumppad:
0x0: {  	(pc) =	sbr.rel $0x88, $3  }
0x1: {  	(tag) =	ssettag $0x0;
	lr =	simm.s32 $0x1  }
0x2: {  	[smem:$0x3F94] =	sst lr;
	_ =	strace $0xD0000000  }
0x3: {  	_ = 	snop  }
0x4: {  	_ = 	snop  }
0x5: {  	_ = 	snop  }
0x6: {  	_ = 	snop  }
0x7: {  	_ = 	snop  }
__scs_overlays_trampoline_lowered:
0x8: {  	[smem:$0x3FA3] =	sst s0  }
0x9: {  	[smem:$0x3FA4] =	sst s1  }
0xa: {  	[smem:$0x3FA5] =	sst s2  }
0xb: {  	[smem:$0x3FA6] =	sst s3  }
0xc: {  	[smem:$0x3FA7] =	sst s4  }
0xd: {  	[smem:$0x3FA8] =	sst s5  }
0xe: {  	[smem:$0x3FA9] =	sst s6  }
0xf: {  	[smem:$0x3FAA] =	sst s7  }
0x10: {  	[smem:$0x3FAB] =	sst s8  }
0x11: {  	[smem:$0x3FAC] =	sst s9;
	s0 =	simm.s32 @!p0 $0x0  }
0x12: {  	s1 =	sld [smem:$0x3F92];
	s0 =	simm.s32 @p0 $0x1  }
0x13: {  	[smem:$0x3FAD] =	sst s0;
	s0 =	simm.s32 @!p1 $0x0  }
0x14: {  	s2 =	sld [smem:$0x3F91];
	s0 =	simm.s32 @p1 $0x1  }
0x15: {  	[smem:$0x3FAE] =	sst s0;
	s0 =	simm.s32 @!p2 $0x0  }
0x16: {  	s3 =	sld [smem:$0x3FDB];
	s0 =	simm.s32 @p2 $0x1  }
0x17: {  	s4 =	simm.s32 $0x1BF5;
	[smem:$0x3FB0] =	sst s0  }
0x18: {  	s0 =	sld [smem:$0x3F93];
	_ =	swait.ge [sflag:s4], $0x0  }
0x19: {  	s7 =	sld [smem:$0x3F94]  }
0x1a: {  	s8 =	sadd.s32 $0xFFFFE003, lr  }
0x1b: {  	s9 =	sadd.s32 $0xFFFFFEF7, lr;
	s5 =	simm.s32 $0xFFFFFFFF;
	p2 =	slt.u32 s8, $0xFFFFF086  }
0x1c: {  	p1 =	slt.u32 s9, $0xF7A;
	s5 =	simm.s32 @!p2 $0x0  }
0x1d: {  	s5 =	simm.s32 @p1 $0x1;
	p0 =	seq.s32 s7, s2  }
0x1e: {  	s7 =	smul.u32 @!p0 $0xF7A, s2;
	p2 =	seq.s32 @!p0 s5, $0x0  }
0x1f: {  	s9 =	smul.u32 $0xF7A, s1;
	s8 =	simm.s32 @!p0 $0x1BF5;
	p2 =	por !p2, p0  }
0x20: {  	[sflag:s8] =	ssyncset.s32 @!p0 $0xFFFFF086;
	s6 =	sadd.s32 @!p0 s3, s7;
	s7 =	simm.s32 @!p0 $0x108  }
0x21: {  	s3 =	sadd.s32 s3, s9;
	s6 =	sadd.s32 @!p0 $0x88, s6;
	s7 =	simm.s32 @p2 $0x1082  }
0x22: {  	[simem:s7], [sflag:s8] =	dma.local @!p0 [hbm:s6], $0xF7A  }
0x23: {  	s9 =	sor.u32 $0xD0000000, s2;
	s6 =	simm.s32 $0x108;
	_ =	swait.ge @!p0 [sflag:s8], $0x0  }
0x24: {  	s3 =	sadd.s32 $0x88, s3;
	s6 =	simm.s32 @!p1 $0x1082;
	[sflag:s4] =	ssyncset.s32 $0xFFFFF086  }
0x25: {  	[simem:s6], [sflag:s4] =	dma.local [hbm:s3], $0xF7A  }
0x26: {  	[smem:$0x3F94] =	sst s1;
	(tag) =	ssettag s2;
	_ =	strace s9  }
0x27: {  	s1 =	sld [smem:$0x3FA4]  }
0x28: {  	s2 =	sld [smem:$0x3FA5]  }
0x29: {  	s4 =	sld [smem:$0x3FA7]  }
0x2a: {  	p0 =	seq.s32 s5, $0x0;
	s5 =	sld [smem:$0x3FA8]  }
0x2b: {  	s6 =	sld [smem:$0x3FA9]  }
0x2c: {  	s7 =	sld [smem:$0x3FAA]  }
0x2d: {  	s3 =	simm.s32 $0x108;
	s8 =	sld [smem:$0x3FAB]  }
0x2e: {  	s3 =	simm.s32 @!p0 $0x1082;
	s9 =	sld [smem:$0x3FAC]  }
0x2f: {  	lr =	sadd.s32 s0, s3;
	s0 =	sld [smem:$0x3FA3]  }
0x30: {  	s3 =	sld [smem:$0x3FA6]  }
0x31: {  	[smem:$0x3FAF] =	sst s10  }
0x32: {  	s10 =	sld [smem:$0x3FAD];
	_ =	sdelay $0x3  }
0x33: {  	p0 =	seq.s32 s10, $0x1;
	s10 =	sld [smem:$0x3FAF];
	_ =	sdelay $0x3  }
0x34: {  	[smem:$0x3FAF] =	sst s10  }
0x35: {  	s10 =	sld [smem:$0x3FAE];
	_ =	sdelay $0x3  }
0x36: {  	p1 =	seq.s32 s10, $0x1;
	s10 =	sld [smem:$0x3FAF];
	_ =	sdelay $0x3  }
0x37: {  	[smem:$0x3FAF] =	sst s10  }
0x38: {  	s10 =	sld [smem:$0x3FB0]  }
0x39: {  	_ = 	snop;
	(pc) =	sbr.ind lr, $3  }
0x3a: {  	_ = 	snop  }
0x3b: {  	_ = 	snop  }
0x3c: {  	p2 =	seq.s32 s10, $0x1;
	s10 =	sld [smem:$0x3FAF]  }
0x3d: {  	_ =	shalt  }
0x3e: {  	_ =	shalt  }
0x3f: {  	_ =	shalt  }
0x40: {  	_ =	shalt  }
0x41: {  	_ =	shalt  }
0x42: {  	_ =	shalt  }
0x43: {  	_ =	shalt  }
0x44: {  	_ =	shalt  }
0x45: {  	_ =	shalt  }
0x46: {  	_ =	shalt  }
0x47: {  	_ =	shalt  }
0x48: {  	_ =	shalt  }
0x49: {  	_ =	shalt  }
0x4a: {  	_ =	shalt  }
0x4b: {  	_ =	shalt  }
0x4c: {  	_ =	shalt  }
0x4d: {  	_ =	shalt  }
0x4e: {  	_ =	shalt  }
0x4f: {  	_ =	shalt  }
0x50: {  	_ =	shalt  }
0x51: {  	_ =	shalt  }
0x52: {  	_ =	shalt  }
0x53: {  	_ =	shalt  }
0x54: {  	_ =	shalt  }
0x55: {  	_ =	shalt  }
0x56: {  	_ =	shalt  }
0x57: {  	_ =	shalt  }
0x58: {  	_ =	shalt  }
0x59: {  	_ =	shalt  }
0x5a: {  	_ =	shalt  }
0x5b: {  	_ =	shalt  }
0x5c: {  	_ =	shalt  }
0x5d: {  	_ =	shalt  }
0x5e: {  	_ =	shalt  }
0x5f: {  	_ =	shalt  }
0x60: {  	_ =	shalt  }
0x61: {  	_ =	shalt  }
0x62: {  	_ =	shalt  }
0x63: {  	_ =	shalt  }
0x64: {  	_ =	shalt  }
0x65: {  	_ =	shalt  }
0x66: {  	_ =	shalt  }
0x67: {  	_ =	shalt  }
0x68: {  	_ =	shalt  }
0x69: {  	_ =	shalt  }
0x6a: {  	_ =	shalt  }
0x6b: {  	_ =	shalt  }
0x6c: {  	_ =	shalt  }
0x6d: {  	_ =	shalt  }
0x6e: {  	_ =	shalt  }
0x6f: {  	_ =	shalt  }
0x70: {  	_ =	shalt  }
0x71: {  	_ =	shalt  }
0x72: {  	_ =	shalt  }
0x73: {  	_ =	shalt  }
0x74: {  	_ =	shalt  }
0x75: {  	_ =	shalt  }
0x76: {  	_ =	shalt  }
0x77: {  	_ =	shalt  }
0x78: {  	_ =	shalt  }
0x79: {  	_ =	shalt  }
0x7a: {  	_ =	shalt  }
0x7b: {  	_ =	shalt  }
0x7c: {  	_ =	shalt  }
0x7d: {  	_ =	shalt  }
0x7e: {  	_ =	shalt  }
0x7f: {  	_ =	shalt  }
0x80: {  	_ =	shalt  }
0x81: {  	_ =	shalt  }
0x82: {  	_ =	shalt  }
0x83: {  	_ =	shalt  }
0x84: {  	_ =	shalt  }
0x85: {  	_ =	shalt  }
0x86: {  	_ =	shalt  }
0x87: {  	_ =	shalt  }
.Lfunc_end0:
.L_simem_size_0:
called_computation.1_lowered:
.L_overlay_start_0:
0x88: {  	s2 =	sld [smem:$0x3FD9]  }
0x89: {  	s3 =	sld [smem:$0x3FFE];
	_ =	sdelay $0x1  }
0x8a: {  	s1 =	srdreg.scid  }
0x8b: {  	s0 =	sand.u32 $0x1, s1  }
0x8c: {  	s17 =	sshll.u32 s0, $0xA;
	s2 =	sadd.s32 s3, s2  }
0x8d: {  	s2 =	sadd.s32 s2, s17  }
0x8e: {  	[smem:$0x3FBB] =	sst s2  }
0x8f: {  	_ = 	snop  }
0x90: {  	s18 =	sld [smem:$0x3FD0];
	(tm) =	ssettm $0x1  }
0x91: {  	s19 =	sld [smem:$0x3FFB];
	_ =	sdelay $0x3  }
0x92: {  	_ =	strace s19  }
0x93: {  	s2 =	sld [smem:$0x3FFC];
	_ =	sdelay $0x3  }
0x94: {  	_ =	strace s2  }
0x95: {  	s2 =	sld [smem:$0x3FFD];
	_ =	sdelay $0x3  }
0x96: {  	_ =	strace s2  }
0x97: {  	_ =	strace $0x8FFFFFFF  }
0x98: {  	s20 =	sld [smem:$0x3FDB];
	_ =	sdelay $0x1  }
0x99: {  	s4 =	simm.s32 $_scs_section_size  }
0x9a: {  	s5 =	simm.s32 $_size__tile_overlayer_lowered;
	s6 =	simm.s32 $_tile_overlayer_lowered  }
0x9b: {  	s7 =	simm.s32 $0x1BFF;
	s21 =	sshll.u32 s6, $0x1;
	s4 =	sadd.s32 s4, s20  }
0x9c: {  	s22 =	simm.s32 $0x0;
	s5 =	sshll.u32 s5, $0x1;
	s6 =	sadd.s32 s21, s4  }
0x9d: {  	[timem:s22], [sflag:s7] =	dma.local [hbm:s6], s5  }
0x9e: {  	_ =	swait.ge [sflag:s7], s5  }
0x9f: {  	s5 =	ssub.s32 $0x0, s5;
	[sflag:s7] =	ssyncset.done $0x0  }
0xa0: {  	[sflag:s7] =	ssyncadd.s32 s5;
	_ =	sdelay $0x1  }
0xa1: {  	s23 =	simm.s32 $0x1B8B  }
0xa2: {  	_ =	swait.ge [sflag:s23], $0x1  }
0xa3: {  	[sflag:s23] =	ssyncset.done $0x0  }
0xa4: {  	[sflag:s23] =	ssyncadd.s32 $0xFFFFFFFF  }
0xa5: {  	s5 =	sld [smem:$0x0]  }
0xa6: {  	s6 =	sand.u32 $0xFFFFFFFE, s1  }
0xa7: {  	p0 =	sne.s32 s1, s6  }
0xa8: {  	s6 =	sshll.u32 @p0 s6, $0xE  }
0xa9: {  	s6 =	sadd.s32 @p0 $0x11B8D, s6;
	s7 =	sshll.u32 @p0 s5, $0x11  }
0xaa: {  	s6 =	sor.u32 @p0 s7, s6  }
0xab: {  	[sflag:s6] =	ssyncadd.remote.s32 @p0 $0x1;
	_ =	sdelay $0x1  }
0xac: {  	s6 =	simm.s32 @p0 $0x1B8D  }
0xad: {  	_ =	swait.eq @p0 [sflag:s6], $0x1  }
0xae: {  	[sflag:s6] =	ssyncadd.s32 @p0 $0xFFFFFFFF  }
0xaf: {  	s7 =	sshll.u32 @!p0 s1, $0xE  }
0xb0: {  	s7 =	sor.u32 @!p0 $0x4000, s7;
	s6 =	simm.s32 @!p0 $0x1B8D  }
0xb1: {  	s5 =	sshll.u32 @!p0 s5, $0x11;
	s7 =	sadd.s32 @!p0 $0x11B8D, s7;
	_ =	swait.eq @!p0 [sflag:s6], $0x1  }
0xb2: {  	s5 =	sor.u32 @!p0 s5, s7;
	[sflag:s6] =	ssyncadd.s32 @!p0 $0xFFFFFFFF  }
0xb3: {  	s25 =	simm.s32 $0x1B8E;
	s24 =	sld [smem:$0x3FFE];
	[sflag:s5] =	ssyncadd.remote.s32 @!p0 $0x1  }
0xb4: {  	s26 =	simm.s32 $execute0_lowered;
	[smem:$0x3FD2] =	sst s25  }
0xb5: {  	s6 =	sshll.u32 s26, $0x1;
	_ =	strace $0x80000049;
	[dreg:$0x1] =	wrdreg $0xFFFFFFFF  }
0xb6: {  	s28 =	simm.s32 $_size_execute0_lowered;
	s4 =	sadd.s32 s4, s6;
	[dreg:$0x0] =	wrdreg $0x0  }
0xb7: {  	s6 =	sshll.u32 s28, $0x1;
	[dreg:$0x2] =	wrdreg s4  }
0xb8: {  	[dreg:$0x3] =	wrdreg s6  }
0xb9: {  	[dreg:$0x4] =	wrdreg $0xC0  }
0xba: {  	_ =	task [dreg:s22], $0x5FFFF  }
0xbb: {  	[dreg:$0x1] =	wrdreg $0xFFFFFFFF  }
0xbc: {  	[dreg:$0x0] =	wrdreg $0x60  }
0xbd: {  	[dreg:$0x2] =	wrdreg s18  }
0xbe: {  	[dreg:$0x3] =	wrdreg s24  }
0xbf: {  	[dreg:$0x4] =	wrdreg $0xC4000  }
0xc0: {  	[dreg:$0x5] =	wrdreg $0xA  }
0xc1: {  	_ =	task.clear_ibuf [dreg:s22], $0x6FFFF;
	_ =	strace $0x90000049  }
0xc2: {  	s29 =	simm.s32 $0xA;
	_ =	strace $0x8000004B  }
0xc3: {  	_ =	swait.ge [sflag:s29], $0x1  }
0xc4: {  	[sflag:s29] =	ssyncadd.s32 $0xFFFFFFFF  }
0xc5: {  	_ =	strace $0x9000004B  }
0xc6: {  	_ =	sfence  }
0xc7: {  	s30 =	sld [smem:$0x0];
	_ =	sdelay $0x2  }
0xc8: {  	s31 =	sshll.u32 s1, $0xD;
	s1 =	sshrl.u32 s1, $0x2  }
0xc9: {  	s4 =	sand.u32 $0x4000, s31;
	s1 =	sadd.s32 s1, s30  }
0xca: {  	s0 =	sor.u32 s4, s0;
	s1 =	sshll.u32 s1, $0x11  }
0xcb: {  	s0 =	sor.u32 s1, s0  }
0xcc: {  	s0 =	sadd.s32 $0x8F2B, s0  }
0xcd: {  	[sflag:s0] =	ssyncadd.remote.s32 $0x1  }
0xce: {  	_ =	sfence.sel $0xFFFF  }
0xcf: {  	[dreg:$0x0] =	wrdreg $0xFFFFFFFF;
	(pc) =	sbr.abs _section_cstart, $3  }
0xd0: {  	[dreg:$0x1] =	wrdreg $0xFFFFFFFF  }
0xd1: {  	_ =	task.clear_ibuf [dreg:s22], $0x2FFFF;
	_ =	strace $0x9FFFFFFF  }
0xd2: {  	(tm) =	ssettm $0x7FFFFFFF  }
0xd3: {  	_ =	shalt  }
tec
execute0_lowered:
.L_overlay_start_1:
0x0: {  	(tag) =	ssettag $0x1  }
0x1: {  	s1 =	rddreg [dreg:$0x0]  }
0x2: {  	s0 =	rddreg [dreg:$0x1]  }
0x3: {  	s2 =	rddreg [dreg:$0x2];
	s3 =	simm.s32 $0x0  }
0x4: {  	s4 =	srdreg.scid;
	s19 =	stileid.u32;
	s28 =	simm.s32 $0xA  }
0x5: {  	s29 =	simm.s32 $0x8400;
	s30 =	simm.s32 $0x0;
	[smem:$0x7FF] =	sst s3  }
0x6: {  	s5 =	sadd.s32 $0x4FA000, s0;
	s6 =	sadd.s32 $0x521200, s0;
	s4 =	sand.u32 $0x1, s4  }
0x7: {  	s7 =	sadd.s32 $0xD800, s0;
	s11 =	smul.u32 $0x280, s19;
	s8 =	sadd.s32 $0x3A00, s0  }
0x8: {  	s12 =	smul.u32 $0x50000, s19;
	s20 =	sadd.s32 $0x18000, s0;
	s24 =	sshll.u32 s19, $0x1  }
0x9: {  	p0 =	sgt.u32 s19, $0x3;
	_ =	strace $0x8000004A;
	s9 =	ssub.s32 $0x2, s4  }
0xa: {  	s21 =	smul.u32 $0x138800, s4;
	[dreg:$0x4] =	wrdreg s20;
	s10 =	sshrl.u32 s9, $0x1  }
0xb: {  	s25 =	sshrl.u32 s12, $0x2;
	s26 =	sshll.u32 s11, $0x7;
	s18 =	sadd.s32 $0x200, s11  }
0xc: {  	s11 =	sadd.s32 $0x240, s11;
	s0 =	ssub.s32 s9, s10;
	s10 =	sor.u32 s4, s24  }
0xd: {  	s22 =	sadd.s32 s25, s2;
	s9 =	sor.u32 $0x2000, s26;
	s13 =	sadd.s32 $0x4000, s26  }
0xe: {  	s14 =	sadd.s32 $0x6000, s26;
	s15 =	sadd.s32 $0x8000, s26;
	[dreg:$0x6] =	wrdreg s18  }
0xf: {  	s16 =	sadd.s32 $0xA000, s26;
	s17 =	sadd.s32 $0xC000, s26;
	[dreg:$0x7] =	wrdreg s11  }
0x10: {  	s18 =	sshll.u32 s18, $0x7;
	s12 =	sadd.s32 $0xE000, s26;
	[dreg:$0x9] =	wrdreg s21  }
0x11: {  	s11 =	sshll.u32 s11, $0x7;
	s18 =	sadd.s32 s18, s2;
	[dreg:$0x5] =	wrdreg s22  }
0x12: {  	s26 =	smul.u32 $0x14000, s19;
	s24 =	sadd.s32 s11, s2;
	[dreg:$0x8] =	wrdreg s18  }
0x13: {  	s31 =	sshll.u32 s10, $0x3;
	s0 =	smax.u32 s0, $0x1;
	[dreg:$0xa] =	wrdreg s24  }
0x14: {  	s25 =	sor.u32 $0x100, s31;
	s23 =	sadd.s32 s7, s31;
	[smem:$0x7FA] =	sst s0  }
0x15: {  	s18 =	sadd.s32 s8, s31;
	s24 =	sshll.u32 s10, $0xA;
	[dreg:$0xb] =	wrdreg s23  }
0x16: {  	s0 =	simm.s32 $0xA;
	[dreg:$0xc] =	wrdreg s18;
	s31 =	sadd.s32 s7, s25  }
0x17: {  	s4 =	sadd.s32 s8, s25;
	s23 =	sadd.s32 s26, s21;
	[dreg:$0xd] =	wrdreg s31  }
0x18: {  	s11 =	sadd.s32 s6, s24;
	s25 =	sadd.s32 s9, s2;
	[dreg:$0xe] =	wrdreg s4  }
0x19: {  	s26 =	sadd.s32 s21, s9;
	s18 =	sadd.s32 s21, s14;
	[dreg:$0xf] =	wrdreg s11  }
0x1a: {  	s0 =	simm.s32 @!p0 $0x9;
	s4 =	sshrl.u32 s23, $0x3;
	[dreg:$0x11] =	wrdreg s25  }
0x1b: {  	s31 =	sadd.s32 s13, s2;
	s11 =	sadd.s32 s21, s13;
	s13 =	sadd.s32 s14, s2  }
0x1c: {  	s24 =	sshrl.u32 s18, $0x3;
	s25 =	sadd.s32 s15, s2;
	[smem:$0x7FC] =	sst s0  }
0x1d: {  	s14 =	sadd.s32 s21, s17;
	s18 =	sadd.s32 s21, s12;
	[dreg:$0x12] =	wrdreg s31  }
0x1e: {  	s4 =	sadd.s32 s20, s4;
	s9 =	sshrl.u32 s11, $0x3;
	[dreg:$0x13] =	wrdreg s13  }
0x1f: {  	[dreg:$0x17] =	wrdreg s25;
	s31 =	sadd.s32 s16, s2;
	s11 =	sadd.s32 s21, s16  }
0x20: {  	s13 =	sadd.s32 s17, s2;
	s16 =	sshrl.u32 s14, $0x3;
	s17 =	sadd.s32 s12, s2  }
0x21: {  	s12 =	simm.s32 $0xB;
	s14 =	simm.s32 $0x180;
	[dreg:$0x10] =	wrdreg s4  }
0x22: {  	s4 =	sshrl.u32 s26, $0x3;
	s23 =	sadd.s32 s20, s9;
	[dreg:$0x18] =	wrdreg s31  }
0x23: {  	s26 =	sadd.s32 s21, s15;
	s9 =	sshrl.u32 s11, $0x3;
	[dreg:$0x19] =	wrdreg s13  }
0x24: {  	[dreg:$0x1c] =	wrdreg s17;
	s31 =	sadd.s32 $0x138000, s2;
	s17 =	simm.s32 $0x40  }
0x25: {  	s11 =	simm.s32 $0x8;
	s4 =	sadd.s32 s20, s4;
	[dreg:$0x15] =	wrdreg s23  }
0x26: {  	s15 =	sadd.s32 s20, s9;
	s23 =	sshrl.u32 s21, $0x3;
	[smem:$0x7FD] =	sst s31  }
0x27: {  	s21 =	simm.s32 $0x6;
	[dreg:$0x14] =	wrdreg s4;
	s4 =	sadd.s32 s20, s24  }
0x28: {  	[dreg:$0x1b] =	wrdreg s15;
	s24 =	sshrl.u32 s18, $0x3;
	s25 =	sadd.s32 s20, s23  }
0x29: {  	[dreg:$0x16] =	wrdreg s4;
	s4 =	sshrl.u32 s26, $0x3;
	s26 =	sadd.s32 $0x27000, s25  }
0x2a: {  	s18 =	simm.s32 $0x5;
	s4 =	sadd.s32 s20, s4;
	[dreg:$0x1f] =	wrdreg s26  }
.Ltmp0:
0x2b: {  	[dreg:$0x1a] =	wrdreg s4;
	s4 =	sadd.s32 s20, s16;
	(pc) =	sbr.rel .LBB2_1-.Ltmp0, $4  }
0x2c: {  	s23 =	simm.s32 $0xA400;
	[dreg:$0x1d] =	wrdreg s4;
	s4 =	sadd.s32 s20, s24  }
0x2d: {  	s25 =	simm.s32 $0x380;
	[dreg:$0x1e] =	wrdreg s4;
	s4 =	simm.s32 $0x9  }
0x2e: {  	s24 =	simm.s32 $0x280;
	s4 =	simm.s32 @!p0 $0xA;
	p0 =	seq.s32 s19, $0xF  }
0x2f: {  	v0 =	vimm.f32 $0.0e+00;
	s19 =	simm.s32 $0x7;
	[smem:$0x7FB] =	sst s4;
	s4 =	simm.s32 $0x80  }
.LBB2_21:
0x30: {  	s9 =	sld [smem:$0x7FB];
	_ =	sdelay $0x2  }
0x31: {  	_ =	swait.ge [sflag:s9], $0x2000  }
0x32: {  	s31 =	sld [smem:$0x7FC]  }
0x33: {  	[sflag:s9] =	ssyncset.done $0x0  }
0x34: {  	[sflag:s9] =	ssyncadd.s32 $0xFFFFE000  }
0x35: {  	_ =	swait.ge [sflag:s31], $0x2000  }
0x36: {  	[sflag:s31] =	ssyncset.done $0x0  }
0x37: {  	[sflag:s31] =	ssyncadd.s32 $0xFFFFE000  }
0x38: {  	[bflag:$0x0] =	sbarrier.arrive $0xFFFF  }
0x39: {  	s22 =	rddreg [dreg:$0x5]  }
0x3a: {  	[tilespmem:s29], [sflag:$0xB] =	stream.linear.gather [spmem:s22], $0x2000, $0x38;
	[tilespmem:$0x1FC80] =	vst v63  }
0x3b: {  	_ =	swait.ge [sflag:s12], $0x2000  }
0x3c: {  	[sflag:s12] =	ssyncset.done $0x0  }
0x3d: {  	s13 =	rddreg [dreg:$0x10];
	[sflag:s12] =	ssyncadd.s32 $0xFFFFE000  }
0x3e: {  	[hbm4b:s13+s3] =	stream.linear.scatter [tilespmem:s29], [sflag:$0xB], $0x2000, $0x38;
	[tilespmem:$0x1FC80] =	vst v63  }
0x3f: {  	_ =	swait.ge [sflag:s12], $0x2000  }
0x40: {  	[sflag:s12] =	ssyncset.done $0x0  }
0x41: {  	s15 =	rddreg [dreg:$0x11];
	[sflag:s12] =	ssyncadd.s32 $0xFFFFE000  }
0x42: {  	[tilespmem:s29], [sflag:$0xB] =	stream.linear.gather [spmem:s15], $0x2000, $0x38;
	[tilespmem:$0x1FC80] =	vst v63  }
0x43: {  	_ =	swait.ge [sflag:s12], $0x2000  }
0x44: {  	[sflag:s12] =	ssyncset.done $0x0  }
0x45: {  	s16 =	rddreg [dreg:$0x14];
	[sflag:s12] =	ssyncadd.s32 $0xFFFFE000  }
0x46: {  	[hbm4b:s16+s3] =	stream.linear.scatter [tilespmem:s29], [sflag:$0xB], $0x2000, $0x38;
	[tilespmem:$0x1FC80] =	vst v63  }
0x47: {  	_ =	swait.ge [sflag:s12], $0x2000  }
0x48: {  	[sflag:s12] =	ssyncset.done $0x0  }
0x49: {  	s20 =	rddreg [dreg:$0x12];
	[sflag:s12] =	ssyncadd.s32 $0xFFFFE000  }
0x4a: {  	[tilespmem:s29], [sflag:$0xB] =	stream.linear.gather [spmem:s20], $0x2000, $0x38;
	[tilespmem:$0x1FC80] =	vst v63  }
0x4b: {  	_ =	swait.ge [sflag:s12], $0x2000  }
0x4c: {  	[sflag:s12] =	ssyncset.done $0x0  }
0x4d: {  	s26 =	rddreg [dreg:$0x15];
	[sflag:s12] =	ssyncadd.s32 $0xFFFFE000  }
0x4e: {  	[hbm4b:s26+s3] =	stream.linear.scatter [tilespmem:s29], [sflag:$0xB], $0x2000, $0x38;
	[tilespmem:$0x1FC80] =	vst v63  }
0x4f: {  	_ =	swait.ge [sflag:s12], $0x2000  }
0x50: {  	[sflag:s12] =	ssyncset.done $0x0  }
0x51: {  	s31 =	rddreg [dreg:$0x13];
	[sflag:s12] =	ssyncadd.s32 $0xFFFFE000  }
0x52: {  	[tilespmem:s29], [sflag:$0xB] =	stream.linear.gather [spmem:s31], $0x2000, $0x38;
	[tilespmem:$0x1FC80] =	vst v63  }
0x53: {  	_ =	swait.ge [sflag:s12], $0x2000  }
0x54: {  	[sflag:s12] =	ssyncset.done $0x0  }
0x55: {  	s13 =	rddreg [dreg:$0x16];
	[sflag:s12] =	ssyncadd.s32 $0xFFFFE000  }
0x56: {  	[hbm4b:s13+s3] =	stream.linear.scatter [tilespmem:s29], [sflag:$0xB], $0x2000, $0x38;
	[tilespmem:$0x1FC80] =	vst v63  }
0x57: {  	_ =	swait.ge [sflag:s12], $0x2000  }
0x58: {  	[sflag:s12] =	ssyncset.done $0x0  }
0x59: {  	s15 =	rddreg [dreg:$0x17];
	[sflag:s12] =	ssyncadd.s32 $0xFFFFE000  }
0x5a: {  	[tilespmem:s29], [sflag:$0xB] =	stream.linear.gather [spmem:s15], $0x2000, $0x38;
	[tilespmem:$0x1FC80] =	vst v63  }
0x5b: {  	_ =	swait.ge [sflag:s12], $0x2000  }
0x5c: {  	[sflag:s12] =	ssyncset.done $0x0  }
0x5d: {  	s16 =	rddreg [dreg:$0x1a];
	[sflag:s12] =	ssyncadd.s32 $0xFFFFE000  }
0x5e: {  	[hbm4b:s16+s3] =	stream.linear.scatter [tilespmem:s29], [sflag:$0xB], $0x2000, $0x38;
	[tilespmem:$0x1FC80] =	vst v63  }
0x5f: {  	_ =	swait.ge [sflag:s12], $0x2000  }
0x60: {  	[sflag:s12] =	ssyncset.done $0x0  }
0x61: {  	s20 =	rddreg [dreg:$0x18];
	[sflag:s12] =	ssyncadd.s32 $0xFFFFE000  }
0x62: {  	[tilespmem:s29], [sflag:$0xB] =	stream.linear.gather [spmem:s20], $0x2000, $0x38;
	[tilespmem:$0x1FC80] =	vst v63  }
0x63: {  	_ =	swait.ge [sflag:s12], $0x2000  }
0x64: {  	[sflag:s12] =	ssyncset.done $0x0  }
0x65: {  	s26 =	rddreg [dreg:$0x1b];
	[sflag:s12] =	ssyncadd.s32 $0xFFFFE000  }
0x66: {  	[hbm4b:s26+s3] =	stream.linear.scatter [tilespmem:s29], [sflag:$0xB], $0x2000, $0x38;
	[tilespmem:$0x1FC80] =	vst v63  }
0x67: {  	_ =	swait.ge [sflag:s12], $0x2000  }
0x68: {  	s13 =	sld [smem:$0x7FD]  }
0x69: {  	[sflag:s12] =	ssyncset.done $0x0  }
0x6a: {  	s9 =	simm.s32 @p0 $0x8400;
	[sflag:s12] =	ssyncadd.s32 $0xFFFFE000  }
0x6b: {  	[tilespmem:s9], [sflag:$0xB] =	stream.linear.gather @p0 [spmem:s13], $0x800, $0x38;
	[tilespmem:$0x1FC80] =	vst v63  }
0x6c: {  	s13 =	simm.s32 @p0 $0xB  }
0x6d: {  	_ =	swait.ge @p0 [sflag:s13], $0x800  }
0x6e: {  	[sflag:s13] =	ssyncset.done @p0 $0x0  }
0x6f: {  	s15 =	simm.s32 @p0 $0x0;
	s16 =	rddreg [dreg:$0x1f];
	[sflag:s13] =	ssyncadd.s32 @p0 $0xFFFFF800  }
0x70: {  	[hbm4b:s16+s15] =	stream.linear.scatter @p0 [tilespmem:s9], [sflag:$0xB], $0x800, $0x38;
	[tilespmem:$0x1FC80] =	vst v63  }
0x71: {  	_ =	swait.ge @p0 [sflag:s13], $0x800  }
0x72: {  	[sflag:s13] =	ssyncset.done @p0 $0x0  }
0x73: {  	s9 =	simm.s32 @!p0 $0x8400;
	[sflag:s13] =	ssyncadd.s32 @p0 $0xFFFFF800;
	s13 =	rddreg [dreg:$0x19]  }
0x74: {  	[tilespmem:s9], [sflag:$0xB] =	stream.linear.gather @!p0 [spmem:s13], $0x2000, $0x38;
	[tilespmem:$0x1FC80] =	vst v63  }
0x75: {  	s13 =	simm.s32 @!p0 $0xB  }
0x76: {  	_ =	swait.ge @!p0 [sflag:s13], $0x2000  }
0x77: {  	[sflag:s13] =	ssyncset.done @!p0 $0x0  }
0x78: {  	s15 =	simm.s32 @!p0 $0x0;
	s16 =	rddreg [dreg:$0x1d];
	[sflag:s13] =	ssyncadd.s32 @!p0 $0xFFFFE000  }
0x79: {  	[hbm4b:s16+s15] =	stream.linear.scatter @!p0 [tilespmem:s9], [sflag:$0xB], $0x2000, $0x38;
	[tilespmem:$0x1FC80] =	vst v63  }
0x7a: {  	_ =	swait.ge @!p0 [sflag:s13], $0x2000  }
0x7b: {  	[sflag:s13] =	ssyncset.done @!p0 $0x0  }
0x7c: {  	s16 =	rddreg [dreg:$0x1c];
	[sflag:s13] =	ssyncadd.s32 @!p0 $0xFFFFE000  }
0x7d: {  	[tilespmem:s9], [sflag:$0xB] =	stream.linear.gather @!p0 [spmem:s16], $0x2000, $0x38;
	[tilespmem:$0x1FC80] =	vst v63  }
0x7e: {  	_ =	swait.ge @!p0 [sflag:s13], $0x2000  }
0x7f: {  	[sflag:s13] =	ssyncset.done @!p0 $0x0  }
0x80: {  	s16 =	rddreg [dreg:$0x1e];
	[sflag:s13] =	ssyncadd.s32 @!p0 $0xFFFFE000  }
0x81: {  	[hbm4b:s16+s15] =	stream.linear.scatter @!p0 [tilespmem:s9], [sflag:$0xB], $0x2000, $0x38;
	[tilespmem:$0x1FC80] =	vst v63  }
0x82: {  	_ =	swait.ge @!p0 [sflag:s13], $0x2000  }
0x83: {  	s0 =	sshll.u32 @!p0 s0, $0x7;
	[sflag:s13] =	ssyncset.done @!p0 $0x0  }
0x84: {  	s16 =	sadd.s32 @!p0 s0, s2;
	[sflag:s13] =	ssyncadd.s32 @!p0 $0xFFFFE000  }
0x85: {  	[tilespmem:s9], [sflag:$0xB] =	stream.linear.gather @!p0 [spmem:s16], $0x2000, $0x38;
	[tilespmem:$0x1FC80] =	vst v63  }
0x86: {  	_ =	swait.ge @!p0 [sflag:s13], $0x2000  }
0x87: {  	s26 =	rddreg [dreg:$0x9]  }
0x88: {  	s0 =	sadd.s32 @!p0 s26, s0  }
0x89: {  	[sflag:s13] =	ssyncset.done @!p0 $0x0;
	s20 =	rddreg [dreg:$0x4];
	s0 =	sshrl.u32 @!p0 s0, $0x3  }
0x8a: {  	[sflag:s13] =	ssyncadd.s32 @!p0 $0xFFFFE000;
	s0 =	sadd.s32 @!p0 s20, s0  }
0x8b: {  	[hbm4b:s0+s15] =	stream.linear.scatter @!p0 [tilespmem:s9], [sflag:$0xB], $0x2000, $0x38;
	[tilespmem:$0x1FC80] =	vst v63  }
0x8c: {  	_ =	swait.ge @!p0 [sflag:s13], $0x2000  }
0x8d: {  	s0 =	sld [smem:$0x7F9];
	_ =	sdelay $0x2  }
0x8e: {  	[sflag:s13] =	ssyncset.done @!p0 $0x0;
	s0 =	sshll.u32 @!p0 s0, $0x7  }
0x8f: {  	[sflag:s13] =	ssyncadd.s32 @!p0 $0xFFFFE000;
	s16 =	sadd.s32 @!p0 s0, s2  }
0x90: {  	[tilespmem:s9], [sflag:$0xB] =	stream.linear.gather @!p0 [spmem:s16], $0x2000, $0x38;
	[tilespmem:$0x1FC80] =	vst v63  }
0x91: {  	s0 =	sadd.s32 @!p0 s26, s0;
	_ =	swait.ge @!p0 [sflag:s13], $0x2000  }
0x92: {  	s0 =	sshrl.u32 @!p0 s0, $0x3;
	[sflag:s13] =	ssyncset.done @!p0 $0x0  }
0x93: {  	s0 =	sadd.s32 @!p0 s20, s0;
	[sflag:s13] =	ssyncadd.s32 @!p0 $0xFFFFE000  }
0x94: {  	[hbm4b:s0+s15] =	stream.linear.scatter @!p0 [tilespmem:s9], [sflag:$0xB], $0x2000, $0x38;
	[tilespmem:$0x1FC80] =	vst v63  }
0x95: {  	_ =	swait.ge @!p0 [sflag:s13], $0x2000  }
0x96: {  	s31 =	sld [smem:$0x7FA];
	_ =	sdelay $0x1  }
0x97: {  	s30 =	sadd.s32 $0x1, s30  }
0x98: {  	p1 =	sne.s32 s30, s31  }
.Ltmp1:
0x99: {  	_ = 	snop;
	(pc) =	sbr.rel @!p1 .LBB2_22-.Ltmp1, $3  }
0x9a: {  	_ =	sdelay $0x1  }
0x9b: {  	[sflag:s13] =	ssyncset.done @!p0 $0x0  }
0x9c: {  	[sflag:s13] =	ssyncadd.s32 @!p0 $0xFFFFE000  }
.LBB2_1:
0x9d: {  	s0 =	simm.s32 $0x0;
	s9 =	simm.s32 $0x200  }
.LBB2_2:
0x9e: {  	p1 =	sne.s32 s9, $0x7E00;
	[tilespmem:s0+$0x8470] =	vst v0  }
0x9f: {  	[tilespmem:s0+$0x8400] =	vst v0  }
0xa0: {  	[tilespmem:s0+$0x8410] =	vst v0  }
.Ltmp2:
0xa1: {  	[tilespmem:s0+$0x8420] =	vst v0;
	(pc) =	sbr.rel @p1 .LBB2_2-.Ltmp2, $4  }
0xa2: {  	[tilespmem:s0+$0x8430] =	vst v0  }
0xa3: {  	[tilespmem:s0+$0x8440] =	vst v0  }
0xa4: {  	[tilespmem:s0+$0x8450] =	vst v0  }
0xa5: {  	[tilespmem:s0+$0x8460] =	vst v0;
	s0 =	sshra.s32 s9, $0x2;
	s9 =	sadd.s32 $0x200, s9  }
0xa6: {  	[tilespmem:s0+$0x8470] =	vst v0  }
0xa7: {  	[tilespmem:s0+$0x8400] =	vst v0  }
0xa8: {  	[tilespmem:s0+$0x8410] =	vst v0  }
0xa9: {  	[tilespmem:s0+$0x8420] =	vst v0  }
0xaa: {  	[tilespmem:s0+$0x8430] =	vst v0  }
0xab: {  	[tilespmem:s0+$0x8440] =	vst v0  }
0xac: {  	[tilespmem:s0+$0x8450] =	vst v0  }
0xad: {  	[tilespmem:s0+$0x8460] =	vst v0  }
0xae: {  	[spmem:s22] =	stream.linear.scatter [tilespmem:s29], [sflag:$0xB], $0x2000, $0x38;
	[tilespmem:$0x1FC80] =	vst v63  }
0xaf: {  	_ =	swait.ge [sflag:s12], $0x2000  }
0xb0: {  	[sflag:s12] =	ssyncset.done $0x0  }
0xb1: {  	s13 =	rddreg [dreg:$0x11];
	[sflag:s12] =	ssyncadd.s32 $0xFFFFE000  }
0xb2: {  	[spmem:s13] =	stream.linear.scatter [tilespmem:s29], [sflag:$0xB], $0x2000, $0x38;
	[tilespmem:$0x1FC80] =	vst v63  }
0xb3: {  	_ =	swait.ge [sflag:s12], $0x2000  }
0xb4: {  	[sflag:s12] =	ssyncset.done $0x0  }
0xb5: {  	s15 =	rddreg [dreg:$0x12];
	[sflag:s12] =	ssyncadd.s32 $0xFFFFE000  }
0xb6: {  	[spmem:s15] =	stream.linear.scatter [tilespmem:s29], [sflag:$0xB], $0x2000, $0x38;
	[tilespmem:$0x1FC80] =	vst v63  }
0xb7: {  	_ =	swait.ge [sflag:s12], $0x2000  }
0xb8: {  	[sflag:s12] =	ssyncset.done $0x0  }
0xb9: {  	s16 =	rddreg [dreg:$0x13];
	[sflag:s12] =	ssyncadd.s32 $0xFFFFE000  }
0xba: {  	[spmem:s16] =	stream.linear.scatter [tilespmem:s29], [sflag:$0xB], $0x2000, $0x38;
	[tilespmem:$0x1FC80] =	vst v63  }
0xbb: {  	_ =	swait.ge [sflag:s12], $0x2000  }
0xbc: {  	[sflag:s12] =	ssyncset.done $0x0  }
0xbd: {  	s20 =	rddreg [dreg:$0x17];
	[sflag:s12] =	ssyncadd.s32 $0xFFFFE000  }
0xbe: {  	[spmem:s20] =	stream.linear.scatter [tilespmem:s29], [sflag:$0xB], $0x2000, $0x38;
	[tilespmem:$0x1FC80] =	vst v63  }
0xbf: {  	_ =	swait.ge [sflag:s12], $0x2000  }
0xc0: {  	[sflag:s12] =	ssyncset.done $0x0  }
0xc1: {  	s22 =	rddreg [dreg:$0x18];
	[sflag:s12] =	ssyncadd.s32 $0xFFFFE000  }
0xc2: {  	[spmem:s22] =	stream.linear.scatter [tilespmem:s29], [sflag:$0xB], $0x2000, $0x38;
	[tilespmem:$0x1FC80] =	vst v63  }
0xc3: {  	_ =	swait.ge [sflag:s12], $0x2000  }
0xc4: {  	s9 =	sld [smem:$0x7FD]  }
0xc5: {  	[sflag:s12] =	ssyncset.done $0x0  }
0xc6: {  	s0 =	simm.s32 @p0 $0x8400;
	[sflag:s12] =	ssyncadd.s32 $0xFFFFE000  }
0xc7: {  	[spmem:s9] =	stream.linear.scatter @p0 [tilespmem:s0], [sflag:$0xB], $0x800, $0x38;
	[tilespmem:$0x1FC80] =	vst v63  }
0xc8: {  	s0 =	simm.s32 @p0 $0xB  }
0xc9: {  	_ =	swait.ge @p0 [sflag:s0], $0x800  }
0xca: {  	[sflag:s0] =	ssyncset.done @p0 $0x0  }
0xcb: {  	s9 =	rddreg [dreg:$0x19];
	[sflag:s0] =	ssyncadd.s32 @p0 $0xFFFFF800;
	s0 =	simm.s32 @!p0 $0x8400  }
0xcc: {  	[spmem:s9] =	stream.linear.scatter @!p0 [tilespmem:s0], [sflag:$0xB], $0x2000, $0x38;
	[tilespmem:$0x1FC80] =	vst v63  }
0xcd: {  	s9 =	simm.s32 @!p0 $0xB  }
0xce: {  	_ =	swait.ge @!p0 [sflag:s9], $0x2000  }
0xcf: {  	[sflag:s9] =	ssyncset.done @!p0 $0x0  }
0xd0: {  	s13 =	rddreg [dreg:$0x1c];
	[sflag:s9] =	ssyncadd.s32 @!p0 $0xFFFFE000  }
0xd1: {  	[spmem:s13] =	stream.linear.scatter @!p0 [tilespmem:s0], [sflag:$0xB], $0x2000, $0x38;
	[tilespmem:$0x1FC80] =	vst v63  }
0xd2: {  	_ =	swait.ge @!p0 [sflag:s9], $0x2000  }
0xd3: {  	[sflag:s9] =	ssyncset.done @!p0 $0x0  }
0xd4: {  	s13 =	rddreg [dreg:$0x8];
	[sflag:s9] =	ssyncadd.s32 @!p0 $0xFFFFE000  }
0xd5: {  	[spmem:s13] =	stream.linear.scatter @!p0 [tilespmem:s0], [sflag:$0xB], $0x2000, $0x38;
	[tilespmem:$0x1FC80] =	vst v63  }
0xd6: {  	_ =	swait.ge @!p0 [sflag:s9], $0x2000  }
0xd7: {  	[sflag:s9] =	ssyncset.done @!p0 $0x0  }
0xd8: {  	s13 =	rddreg [dreg:$0xa];
	[sflag:s9] =	ssyncadd.s32 @!p0 $0xFFFFE000  }
0xd9: {  	[spmem:s13] =	stream.linear.scatter @!p0 [tilespmem:s0], [sflag:$0xB], $0x2000, $0x38;
	[tilespmem:$0x1FC80] =	vst v63  }
0xda: {  	_ =	swait.ge @!p0 [sflag:s9], $0x2000  }
0xdb: {  	[sflag:s9] =	ssyncset.done @!p0 $0x0  }
0xdc: {  	[sflag:s9] =	ssyncadd.s32 @!p0 $0xFFFFE000  }
0xdd: {  	[bflag:$0x0] =	sbarrier.arrive $0xFFFF  }
0xde: {  	s16 =	simm.s32 $0x0;
	s26 =	rddreg [dreg:$0xb]  }
0xdf: {  	[tilespmem:s16], [sflag:$0x1] =	stream.linear.gather [hbm4b:s26+s16], $0x40, $0x38;
	[tilespmem:$0x1FC80] =	vst v63  }
0xe0: {  	s31 =	rddreg [dreg:$0xc]  }
0xe1: {  	[tilespmem:s4], [sflag:$0x1] =	stream.linear.gather [hbm4b:s31+s16], $0x40, $0x38;
	[tilespmem:$0x1FC80] =	vst v63  }
0xe2: {  	s13 =	simm.s32 $0x100;
	s9 =	rddreg [dreg:$0xd]  }
0xe3: {  	[tilespmem:s13], [sflag:$0x2] =	stream.linear.gather [hbm4b:s9+s16], $0x40, $0x38;
	[tilespmem:$0x1FC80] =	vst v63  }
0xe4: {  	s20 =	simm.s32 $0x1;
	s15 =	rddreg [dreg:$0xe]  }
0xe5: {  	[tilespmem:s14], [sflag:$0x2] =	stream.linear.gather [hbm4b:s15+s16], $0x40, $0x38;
	[tilespmem:$0x1FC80] =	vst v63  }
0xe6: {  	_ =	swait.ge [sflag:s20], $0x40  }
0xe7: {  	[sflag:s20] =	ssyncset.done $0x0  }
0xe8: {  	[sflag:s20] =	ssyncadd.s32 $0xFFFFFFC0  }
0xe9: {  	_ =	swait.ge [sflag:s20], $0x40  }
0xea: {  	[sflag:s20] =	ssyncset.done $0x0  }
0xeb: {  	s22 =	simm.s32 $0x400;
	s31 =	rddreg [dreg:$0xf];
	[sflag:s20] =	ssyncadd.s32 $0xFFFFFFC0  }
0xec: {  	[tilespmem:s22], [sflag:$0x5] =	stream.indirect.gather [hbm4b:s1+s17], $0x80, s16, s17, $0xb8;
	[tilespmem:$0x1FC80] =	vst v63  }
.Ltmp3:
0xed: {  	s9 =	rddreg [dreg:$0x7];
	(pc) =	sbr.rel .LBB2_4-.Ltmp3, $4  }
0xee: {  	s26 =	simm.s32 $0x2400;
	s0 =	rddreg [dreg:$0x6];
	s9 =	simm.s32 @p0 $0x27C0  }
0xef: {  	[tilespmem:s26], [sflag:$0x5] =	stream.indirect.gather [hbm4b:s5+s17], $0x80, s4, s17, $0xb8;
	[tilespmem:$0x1FC80] =	vst v63  }
0xf0: {  	s0 =	simm.s32 @p0 $0x2780;
	[smem:$0x7F9] =	sst s9  }
0xf1: {  	[tilespmem:s29], [sflag:$0x7] =	stream.linear.gather [hbm4b:s31+s16], $0x2000, $0x38;
	[tilespmem:$0x1FC80] =	vst v63  }
.LBB2_20:
0xf2: {  	s16 =	sadd.s32 $0x1, s16  }
0xf3: {  	p1 =	sne.s32 s16, $0x28  }
.Ltmp4:
0xf4: {  	_ = 	snop;
	(pc) =	sbr.rel @!p1 .LBB2_21-.Ltmp4, $1  }
0xf5: {  	_ =	sdelay $0x3  }
.LBB2_4:
0xf6: {  	s9 =	sshll.u32 s16, $0x7  }
0xf7: {  	s26 =	sor.u32 s10, s9  }
0xf8: {  	s9 =	sor.u32 $0x20, s26  }
0xf9: {  	p2 =	sgt.u32 s9, $0x1387  }
0xfa: {  	s13 =	simm.s32 @!p2 $0x2  }
0xfb: {  	_ =	swait.ge @!p2 [sflag:s13], $0x40  }
0xfc: {  	[sflag:s13] =	ssyncset.done @!p2 $0x0  }
0xfd: {  	[sflag:s13] =	ssyncadd.s32 @!p2 $0xFFFFFFC0  }
0xfe: {  	p1 =	sgt.u32 s26, $0x1387;
	_ =	swait.ge @!p2 [sflag:s13], $0x40  }
.Ltmp5:
0xff: {  	s15 =	simm.s32 @!p2 $0x100;
	[sflag:s13] =	ssyncset.done @!p2 $0x0;
	(pc) =	sbr.rel @p1 .LBB2_8-.Ltmp5, $4  }
0x100: {  	s20 =	simm.s32 @!p2 $0x4400;
	[sflag:s13] =	ssyncadd.s32 @!p2 $0xFFFFFFC0;
	s13 =	simm.s32 @!p2 $0x40  }
0x101: {  	[tilespmem:s20], [sflag:$0x6] =	stream.indirect.gather @!p2 [hbm4b:s1+s13], $0x80, s15, s13, $0xb8;
	[tilespmem:$0x1FC80] =	vst v63  }
0x102: {  	s15 =	simm.s32 @!p2 $0x180;
	s20 =	simm.s32 @!p2 $0x6400  }
0x103: {  	[tilespmem:s20], [sflag:$0x6] =	stream.indirect.gather @!p2 [hbm4b:s5+s13], $0x80, s15, s13, $0xb8;
	[tilespmem:$0x1FC80] =	vst v63  }
0x104: {  	_ =	swait.ge [sflag:s18], $0x2000  }
0x105: {  	[sflag:s18] =	ssyncset.done $0x0  }
0x106: {  	[sflag:s18] =	ssyncadd.s32 $0xFFFFE000  }
0x107: {  	_ =	swait.ge [sflag:s18], $0x2000  }
0x108: {  	[sflag:s18] =	ssyncset.done $0x0  }
0x109: {  	[sflag:s18] =	ssyncadd.s32 $0xFFFFE000  }
0x10a: {  	_ =	swait.ge [sflag:s19], $0x2000  }
0x10b: {  	[sflag:s19] =	ssyncset.done $0x0  }
0x10c: {  	s15 =	simm.s32 $0x0;
	[sflag:s19] =	ssyncadd.s32 $0xFFFFE000  }
0x10d: {  	v13 =	vld [tilespmem:s15+$0x400]  }
0x10e: {  	v18 =	vld [tilespmem:s15+$0x2400]  }
0x10f: {  	v20 =	vld [tilespmem:s15+$0x410]  }
0x110: {  	v21 =	vld [tilespmem:s15+$0x2410]  }
0x111: {  	v6 =	vld [tilespmem:s15+$0x420]  }
0x112: {  	v10 =	vld [tilespmem:s15+$0x2420]  }
0x113: {  	v8 =	vld [tilespmem:s15+$0x430]  }
0x114: {  	v12 =	vld [tilespmem:s15+$0x2430]  }
0x115: {  	v9 =	vld [tilespmem:s15+$0x440]  }
0x116: {  	v11 =	vld [tilespmem:s15+$0x2440]  }
0x117: {  	v5 =	vld [tilespmem:s15+$0x450]  }
0x118: {  	v7 =	vld [tilespmem:s15+$0x2450]  }
0x119: {  	v3 =	vld [tilespmem:s15+$0x460]  }
0x11a: {  	v4 =	vld [tilespmem:s15+$0x2460]  }
0x11b: {  	v1 =	vld [tilespmem:s15+$0x470]  }
0x11c: {  	v2 =	vld [tilespmem:s15+$0x2470]  }
0x11d: {  	v17 =	vld [tilespmem:s15+$0x8400]  }
0x11e: {  	v16 =	vld [tilespmem:s15+$0x8410]  }
0x11f: {  	v15 =	vld [tilespmem:s15+$0x8420]  }
0x120: {  	v14 =	vld [tilespmem:s15+$0x8430];
	v19 =	vadd.f32 v18, v13  }
0x121: {  	s13 =	simm.s32 $0x200;
	v18 =	vadd.f32 v21, v20;
	v13 =	vld [tilespmem:s15+$0x8440]  }
.LBB2_6:
0x122: {  	p1 =	sne.s32 s13, $0x7E00;
	v17 =	vadd.f32 v17, v19;
	v6 =	vadd.f32 v10, v6;
	v10 =	vld [tilespmem:s15+$0x8450]  }
0x123: {  	v8 =	vadd.f32 v12, v8;
	v16 =	vadd.f32 v16, v18;
	v12 =	vld [tilespmem:s15+$0x8460]  }
0x124: {  	s20 =	sshra.s32 s13, $0x2;
	v9 =	vadd.f32 v11, v9;
	v17 =	vmax.f32 v17, $0.0e+00;
	v6 =	vadd.f32 v15, v6;
	v11 =	vld [tilespmem:s15+$0x8470]  }
0x125: {  	v5 =	vadd.f32 v7, v5;
	v18 =	vld [tilespmem:s20+$0x400];
	[tilespmem:s15+$0x8400] =	vst v17;
	v15 =	vmax.f32 v16, $0.0e+00;
	v8 =	vadd.f32 v14, v8  }
0x126: {  	v3 =	vadd.f32 v4, v3;
	v14 =	vld [tilespmem:s20+$0x2400];
	[tilespmem:s15+$0x8410] =	vst v15;
	v6 =	vmax.f32 v6, $0.0e+00;
	v7 =	vadd.f32 v13, v9  }
0x127: {  	v1 =	vadd.f32 v2, v1;
	v13 =	vld [tilespmem:s20+$0x410];
	[tilespmem:s15+$0x8420] =	vst v6;
	v4 =	vmax.f32 v8, $0.0e+00;
	v5 =	vadd.f32 v10, v5  }
0x128: {  	v20 =	vld [tilespmem:s20+$0x2410];
	[tilespmem:s15+$0x8430] =	vst v4;
	v2 =	vmax.f32 v7, $0.0e+00;
	v3 =	vadd.f32 v12, v3  }
0x129: {  	v6 =	vld [tilespmem:s20+$0x420];
	[tilespmem:s15+$0x8440] =	vst v2;
	v2 =	vmax.f32 v5, $0.0e+00;
	v1 =	vadd.f32 v11, v1  }
0x12a: {  	v10 =	vld [tilespmem:s20+$0x2420];
	[tilespmem:s15+$0x8450] =	vst v2;
	v2 =	vmax.f32 v3, $0.0e+00  }
0x12b: {  	v8 =	vld [tilespmem:s20+$0x430];
	[tilespmem:s15+$0x8460] =	vst v2;
	v1 =	vmax.f32 v1, $0.0e+00  }
0x12c: {  	v12 =	vld [tilespmem:s20+$0x2430];
	[tilespmem:s15+$0x8470] =	vst v1;
	s15 =	smov.u32 s20  }
0x12d: {  	v9 =	vld [tilespmem:s15+$0x440]  }
0x12e: {  	v11 =	vld [tilespmem:s15+$0x2440]  }
0x12f: {  	v5 =	vld [tilespmem:s15+$0x450]  }
0x130: {  	v7 =	vld [tilespmem:s15+$0x2450]  }
0x131: {  	v3 =	vld [tilespmem:s15+$0x460]  }
0x132: {  	v4 =	vld [tilespmem:s15+$0x2460]  }
0x133: {  	v1 =	vld [tilespmem:s15+$0x470]  }
0x134: {  	v2 =	vld [tilespmem:s15+$0x2470]  }
.Ltmp6:
0x135: {  	v17 =	vld [tilespmem:s15+$0x8400];
	(pc) =	sbr.rel @p1 .LBB2_6-.Ltmp6, $4  }
0x136: {  	v16 =	vld [tilespmem:s15+$0x8410]  }
0x137: {  	v15 =	vld [tilespmem:s15+$0x8420]  }
0x138: {  	v19 =	vadd.f32 v14, v18;
	v14 =	vld [tilespmem:s15+$0x8430]  }
0x139: {  	s13 =	sadd.s32 $0x200, s13;
	v18 =	vadd.f32 v20, v13;
	v13 =	vld [tilespmem:s15+$0x8440]  }
0x13a: {  	v17 =	vadd.f32 v17, v19;
	v6 =	vadd.f32 v10, v6;
	v58 =	vld [tilespmem:s15+$0x8450]  }
0x13b: {  	v8 =	vadd.f32 v12, v8;
	v60 =	vld [tilespmem:s15+$0x8470];
	v16 =	vadd.f32 v16, v18  }
0x13c: {  	v59 =	vld [tilespmem:s15+$0x8460];
	v9 =	vadd.f32 v11, v9;
	v17 =	vmax.f32 v17, $0.0e+00;
	v6 =	vadd.f32 v15, v6  }
0x13d: {  	v5 =	vadd.f32 v7, v5;
	[tilespmem:s15+$0x8400] =	vst v17;
	v61 =	vmax.f32 v16, $0.0e+00;
	v8 =	vadd.f32 v14, v8  }
0x13e: {  	v1 =	vadd.f32 v2, v1;
	[tilespmem:s15+$0x8410] =	vst v61;
	v6 =	vmax.f32 v6, $0.0e+00;
	v62 =	vadd.f32 v13, v9  }
0x13f: {  	v3 =	vadd.f32 v4, v3;
	[tilespmem:s15+$0x8420] =	vst v6;
	v63 =	vmax.f32 v8, $0.0e+00;
	v5 =	vadd.f32 v58, v5  }
0x140: {  	v1 =	vadd.f32 v60, v1;
	[tilespmem:s15+$0x8430] =	vst v63;
	v2 =	vmax.f32 v62, $0.0e+00  }
0x141: {  	v3 =	vadd.f32 v59, v3;
	[tilespmem:s15+$0x8440] =	vst v2;
	v2 =	vmax.f32 v5, $0.0e+00  }
0x142: {  	p1 =	seq.s32 @!p2 s16, $0x0;
	v1 =	vmax.f32 v1, $0.0e+00;
	[tilespmem:s15+$0x8450] =	vst v2  }
0x143: {  	p1 =	por p1, p2;
	v2 =	vmax.f32 v3, $0.0e+00;
	[tilespmem:s15+$0x8470] =	vst v1  }
0x144: {  	s13 =	simm.s32 @!p1 $0xA;
	[tilespmem:s15+$0x8460] =	vst v2  }
0x145: {  	[spmem:s2] =	stream.indirect.scatter.add.f32 [tilespmem:s29], [sflag:$0x9], $0x80, s4, s17, $0xb8;
	[tilespmem:$0x1FC80] =	vst v63  }
0x146: {  	s9 =	sshll.u32 @!p2 s9, $0xA;
	_ =	swait.ge @!p1 [sflag:s13], $0x2000  }
0x147: {  	s9 =	sadd.s32 @!p2 s6, s9;
	[sflag:s13] =	ssyncset.done @!p1 $0x0  }
0x148: {  	s15 =	simm.s32 @!p2 $0xA400;
	[sflag:s13] =	ssyncadd.s32 @!p1 $0xFFFFE000;
	s13 =	simm.s32 @!p2 $0x0  }
0x149: {  	[tilespmem:s15], [sflag:$0x8] =	stream.linear.gather @!p2 [hbm4b:s9+s13], $0x2000, $0x38;
	[tilespmem:$0x1FC80] =	vst v63  }
.LBB2_8:
0x14a: {  	s9 =	sor.u32 $0x40, s26  }
0x14b: {  	p1 =	sgt.u32 s9, $0x1387  }
0x14c: {  	s13 =	sshll.u32 @!p1 s9, $0x3  }
0x14d: {  	s15 =	simm.s32 @!p1 $0x0;
	s22 =	simm.s32 @!p1 $0x200;
	s20 =	sadd.s32 @!p1 s7, s13  }
0x14e: {  	[tilespmem:s22], [sflag:$0x3] =	stream.linear.gather @!p1 [hbm4b:s20+s15], $0x40, $0x38;
	[tilespmem:$0x1FC80] =	vst v63  }
0x14f: {  	s13 =	sadd.s32 @!p1 s8, s13;
	s20 =	simm.s32 @!p1 $0x280  }
0x150: {  	[tilespmem:s20], [sflag:$0x3] =	stream.linear.gather @!p1 [hbm4b:s13+s15], $0x40, $0x38;
	[tilespmem:$0x1FC80] =	vst v63  }
0x151: {  	s13 =	simm.s32 @!p1 $0x3  }
0x152: {  	_ =	swait.ge @!p1 [sflag:s13], $0x40  }
0x153: {  	[sflag:s13] =	ssyncset.done @!p1 $0x0  }
0x154: {  	[sflag:s13] =	ssyncadd.s32 @!p1 $0xFFFFFFC0  }
0x155: {  	_ =	swait.ge @!p1 [sflag:s13], $0x40  }
.Ltmp7:
0x156: {  	[sflag:s13] =	ssyncset.done @!p1 $0x0;
	(pc) =	sbr.rel @p2 .LBB2_12-.Ltmp7, $4  }
0x157: {  	s31 =	simm.s32 @!p1 $0x400;
	[sflag:s13] =	ssyncadd.s32 @!p1 $0xFFFFFFC0;
	s13 =	simm.s32 @!p1 $0x40  }
0x158: {  	[tilespmem:s31], [sflag:$0x5] =	stream.indirect.gather @!p1 [hbm4b:s1+s13], $0x80, s22, s13, $0xb8;
	[tilespmem:$0x1FC80] =	vst v63  }
0x159: {  	s22 =	simm.s32 @!p1 $0x2400  }
0x15a: {  	[tilespmem:s22], [sflag:$0x5] =	stream.indirect.gather @!p1 [hbm4b:s5+s13], $0x80, s20, s13, $0xb8;
	[tilespmem:$0x1FC80] =	vst v63  }
0x15b: {  	_ =	swait.ge [sflag:s21], $0x2000  }
0x15c: {  	[sflag:s21] =	ssyncset.done $0x0  }
0x15d: {  	[sflag:s21] =	ssyncadd.s32 $0xFFFFE000  }
0x15e: {  	_ =	swait.ge [sflag:s21], $0x2000  }
0x15f: {  	[sflag:s21] =	ssyncset.done $0x0  }
0x160: {  	[sflag:s21] =	ssyncadd.s32 $0xFFFFE000  }
0x161: {  	_ =	swait.ge [sflag:s11], $0x2000  }
0x162: {  	[sflag:s11] =	ssyncset.done $0x0  }
0x163: {  	s13 =	simm.s32 $0x0;
	[sflag:s11] =	ssyncadd.s32 $0xFFFFE000  }
0x164: {  	v13 =	vld [tilespmem:s13+$0x4400]  }
0x165: {  	v18 =	vld [tilespmem:s13+$0x6400]  }
0x166: {  	v20 =	vld [tilespmem:s13+$0x4410]  }
0x167: {  	v21 =	vld [tilespmem:s13+$0x6410]  }
0x168: {  	v6 =	vld [tilespmem:s13+$0x4420]  }
0x169: {  	v10 =	vld [tilespmem:s13+$0x6420]  }
0x16a: {  	v8 =	vld [tilespmem:s13+$0x4430]  }
0x16b: {  	v12 =	vld [tilespmem:s13+$0x6430]  }
0x16c: {  	v9 =	vld [tilespmem:s13+$0x4440]  }
0x16d: {  	v11 =	vld [tilespmem:s13+$0x6440]  }
0x16e: {  	v5 =	vld [tilespmem:s13+$0x4450]  }
0x16f: {  	v7 =	vld [tilespmem:s13+$0x6450]  }
0x170: {  	v3 =	vld [tilespmem:s13+$0x4460]  }
0x171: {  	v4 =	vld [tilespmem:s13+$0x6460]  }
0x172: {  	v1 =	vld [tilespmem:s13+$0x4470]  }
0x173: {  	v2 =	vld [tilespmem:s13+$0x6470]  }
0x174: {  	v17 =	vld [tilespmem:s13+$0xA400]  }
0x175: {  	v16 =	vld [tilespmem:s13+$0xA410]  }
0x176: {  	v15 =	vld [tilespmem:s13+$0xA420]  }
0x177: {  	v14 =	vld [tilespmem:s13+$0xA430];
	v19 =	vadd.f32 v18, v13  }
0x178: {  	s20 =	simm.s32 $0x200;
	v18 =	vadd.f32 v21, v20;
	v13 =	vld [tilespmem:s13+$0xA440]  }
.LBB2_10:
0x179: {  	p2 =	sne.s32 s20, $0x7E00;
	v17 =	vadd.f32 v17, v19;
	v6 =	vadd.f32 v10, v6;
	v10 =	vld [tilespmem:s13+$0xA450]  }
0x17a: {  	v8 =	vadd.f32 v12, v8;
	v16 =	vadd.f32 v16, v18;
	v12 =	vld [tilespmem:s13+$0xA460]  }
0x17b: {  	s22 =	sshra.s32 s20, $0x2;
	v9 =	vadd.f32 v11, v9;
	v17 =	vmax.f32 v17, $0.0e+00;
	v6 =	vadd.f32 v15, v6;
	v11 =	vld [tilespmem:s13+$0xA470]  }
0x17c: {  	v5 =	vadd.f32 v7, v5;
	v18 =	vld [tilespmem:s22+$0x4400];
	[tilespmem:s13+$0xA400] =	vst v17;
	v15 =	vmax.f32 v16, $0.0e+00;
	v8 =	vadd.f32 v14, v8  }
0x17d: {  	v3 =	vadd.f32 v4, v3;
	v14 =	vld [tilespmem:s22+$0x6400];
	[tilespmem:s13+$0xA410] =	vst v15;
	v6 =	vmax.f32 v6, $0.0e+00;
	v7 =	vadd.f32 v13, v9  }
0x17e: {  	v1 =	vadd.f32 v2, v1;
	v13 =	vld [tilespmem:s22+$0x4410];
	[tilespmem:s13+$0xA420] =	vst v6;
	v4 =	vmax.f32 v8, $0.0e+00;
	v5 =	vadd.f32 v10, v5  }
0x17f: {  	v20 =	vld [tilespmem:s22+$0x6410];
	[tilespmem:s13+$0xA430] =	vst v4;
	v2 =	vmax.f32 v7, $0.0e+00;
	v3 =	vadd.f32 v12, v3  }
0x180: {  	v6 =	vld [tilespmem:s22+$0x4420];
	[tilespmem:s13+$0xA440] =	vst v2;
	v2 =	vmax.f32 v5, $0.0e+00;
	v1 =	vadd.f32 v11, v1  }
0x181: {  	v10 =	vld [tilespmem:s22+$0x6420];
	[tilespmem:s13+$0xA450] =	vst v2;
	v2 =	vmax.f32 v3, $0.0e+00  }
0x182: {  	v8 =	vld [tilespmem:s22+$0x4430];
	[tilespmem:s13+$0xA460] =	vst v2;
	v1 =	vmax.f32 v1, $0.0e+00  }
0x183: {  	v12 =	vld [tilespmem:s22+$0x6430];
	[tilespmem:s13+$0xA470] =	vst v1;
	s13 =	smov.u32 s22  }
0x184: {  	v9 =	vld [tilespmem:s13+$0x4440]  }
0x185: {  	v11 =	vld [tilespmem:s13+$0x6440]  }
0x186: {  	v5 =	vld [tilespmem:s13+$0x4450]  }
0x187: {  	v7 =	vld [tilespmem:s13+$0x6450]  }
0x188: {  	v3 =	vld [tilespmem:s13+$0x4460]  }
0x189: {  	v4 =	vld [tilespmem:s13+$0x6460]  }
0x18a: {  	v1 =	vld [tilespmem:s13+$0x4470]  }
0x18b: {  	v2 =	vld [tilespmem:s13+$0x6470]  }
.Ltmp8:
0x18c: {  	v17 =	vld [tilespmem:s13+$0xA400];
	(pc) =	sbr.rel @p2 .LBB2_10-.Ltmp8, $4  }
0x18d: {  	v16 =	vld [tilespmem:s13+$0xA410]  }
0x18e: {  	v15 =	vld [tilespmem:s13+$0xA420]  }
0x18f: {  	v19 =	vadd.f32 v14, v18;
	v14 =	vld [tilespmem:s13+$0xA430]  }
0x190: {  	s20 =	sadd.s32 $0x200, s20;
	v18 =	vadd.f32 v20, v13;
	v13 =	vld [tilespmem:s13+$0xA440]  }
0x191: {  	v17 =	vadd.f32 v17, v19;
	v6 =	vadd.f32 v10, v6;
	v58 =	vld [tilespmem:s13+$0xA450]  }
0x192: {  	v8 =	vadd.f32 v12, v8;
	v60 =	vld [tilespmem:s13+$0xA470];
	v16 =	vadd.f32 v16, v18  }
0x193: {  	v59 =	vld [tilespmem:s13+$0xA460];
	v9 =	vadd.f32 v11, v9;
	v17 =	vmax.f32 v17, $0.0e+00;
	v6 =	vadd.f32 v15, v6  }
0x194: {  	v5 =	vadd.f32 v7, v5;
	[tilespmem:s13+$0xA400] =	vst v17;
	v61 =	vmax.f32 v16, $0.0e+00;
	v8 =	vadd.f32 v14, v8  }
0x195: {  	v1 =	vadd.f32 v2, v1;
	[tilespmem:s13+$0xA410] =	vst v61;
	v6 =	vmax.f32 v6, $0.0e+00;
	v62 =	vadd.f32 v13, v9  }
0x196: {  	v3 =	vadd.f32 v4, v3;
	[tilespmem:s13+$0xA420] =	vst v6;
	v63 =	vmax.f32 v8, $0.0e+00;
	v5 =	vadd.f32 v58, v5  }
0x197: {  	v1 =	vadd.f32 v60, v1;
	[tilespmem:s13+$0xA430] =	vst v63;
	v2 =	vmax.f32 v62, $0.0e+00  }
0x198: {  	v3 =	vadd.f32 v59, v3;
	[tilespmem:s13+$0xA440] =	vst v2;
	v2 =	vmax.f32 v5, $0.0e+00  }
0x199: {  	v1 =	vmax.f32 v1, $0.0e+00;
	[tilespmem:s13+$0xA450] =	vst v2  }
0x19a: {  	v2 =	vmax.f32 v3, $0.0e+00;
	[tilespmem:s13+$0xA470] =	vst v1  }
0x19b: {  	[tilespmem:s13+$0xA460] =	vst v2  }
0x19c: {  	[spmem:s2] =	stream.indirect.scatter.add.f32 [tilespmem:s23], [sflag:$0xA], $0x80, s14, s17, $0xb8;
	[tilespmem:$0x1FC80] =	vst v63  }
.LBB2_12:
0x19d: {  	s13 =	simm.s32 @!p1 $0x9  }
0x19e: {  	_ =	swait.ge @!p1 [sflag:s13], $0x2000  }
0x19f: {  	s9 =	sshll.u32 @!p1 s9, $0xA;
	[sflag:s13] =	ssyncset.done @!p1 $0x0  }
0x1a0: {  	s9 =	sadd.s32 @!p1 s6, s9;
	[sflag:s13] =	ssyncadd.s32 @!p1 $0xFFFFE000;
	s13 =	simm.s32 @!p1 $0x8400  }
0x1a1: {  	[tilespmem:s13], [sflag:$0x7] =	stream.linear.gather @!p1 [hbm4b:s9+s15], $0x2000, $0x38;
	[tilespmem:$0x1FC80] =	vst v63  }
0x1a2: {  	s9 =	sor.u32 $0x60, s26  }
0x1a3: {  	p2 =	sgt.u32 s9, $0x1387  }
0x1a4: {  	s13 =	sshll.u32 @!p2 s9, $0x3  }
0x1a5: {  	s20 =	simm.s32 @!p2 $0x0;
	s22 =	simm.s32 @!p2 $0x300;
	s15 =	sadd.s32 @!p2 s7, s13  }
0x1a6: {  	[tilespmem:s22], [sflag:$0x4] =	stream.linear.gather @!p2 [hbm4b:s15+s20], $0x40, $0x38;
	[tilespmem:$0x1FC80] =	vst v63  }
0x1a7: {  	s13 =	sadd.s32 @!p2 s8, s13;
	s15 =	simm.s32 @!p2 $0x380  }
0x1a8: {  	[tilespmem:s15], [sflag:$0x4] =	stream.linear.gather @!p2 [hbm4b:s13+s20], $0x40, $0x38;
	[tilespmem:$0x1FC80] =	vst v63  }
0x1a9: {  	s13 =	simm.s32 @!p2 $0x4  }
0x1aa: {  	_ =	swait.ge @!p2 [sflag:s13], $0x40  }
0x1ab: {  	[sflag:s13] =	ssyncset.done @!p2 $0x0  }
0x1ac: {  	[sflag:s13] =	ssyncadd.s32 @!p2 $0xFFFFFFC0  }
0x1ad: {  	_ =	swait.ge @!p2 [sflag:s13], $0x40  }
.Ltmp9:
0x1ae: {  	[sflag:s13] =	ssyncset.done @!p2 $0x0;
	(pc) =	sbr.rel @p1 .LBB2_16-.Ltmp9, $4  }
0x1af: {  	s20 =	simm.s32 @!p2 $0x4400;
	[sflag:s13] =	ssyncadd.s32 @!p2 $0xFFFFFFC0;
	s13 =	simm.s32 @!p2 $0x40  }
0x1b0: {  	[tilespmem:s20], [sflag:$0x6] =	stream.indirect.gather @!p2 [hbm4b:s1+s13], $0x80, s22, s13, $0xb8;
	[tilespmem:$0x1FC80] =	vst v63  }
0x1b1: {  	s20 =	simm.s32 @!p2 $0x6400  }
0x1b2: {  	[tilespmem:s20], [sflag:$0x6] =	stream.indirect.gather @!p2 [hbm4b:s5+s13], $0x80, s15, s13, $0xb8;
	[tilespmem:$0x1FC80] =	vst v63  }
0x1b3: {  	_ =	swait.ge [sflag:s18], $0x2000  }
0x1b4: {  	[sflag:s18] =	ssyncset.done $0x0  }
0x1b5: {  	[sflag:s18] =	ssyncadd.s32 $0xFFFFE000  }
0x1b6: {  	_ =	swait.ge [sflag:s18], $0x2000  }
0x1b7: {  	[sflag:s18] =	ssyncset.done $0x0  }
0x1b8: {  	[sflag:s18] =	ssyncadd.s32 $0xFFFFE000  }
0x1b9: {  	_ =	swait.ge [sflag:s19], $0x2000  }
0x1ba: {  	[sflag:s19] =	ssyncset.done $0x0  }
0x1bb: {  	s13 =	simm.s32 $0x0;
	[sflag:s19] =	ssyncadd.s32 $0xFFFFE000  }
0x1bc: {  	v13 =	vld [tilespmem:s13+$0x400]  }
0x1bd: {  	v18 =	vld [tilespmem:s13+$0x2400]  }
0x1be: {  	v20 =	vld [tilespmem:s13+$0x410]  }
0x1bf: {  	v21 =	vld [tilespmem:s13+$0x2410]  }
0x1c0: {  	v6 =	vld [tilespmem:s13+$0x420]  }
0x1c1: {  	v10 =	vld [tilespmem:s13+$0x2420]  }
0x1c2: {  	v8 =	vld [tilespmem:s13+$0x430]  }
0x1c3: {  	v12 =	vld [tilespmem:s13+$0x2430]  }
0x1c4: {  	v9 =	vld [tilespmem:s13+$0x440]  }
0x1c5: {  	v11 =	vld [tilespmem:s13+$0x2440]  }
0x1c6: {  	v5 =	vld [tilespmem:s13+$0x450]  }
0x1c7: {  	v7 =	vld [tilespmem:s13+$0x2450]  }
0x1c8: {  	v3 =	vld [tilespmem:s13+$0x460]  }
0x1c9: {  	v4 =	vld [tilespmem:s13+$0x2460]  }
0x1ca: {  	v1 =	vld [tilespmem:s13+$0x470]  }
0x1cb: {  	v2 =	vld [tilespmem:s13+$0x2470]  }
0x1cc: {  	v17 =	vld [tilespmem:s13+$0x8400]  }
0x1cd: {  	v16 =	vld [tilespmem:s13+$0x8410]  }
0x1ce: {  	v15 =	vld [tilespmem:s13+$0x8420]  }
0x1cf: {  	v14 =	vld [tilespmem:s13+$0x8430];
	v19 =	vadd.f32 v18, v13  }
0x1d0: {  	s15 =	simm.s32 $0x200;
	v18 =	vadd.f32 v21, v20;
	v13 =	vld [tilespmem:s13+$0x8440]  }
.LBB2_14:
0x1d1: {  	p1 =	sne.s32 s15, $0x7E00;
	v17 =	vadd.f32 v17, v19;
	v6 =	vadd.f32 v10, v6;
	v10 =	vld [tilespmem:s13+$0x8450]  }
0x1d2: {  	v8 =	vadd.f32 v12, v8;
	v16 =	vadd.f32 v16, v18;
	v12 =	vld [tilespmem:s13+$0x8460]  }
0x1d3: {  	s20 =	sshra.s32 s15, $0x2;
	v9 =	vadd.f32 v11, v9;
	v17 =	vmax.f32 v17, $0.0e+00;
	v6 =	vadd.f32 v15, v6;
	v11 =	vld [tilespmem:s13+$0x8470]  }
0x1d4: {  	v5 =	vadd.f32 v7, v5;
	v18 =	vld [tilespmem:s20+$0x400];
	[tilespmem:s13+$0x8400] =	vst v17;
	v15 =	vmax.f32 v16, $0.0e+00;
	v8 =	vadd.f32 v14, v8  }
0x1d5: {  	v3 =	vadd.f32 v4, v3;
	v14 =	vld [tilespmem:s20+$0x2400];
	[tilespmem:s13+$0x8410] =	vst v15;
	v6 =	vmax.f32 v6, $0.0e+00;
	v7 =	vadd.f32 v13, v9  }
0x1d6: {  	v1 =	vadd.f32 v2, v1;
	v13 =	vld [tilespmem:s20+$0x410];
	[tilespmem:s13+$0x8420] =	vst v6;
	v4 =	vmax.f32 v8, $0.0e+00;
	v5 =	vadd.f32 v10, v5  }
0x1d7: {  	v20 =	vld [tilespmem:s20+$0x2410];
	[tilespmem:s13+$0x8430] =	vst v4;
	v2 =	vmax.f32 v7, $0.0e+00;
	v3 =	vadd.f32 v12, v3  }
0x1d8: {  	v6 =	vld [tilespmem:s20+$0x420];
	[tilespmem:s13+$0x8440] =	vst v2;
	v2 =	vmax.f32 v5, $0.0e+00;
	v1 =	vadd.f32 v11, v1  }
0x1d9: {  	v10 =	vld [tilespmem:s20+$0x2420];
	[tilespmem:s13+$0x8450] =	vst v2;
	v2 =	vmax.f32 v3, $0.0e+00  }
0x1da: {  	v8 =	vld [tilespmem:s20+$0x430];
	[tilespmem:s13+$0x8460] =	vst v2;
	v1 =	vmax.f32 v1, $0.0e+00  }
0x1db: {  	v12 =	vld [tilespmem:s20+$0x2430];
	[tilespmem:s13+$0x8470] =	vst v1;
	s13 =	smov.u32 s20  }
0x1dc: {  	v9 =	vld [tilespmem:s13+$0x440]  }
0x1dd: {  	v11 =	vld [tilespmem:s13+$0x2440]  }
0x1de: {  	v5 =	vld [tilespmem:s13+$0x450]  }
0x1df: {  	v7 =	vld [tilespmem:s13+$0x2450]  }
0x1e0: {  	v3 =	vld [tilespmem:s13+$0x460]  }
0x1e1: {  	v4 =	vld [tilespmem:s13+$0x2460]  }
0x1e2: {  	v1 =	vld [tilespmem:s13+$0x470]  }
0x1e3: {  	v2 =	vld [tilespmem:s13+$0x2470]  }
.Ltmp10:
0x1e4: {  	v17 =	vld [tilespmem:s13+$0x8400];
	(pc) =	sbr.rel @p1 .LBB2_14-.Ltmp10, $4  }
0x1e5: {  	v16 =	vld [tilespmem:s13+$0x8410]  }
0x1e6: {  	v15 =	vld [tilespmem:s13+$0x8420]  }
0x1e7: {  	v19 =	vadd.f32 v14, v18;
	v14 =	vld [tilespmem:s13+$0x8430]  }
0x1e8: {  	s15 =	sadd.s32 $0x200, s15;
	v18 =	vadd.f32 v20, v13;
	v13 =	vld [tilespmem:s13+$0x8440]  }
0x1e9: {  	v17 =	vadd.f32 v17, v19;
	v6 =	vadd.f32 v10, v6;
	v58 =	vld [tilespmem:s13+$0x8450]  }
0x1ea: {  	v8 =	vadd.f32 v12, v8;
	v60 =	vld [tilespmem:s13+$0x8470];
	v16 =	vadd.f32 v16, v18  }
0x1eb: {  	v59 =	vld [tilespmem:s13+$0x8460];
	v9 =	vadd.f32 v11, v9;
	v17 =	vmax.f32 v17, $0.0e+00;
	v6 =	vadd.f32 v15, v6  }
0x1ec: {  	v5 =	vadd.f32 v7, v5;
	[tilespmem:s13+$0x8400] =	vst v17;
	v61 =	vmax.f32 v16, $0.0e+00;
	v8 =	vadd.f32 v14, v8  }
0x1ed: {  	v1 =	vadd.f32 v2, v1;
	[tilespmem:s13+$0x8410] =	vst v61;
	v6 =	vmax.f32 v6, $0.0e+00;
	v62 =	vadd.f32 v13, v9  }
0x1ee: {  	v3 =	vadd.f32 v4, v3;
	[tilespmem:s13+$0x8420] =	vst v6;
	v63 =	vmax.f32 v8, $0.0e+00;
	v5 =	vadd.f32 v58, v5  }
0x1ef: {  	v1 =	vadd.f32 v60, v1;
	[tilespmem:s13+$0x8430] =	vst v63;
	v2 =	vmax.f32 v62, $0.0e+00  }
0x1f0: {  	v3 =	vadd.f32 v59, v3;
	[tilespmem:s13+$0x8440] =	vst v2;
	v2 =	vmax.f32 v5, $0.0e+00  }
0x1f1: {  	v1 =	vmax.f32 v1, $0.0e+00;
	[tilespmem:s13+$0x8450] =	vst v2  }
0x1f2: {  	v2 =	vmax.f32 v3, $0.0e+00;
	[tilespmem:s13+$0x8470] =	vst v1  }
0x1f3: {  	[tilespmem:s13+$0x8460] =	vst v2  }
0x1f4: {  	[spmem:s2] =	stream.indirect.scatter.add.f32 [tilespmem:s29], [sflag:$0x9], $0x80, s24, s17, $0xb8;
	[tilespmem:$0x1FC80] =	vst v63  }
.LBB2_16:
.Ltmp11:
0x1f5: {  	(pc) =	sbr.rel @p2 .LBB2_20-.Ltmp11, $1  }
0x1f6: {  	_ =	sdelay $0x3  }
0x1f7: {  	_ =	swait.ge [sflag:s28], $0x2000  }
0x1f8: {  	s9 =	sshll.u32 s9, $0xA;
	[sflag:s28] =	ssyncset.done $0x0  }
0x1f9: {  	s9 =	sadd.s32 s6, s9;
	[sflag:s28] =	ssyncadd.s32 $0xFFFFE000  }
0x1fa: {  	[tilespmem:s23], [sflag:$0x8] =	stream.linear.gather [hbm4b:s9+s3], $0x2000, $0x38;
	[tilespmem:$0x1FC80] =	vst v63  }
0x1fb: {  	p1 =	sgt.u32 s26, $0x1307;
	s9 =	sadd.s32 $0x80, s26  }
0x1fc: {  	s13 =	sshll.u32 @!p1 s9, $0x3  }
0x1fd: {  	s20 =	simm.s32 @!p1 $0x0;
	s15 =	sadd.s32 @!p1 s7, s13  }
0x1fe: {  	[tilespmem:s20], [sflag:$0x1] =	stream.linear.gather @!p1 [hbm4b:s15+s20], $0x40, $0x38;
	[tilespmem:$0x1FC80] =	vst v63  }
0x1ff: {  	s13 =	sadd.s32 @!p1 s8, s13;
	s15 =	simm.s32 @!p1 $0x80  }
0x200: {  	[tilespmem:s15], [sflag:$0x1] =	stream.linear.gather @!p1 [hbm4b:s13+s20], $0x40, $0x38;
	[tilespmem:$0x1FC80] =	vst v63  }
0x201: {  	s13 =	simm.s32 @!p1 $0x1  }
0x202: {  	_ =	swait.ge @!p1 [sflag:s13], $0x40  }
0x203: {  	[sflag:s13] =	ssyncset.done @!p1 $0x0  }
0x204: {  	[sflag:s13] =	ssyncadd.s32 @!p1 $0xFFFFFFC0  }
0x205: {  	_ =	swait.ge @!p1 [sflag:s13], $0x40  }
0x206: {  	[sflag:s13] =	ssyncset.done @!p1 $0x0  }
0x207: {  	s22 =	simm.s32 @!p1 $0x400;
	[sflag:s13] =	ssyncadd.s32 @!p1 $0xFFFFFFC0;
	s13 =	simm.s32 @!p1 $0x40  }
0x208: {  	[tilespmem:s22], [sflag:$0x5] =	stream.indirect.gather @!p1 [hbm4b:s1+s13], $0x80, s20, s13, $0xb8;
	[tilespmem:$0x1FC80] =	vst v63  }
0x209: {  	s20 =	simm.s32 @!p1 $0x2400  }
0x20a: {  	[tilespmem:s20], [sflag:$0x5] =	stream.indirect.gather @!p1 [hbm4b:s5+s13], $0x80, s15, s13, $0xb8;
	[tilespmem:$0x1FC80] =	vst v63  }
0x20b: {  	_ =	swait.ge [sflag:s21], $0x2000  }
0x20c: {  	[sflag:s21] =	ssyncset.done $0x0  }
0x20d: {  	[sflag:s21] =	ssyncadd.s32 $0xFFFFE000  }
0x20e: {  	_ =	swait.ge [sflag:s21], $0x2000  }
0x20f: {  	[sflag:s21] =	ssyncset.done $0x0  }
0x210: {  	[sflag:s21] =	ssyncadd.s32 $0xFFFFE000  }
0x211: {  	_ =	swait.ge [sflag:s11], $0x2000  }
0x212: {  	[sflag:s11] =	ssyncset.done $0x0  }
0x213: {  	s13 =	simm.s32 $0x0;
	[sflag:s11] =	ssyncadd.s32 $0xFFFFE000  }
0x214: {  	v13 =	vld [tilespmem:s13+$0x4400]  }
0x215: {  	v18 =	vld [tilespmem:s13+$0x6400]  }
0x216: {  	v20 =	vld [tilespmem:s13+$0x4410]  }
0x217: {  	v21 =	vld [tilespmem:s13+$0x6410]  }
0x218: {  	v6 =	vld [tilespmem:s13+$0x4420]  }
0x219: {  	v10 =	vld [tilespmem:s13+$0x6420]  }
0x21a: {  	v8 =	vld [tilespmem:s13+$0x4430]  }
0x21b: {  	v12 =	vld [tilespmem:s13+$0x6430]  }
0x21c: {  	v9 =	vld [tilespmem:s13+$0x4440]  }
0x21d: {  	v11 =	vld [tilespmem:s13+$0x6440]  }
0x21e: {  	v5 =	vld [tilespmem:s13+$0x4450]  }
0x21f: {  	v7 =	vld [tilespmem:s13+$0x6450]  }
0x220: {  	v3 =	vld [tilespmem:s13+$0x4460]  }
0x221: {  	v4 =	vld [tilespmem:s13+$0x6460]  }
0x222: {  	v1 =	vld [tilespmem:s13+$0x4470]  }
0x223: {  	v2 =	vld [tilespmem:s13+$0x6470]  }
0x224: {  	v17 =	vld [tilespmem:s13+$0xA400]  }
0x225: {  	v16 =	vld [tilespmem:s13+$0xA410]  }
0x226: {  	v15 =	vld [tilespmem:s13+$0xA420]  }
0x227: {  	v14 =	vld [tilespmem:s13+$0xA430];
	v19 =	vadd.f32 v18, v13  }
0x228: {  	s15 =	simm.s32 $0x200;
	v18 =	vadd.f32 v21, v20;
	v13 =	vld [tilespmem:s13+$0xA440]  }
.LBB2_18:
0x229: {  	p2 =	sne.s32 s15, $0x7E00;
	v17 =	vadd.f32 v17, v19;
	v6 =	vadd.f32 v10, v6;
	v10 =	vld [tilespmem:s13+$0xA450]  }
0x22a: {  	v8 =	vadd.f32 v12, v8;
	v16 =	vadd.f32 v16, v18;
	v12 =	vld [tilespmem:s13+$0xA460]  }
0x22b: {  	s20 =	sshra.s32 s15, $0x2;
	v9 =	vadd.f32 v11, v9;
	v17 =	vmax.f32 v17, $0.0e+00;
	v6 =	vadd.f32 v15, v6;
	v11 =	vld [tilespmem:s13+$0xA470]  }
0x22c: {  	v5 =	vadd.f32 v7, v5;
	v18 =	vld [tilespmem:s20+$0x4400];
	[tilespmem:s13+$0xA400] =	vst v17;
	v15 =	vmax.f32 v16, $0.0e+00;
	v8 =	vadd.f32 v14, v8  }
0x22d: {  	v3 =	vadd.f32 v4, v3;
	v14 =	vld [tilespmem:s20+$0x6400];
	[tilespmem:s13+$0xA410] =	vst v15;
	v6 =	vmax.f32 v6, $0.0e+00;
	v7 =	vadd.f32 v13, v9  }
0x22e: {  	v1 =	vadd.f32 v2, v1;
	v13 =	vld [tilespmem:s20+$0x4410];
	[tilespmem:s13+$0xA420] =	vst v6;
	v4 =	vmax.f32 v8, $0.0e+00;
	v5 =	vadd.f32 v10, v5  }
0x22f: {  	v20 =	vld [tilespmem:s20+$0x6410];
	[tilespmem:s13+$0xA430] =	vst v4;
	v2 =	vmax.f32 v7, $0.0e+00;
	v3 =	vadd.f32 v12, v3  }
0x230: {  	v6 =	vld [tilespmem:s20+$0x4420];
	[tilespmem:s13+$0xA440] =	vst v2;
	v2 =	vmax.f32 v5, $0.0e+00;
	v1 =	vadd.f32 v11, v1  }
0x231: {  	v10 =	vld [tilespmem:s20+$0x6420];
	[tilespmem:s13+$0xA450] =	vst v2;
	v2 =	vmax.f32 v3, $0.0e+00  }
0x232: {  	v8 =	vld [tilespmem:s20+$0x4430];
	[tilespmem:s13+$0xA460] =	vst v2;
	v1 =	vmax.f32 v1, $0.0e+00  }
0x233: {  	v12 =	vld [tilespmem:s20+$0x6430];
	[tilespmem:s13+$0xA470] =	vst v1;
	s13 =	smov.u32 s20  }
0x234: {  	v9 =	vld [tilespmem:s13+$0x4440]  }
0x235: {  	v11 =	vld [tilespmem:s13+$0x6440]  }
0x236: {  	v5 =	vld [tilespmem:s13+$0x4450]  }
0x237: {  	v7 =	vld [tilespmem:s13+$0x6450]  }
0x238: {  	v3 =	vld [tilespmem:s13+$0x4460]  }
0x239: {  	v4 =	vld [tilespmem:s13+$0x6460]  }
0x23a: {  	v1 =	vld [tilespmem:s13+$0x4470]  }
0x23b: {  	v2 =	vld [tilespmem:s13+$0x6470]  }
.Ltmp12:
0x23c: {  	v17 =	vld [tilespmem:s13+$0xA400];
	(pc) =	sbr.rel @p2 .LBB2_18-.Ltmp12, $4  }
0x23d: {  	v16 =	vld [tilespmem:s13+$0xA410]  }
0x23e: {  	v15 =	vld [tilespmem:s13+$0xA420]  }
0x23f: {  	v19 =	vadd.f32 v14, v18;
	v14 =	vld [tilespmem:s13+$0xA430]  }
0x240: {  	s15 =	sadd.s32 $0x200, s15;
	v18 =	vadd.f32 v20, v13;
	v13 =	vld [tilespmem:s13+$0xA440]  }
0x241: {  	v17 =	vadd.f32 v17, v19;
	v6 =	vadd.f32 v10, v6;
	v58 =	vld [tilespmem:s13+$0xA450]  }
0x242: {  	v8 =	vadd.f32 v12, v8;
	v60 =	vld [tilespmem:s13+$0xA470];
	v16 =	vadd.f32 v16, v18  }
0x243: {  	v59 =	vld [tilespmem:s13+$0xA460];
	v9 =	vadd.f32 v11, v9;
	v17 =	vmax.f32 v17, $0.0e+00;
	v6 =	vadd.f32 v15, v6  }
0x244: {  	v5 =	vadd.f32 v7, v5;
	[tilespmem:s13+$0xA400] =	vst v17;
	v61 =	vmax.f32 v16, $0.0e+00;
	v8 =	vadd.f32 v14, v8  }
0x245: {  	v1 =	vadd.f32 v2, v1;
	[tilespmem:s13+$0xA410] =	vst v61;
	v6 =	vmax.f32 v6, $0.0e+00;
	v62 =	vadd.f32 v13, v9  }
0x246: {  	v3 =	vadd.f32 v4, v3;
	[tilespmem:s13+$0xA420] =	vst v6;
	v63 =	vmax.f32 v8, $0.0e+00;
	v5 =	vadd.f32 v58, v5  }
0x247: {  	v1 =	vadd.f32 v60, v1;
	[tilespmem:s13+$0xA430] =	vst v63;
	v2 =	vmax.f32 v62, $0.0e+00  }
0x248: {  	v3 =	vadd.f32 v59, v3;
	[tilespmem:s13+$0xA440] =	vst v2;
	v2 =	vmax.f32 v5, $0.0e+00  }
0x249: {  	v1 =	vmax.f32 v1, $0.0e+00;
	[tilespmem:s13+$0xA450] =	vst v2  }
0x24a: {  	v2 =	vmax.f32 v3, $0.0e+00;
	[tilespmem:s13+$0xA470] =	vst v1  }
0x24b: {  	[tilespmem:s13+$0xA460] =	vst v2;
	s13 =	simm.s32 @!p1 $0x9  }
0x24c: {  	[spmem:s2] =	stream.indirect.scatter.add.f32 [tilespmem:s23], [sflag:$0xA], $0x80, s25, s17, $0xb8;
	[tilespmem:$0x1FC80] =	vst v63  }
0x24d: {  	s9 =	sshll.u32 @!p1 s9, $0xA;
	_ =	swait.ge @!p1 [sflag:s13], $0x2000  }
0x24e: {  	s15 =	simm.s32 @!p1 $0x8400;
	p2 =	sgt.u32 @!p1 s26, $0x12E7;
	[sflag:s13] =	ssyncset.done @!p1 $0x0  }
0x24f: {  	s9 =	sadd.s32 @!p1 s6, s9;
	[sflag:s13] =	ssyncadd.s32 @!p1 $0xFFFFE000;
	s13 =	simm.s32 @!p1 $0x0  }
0x250: {  	[tilespmem:s15], [sflag:$0x7] =	stream.linear.gather @!p1 [hbm4b:s9+s13], $0x2000, $0x38;
	[tilespmem:$0x1FC80] =	vst v63  }
0x251: {  	p1 =	por p2, p1  }
0x252: {  	s9 =	sshll.u32 @!p1 s26, $0x3  }
.Ltmp13:
0x253: {  	s9 =	sadd.s32 @!p1 $0x500, s9;
	(pc) =	sbr.rel .LBB2_20-.Ltmp13, $4  }
0x254: {  	s15 =	simm.s32 @!p1 $0x0;
	s20 =	simm.s32 @!p1 $0x100;
	s13 =	sadd.s32 @!p1 s7, s9  }
0x255: {  	[tilespmem:s20], [sflag:$0x2] =	stream.linear.gather @!p1 [hbm4b:s13+s15], $0x40, $0x38;
	[tilespmem:$0x1FC80] =	vst v63  }
0x256: {  	s9 =	sadd.s32 @!p1 s8, s9;
	s13 =	simm.s32 @!p1 $0x180  }
0x257: {  	[tilespmem:s13], [sflag:$0x2] =	stream.linear.gather @!p1 [hbm4b:s9+s15], $0x40, $0x38;
	[tilespmem:$0x1FC80] =	vst v63  }
.LBB2_22:
0x258: {  	_ =	sfence.sel $0x180000  }
0x259: {  	[bflag:$0x0] =	sbarrier.arrive $0xFFFF  }
0x25a: {  	_ =	strace $0x9000004A  }
0x25b: {  	s0 =	stileid.u32;
	[bflag:$0x2] =	sbarrier.arrive $0xFFFF  }
0x25c: {  	p0 =	sne.s32 s0, $0x0;
	s0 =	rddreg [dreg:$0x3]  }
0x25d: {  	s0 =	sadd.s32 @!p0 $0x100000, s0  }
0x25e: {  	[sflag:s0] =	ssyncadd.tile.s32 @!p0 $0x1;
	_ =	shalt  }
.Lfunc_end2:
_tile_overlayer_lowered:
.L_overlay_start_2:
0x25f: {  	(tag) =	ssettag $0x2  }
0x260: {  	s0 =	rddreg [dreg:$0x0];
	s2 =	stileid.u32  }
0x261: {  	s1 =	rddreg [dreg:$0x1];
	p0 =	sne.s32 s2, $0x0  }
0x262: {  	s3 =	rddreg [dreg:$0x2];
	[bflag:$0x3] =	sbarrier.arrive $0xFFFF;
	s2 =	simm.s32 @!p0 $0x1C0B  }
0x263: {  	[timem:s3], [sflag:s2] =	dma.local @!p0 [hbm:s0], s1  }
0x264: {  	s0 =	simm.s32 @!p0 $0xB  }
0x265: {  	_ =	swait.ge @!p0 [sflag:s0], s1  }
0x266: {  	s1 =	ssub.s32 @!p0 $0x0, s1;
	[sflag:s0] =	ssyncset.done @!p0 $0x0  }
0x267: {  	[sflag:s0] =	ssyncadd.s32 @!p0 s1  }
0x268: {  	[bflag:$0x3] =	sbarrier.arrive $0xFFFF  }
0x269: {  	_ =	shalt  }

// kernel: kernel.7.cloned.1.call-start
scs
__scs_entry_jumppad:
0x0: {  	(pc) =	sbr.rel $0x88, $3  }
0x1: {  	(tag) =	ssettag $0x0;
	lr =	simm.s32 $0x1  }
0x2: {  	[smem:$0x3F94] =	sst lr;
	_ =	strace $0xD0000000  }
0x3: {  	_ = 	snop  }
0x4: {  	_ = 	snop  }
0x5: {  	_ = 	snop  }
0x6: {  	_ = 	snop  }
0x7: {  	_ = 	snop  }
__scs_overlays_trampoline_lowered:
0x8: {  	[smem:$0x3FA3] =	sst s0  }
0x9: {  	[smem:$0x3FA4] =	sst s1  }
0xa: {  	[smem:$0x3FA5] =	sst s2  }
0xb: {  	[smem:$0x3FA6] =	sst s3  }
0xc: {  	[smem:$0x3FA7] =	sst s4  }
0xd: {  	[smem:$0x3FA8] =	sst s5  }
0xe: {  	[smem:$0x3FA9] =	sst s6  }
0xf: {  	[smem:$0x3FAA] =	sst s7  }
0x10: {  	[smem:$0x3FAB] =	sst s8  }
0x11: {  	[smem:$0x3FAC] =	sst s9;
	s0 =	simm.s32 @!p0 $0x0  }
0x12: {  	s1 =	sld [smem:$0x3F92];
	s0 =	simm.s32 @p0 $0x1  }
0x13: {  	[smem:$0x3FAD] =	sst s0;
	s0 =	simm.s32 @!p1 $0x0  }
0x14: {  	s2 =	sld [smem:$0x3F91];
	s0 =	simm.s32 @p1 $0x1  }
0x15: {  	[smem:$0x3FAE] =	sst s0;
	s0 =	simm.s32 @!p2 $0x0  }
0x16: {  	s3 =	sld [smem:$0x3FDB];
	s0 =	simm.s32 @p2 $0x1  }
0x17: {  	s4 =	simm.s32 $0x1BF5;
	[smem:$0x3FB0] =	sst s0  }
0x18: {  	s0 =	sld [smem:$0x3F93];
	_ =	swait.ge [sflag:s4], $0x0  }
0x19: {  	s7 =	sld [smem:$0x3F94]  }
0x1a: {  	s8 =	sadd.s32 $0xFFFFE003, lr  }
0x1b: {  	s9 =	sadd.s32 $0xFFFFFEF7, lr;
	s5 =	simm.s32 $0xFFFFFFFF;
	p2 =	slt.u32 s8, $0xFFFFF086  }
0x1c: {  	p1 =	slt.u32 s9, $0xF7A;
	s5 =	simm.s32 @!p2 $0x0  }
0x1d: {  	s5 =	simm.s32 @p1 $0x1;
	p0 =	seq.s32 s7, s2  }
0x1e: {  	s7 =	smul.u32 @!p0 $0xF7A, s2;
	p2 =	seq.s32 @!p0 s5, $0x0  }
0x1f: {  	s9 =	smul.u32 $0xF7A, s1;
	s8 =	simm.s32 @!p0 $0x1BF5;
	p2 =	por !p2, p0  }
0x20: {  	[sflag:s8] =	ssyncset.s32 @!p0 $0xFFFFF086;
	s6 =	sadd.s32 @!p0 s3, s7;
	s7 =	simm.s32 @!p0 $0x108  }
0x21: {  	s3 =	sadd.s32 s3, s9;
	s6 =	sadd.s32 @!p0 $0x88, s6;
	s7 =	simm.s32 @p2 $0x1082  }
0x22: {  	[simem:s7], [sflag:s8] =	dma.local @!p0 [hbm:s6], $0xF7A  }
0x23: {  	s9 =	sor.u32 $0xD0000000, s2;
	s6 =	simm.s32 $0x108;
	_ =	swait.ge @!p0 [sflag:s8], $0x0  }
0x24: {  	s3 =	sadd.s32 $0x88, s3;
	s6 =	simm.s32 @!p1 $0x1082;
	[sflag:s4] =	ssyncset.s32 $0xFFFFF086  }
0x25: {  	[simem:s6], [sflag:s4] =	dma.local [hbm:s3], $0xF7A  }
0x26: {  	[smem:$0x3F94] =	sst s1;
	(tag) =	ssettag s2;
	_ =	strace s9  }
0x27: {  	s1 =	sld [smem:$0x3FA4]  }
0x28: {  	s2 =	sld [smem:$0x3FA5]  }
0x29: {  	s4 =	sld [smem:$0x3FA7]  }
0x2a: {  	p0 =	seq.s32 s5, $0x0;
	s5 =	sld [smem:$0x3FA8]  }
0x2b: {  	s6 =	sld [smem:$0x3FA9]  }
0x2c: {  	s7 =	sld [smem:$0x3FAA]  }
0x2d: {  	s3 =	simm.s32 $0x108;
	s8 =	sld [smem:$0x3FAB]  }
0x2e: {  	s3 =	simm.s32 @!p0 $0x1082;
	s9 =	sld [smem:$0x3FAC]  }
0x2f: {  	lr =	sadd.s32 s0, s3;
	s0 =	sld [smem:$0x3FA3]  }
0x30: {  	s3 =	sld [smem:$0x3FA6]  }
0x31: {  	[smem:$0x3FAF] =	sst s10  }
0x32: {  	s10 =	sld [smem:$0x3FAD];
	_ =	sdelay $0x3  }
0x33: {  	p0 =	seq.s32 s10, $0x1;
	s10 =	sld [smem:$0x3FAF];
	_ =	sdelay $0x3  }
0x34: {  	[smem:$0x3FAF] =	sst s10  }
0x35: {  	s10 =	sld [smem:$0x3FAE];
	_ =	sdelay $0x3  }
0x36: {  	p1 =	seq.s32 s10, $0x1;
	s10 =	sld [smem:$0x3FAF];
	_ =	sdelay $0x3  }
0x37: {  	[smem:$0x3FAF] =	sst s10  }
0x38: {  	s10 =	sld [smem:$0x3FB0]  }
0x39: {  	_ = 	snop;
	(pc) =	sbr.ind lr, $3  }
0x3a: {  	_ = 	snop  }
0x3b: {  	_ = 	snop  }
0x3c: {  	p2 =	seq.s32 s10, $0x1;
	s10 =	sld [smem:$0x3FAF]  }
0x3d: {  	_ =	shalt  }
0x3e: {  	_ =	shalt  }
0x3f: {  	_ =	shalt  }
0x40: {  	_ =	shalt  }
0x41: {  	_ =	shalt  }
0x42: {  	_ =	shalt  }
0x43: {  	_ =	shalt  }
0x44: {  	_ =	shalt  }
0x45: {  	_ =	shalt  }
0x46: {  	_ =	shalt  }
0x47: {  	_ =	shalt  }
0x48: {  	_ =	shalt  }
0x49: {  	_ =	shalt  }
0x4a: {  	_ =	shalt  }
0x4b: {  	_ =	shalt  }
0x4c: {  	_ =	shalt  }
0x4d: {  	_ =	shalt  }
0x4e: {  	_ =	shalt  }
0x4f: {  	_ =	shalt  }
0x50: {  	_ =	shalt  }
0x51: {  	_ =	shalt  }
0x52: {  	_ =	shalt  }
0x53: {  	_ =	shalt  }
0x54: {  	_ =	shalt  }
0x55: {  	_ =	shalt  }
0x56: {  	_ =	shalt  }
0x57: {  	_ =	shalt  }
0x58: {  	_ =	shalt  }
0x59: {  	_ =	shalt  }
0x5a: {  	_ =	shalt  }
0x5b: {  	_ =	shalt  }
0x5c: {  	_ =	shalt  }
0x5d: {  	_ =	shalt  }
0x5e: {  	_ =	shalt  }
0x5f: {  	_ =	shalt  }
0x60: {  	_ =	shalt  }
0x61: {  	_ =	shalt  }
0x62: {  	_ =	shalt  }
0x63: {  	_ =	shalt  }
0x64: {  	_ =	shalt  }
0x65: {  	_ =	shalt  }
0x66: {  	_ =	shalt  }
0x67: {  	_ =	shalt  }
0x68: {  	_ =	shalt  }
0x69: {  	_ =	shalt  }
0x6a: {  	_ =	shalt  }
0x6b: {  	_ =	shalt  }
0x6c: {  	_ =	shalt  }
0x6d: {  	_ =	shalt  }
0x6e: {  	_ =	shalt  }
0x6f: {  	_ =	shalt  }
0x70: {  	_ =	shalt  }
0x71: {  	_ =	shalt  }
0x72: {  	_ =	shalt  }
0x73: {  	_ =	shalt  }
0x74: {  	_ =	shalt  }
0x75: {  	_ =	shalt  }
0x76: {  	_ =	shalt  }
0x77: {  	_ =	shalt  }
0x78: {  	_ =	shalt  }
0x79: {  	_ =	shalt  }
0x7a: {  	_ =	shalt  }
0x7b: {  	_ =	shalt  }
0x7c: {  	_ =	shalt  }
0x7d: {  	_ =	shalt  }
0x7e: {  	_ =	shalt  }
0x7f: {  	_ =	shalt  }
0x80: {  	_ =	shalt  }
0x81: {  	_ =	shalt  }
0x82: {  	_ =	shalt  }
0x83: {  	_ =	shalt  }
0x84: {  	_ =	shalt  }
0x85: {  	_ =	shalt  }
0x86: {  	_ =	shalt  }
0x87: {  	_ =	shalt  }
.Lfunc_end0:
.L_simem_size_0:
called_computation_lowered:
.L_overlay_start_0:
0x88: {  	s2 =	sld [smem:$0x3FD9]  }
0x89: {  	s3 =	sld [smem:$0x3FFE];
	_ =	sdelay $0x1  }
0x8a: {  	s1 =	srdreg.scid  }
0x8b: {  	s0 =	sand.u32 $0x1, s1  }
0x8c: {  	s16 =	sshll.u32 s0, $0xA;
	s2 =	sadd.s32 s3, s2  }
0x8d: {  	s2 =	sadd.s32 s2, s16  }
0x8e: {  	[smem:$0x3FBB] =	sst s2  }
0x8f: {  	_ = 	snop  }
0x90: {  	(tm) =	ssettm $0x1  }
0x91: {  	s17 =	sld [smem:$0x3FFB];
	_ =	sdelay $0x3  }
0x92: {  	_ =	strace s17  }
0x93: {  	s2 =	sld [smem:$0x3FFC];
	_ =	sdelay $0x3  }
0x94: {  	_ =	strace s2  }
0x95: {  	s2 =	sld [smem:$0x3FFD];
	_ =	sdelay $0x3  }
0x96: {  	_ =	strace s2  }
0x97: {  	_ =	strace $0x8FFFFFFF  }
0x98: {  	s18 =	sld [smem:$0x3FDB];
	_ =	sdelay $0x1  }
0x99: {  	s19 =	simm.s32 $_scs_section_size  }
0x9a: {  	s4 =	simm.s32 $_size__tile_overlayer_lowered;
	s5 =	simm.s32 $_tile_overlayer_lowered  }
0x9b: {  	s22 =	simm.s32 $0x1BFF;
	s21 =	sshll.u32 s5, $0x1;
	s2 =	sadd.s32 s19, s18  }
0x9c: {  	s6 =	simm.s32 $0x0;
	s20 =	sshll.u32 s4, $0x1;
	s4 =	sadd.s32 s21, s2  }
0x9d: {  	[timem:s6], [sflag:s22] =	dma.local [hbm:s4], s20  }
0x9e: {  	_ =	swait.ge [sflag:s22], s20  }
0x9f: {  	s3 =	ssub.s32 $0x0, s20;
	[sflag:s22] =	ssyncset.done $0x0  }
0xa0: {  	[sflag:s22] =	ssyncadd.s32 s3;
	_ =	sdelay $0x1  }
0xa1: {  	s23 =	simm.s32 $0x1B8B  }
0xa2: {  	_ =	swait.ge [sflag:s23], $0x1  }
0xa3: {  	[sflag:s23] =	ssyncset.done $0x0  }
0xa4: {  	s25 =	simm.s32 $0x1B8E;
	s24 =	sld [smem:$0x3FFE];
	[sflag:s23] =	ssyncadd.s32 $0xFFFFFFFF  }
0xa5: {  	s26 =	simm.s32 $execute0_lowered;
	[smem:$0x3FD2] =	sst s25  }
0xa6: {  	s4 =	sshll.u32 s26, $0x1;
	_ =	strace $0x80000046;
	[dreg:$0x1] =	wrdreg $0xFFFFFFFF  }
0xa7: {  	s28 =	simm.s32 $_size_execute0_lowered;
	s2 =	sadd.s32 s2, s4;
	[dreg:$0x0] =	wrdreg $0x0  }
0xa8: {  	s4 =	sshll.u32 s28, $0x1;
	[dreg:$0x2] =	wrdreg s2  }
0xa9: {  	[dreg:$0x3] =	wrdreg s4  }
0xaa: {  	[dreg:$0x4] =	wrdreg $0xC0  }
0xab: {  	_ =	task [dreg:s6], $0x5FFFF  }
0xac: {  	[dreg:$0x1] =	wrdreg $0xFFFFFFFF  }
0xad: {  	[dreg:$0x0] =	wrdreg $0x60  }
0xae: {  	[dreg:$0x2] =	wrdreg s24  }
0xaf: {  	[dreg:$0x3] =	wrdreg $0x50000  }
0xb0: {  	[dreg:$0x4] =	wrdreg $0x9  }
0xb1: {  	_ =	task.clear_ibuf [dreg:s6], $0x5FFFF;
	_ =	strace $0x90000046  }
0xb2: {  	s29 =	simm.s32 $0x9;
	_ =	strace $0x80000048  }
0xb3: {  	_ =	swait.ge [sflag:s29], $0x1  }
0xb4: {  	[sflag:s29] =	ssyncadd.s32 $0xFFFFFFFF  }
0xb5: {  	_ =	strace $0x90000048  }
0xb6: {  	_ =	sfence  }
0xb7: {  	s30 =	sld [smem:$0x0];
	_ =	sdelay $0x2  }
0xb8: {  	s31 =	sshll.u32 s1, $0xD;
	s1 =	sshrl.u32 s1, $0x2  }
0xb9: {  	s3 =	sand.u32 $0x4000, s31;
	s1 =	sadd.s32 s1, s30  }
0xba: {  	s0 =	sor.u32 s3, s0;
	s1 =	sshll.u32 s1, $0x11  }
0xbb: {  	s0 =	sor.u32 s1, s0  }
0xbc: {  	s0 =	sadd.s32 $0x8F2B, s0  }
0xbd: {  	[sflag:s0] =	ssyncadd.remote.s32 $0x1  }
0xbe: {  	_ =	sfence.sel $0xFFFF  }
0xbf: {  	[dreg:$0x0] =	wrdreg $0xFFFFFFFF;
	(pc) =	sbr.abs _section_cstart, $3  }
0xc0: {  	[dreg:$0x1] =	wrdreg $0xFFFFFFFF  }
0xc1: {  	_ =	task.clear_ibuf [dreg:s6], $0x2FFFF;
	_ =	strace $0x9FFFFFFF  }
0xc2: {  	(tm) =	ssettm $0x7FFFFFFF  }
0xc3: {  	_ =	shalt  }
tec
execute0_lowered:
.L_overlay_start_1:
0x0: {  	(tag) =	ssettag $0x1  }
0x1: {  	s0 =	srdreg.scid;
	s3 =	rddreg [dreg:$0x0]  }
0x2: {  	s6 =	stileid.u32;
	s1 =	rddreg [dreg:$0x1];
	s2 =	simm.s32 $0x0  }
0x3: {  	s9 =	simm.s32 $0x4F80;
	s4 =	sand.u32 $0x1, s0;
	s0 =	rddreg [dreg:$0x2]  }
0x4: {  	s30 =	sshll.u32 s6, $0x1;
	[smem:$0x7FF] =	sst s2;
	p0 =	sne.s32 s6, $0x0  }
0x5: {  	s5 =	sor.u32 s4, s30;
	s7 =	smul.u32 $0x500, s4;
	s4 =	ssub.s32 $0x2, s4  }
0x6: {  	s6 =	simm.s32 $0x1;
	s5 =	smul.u32 $0x4E2, s5;
	s31 =	sshrl.u32 s4, $0x1  }
0x7: {  	v0 =	vlaneseq.u32;
	_ =	strace $0x80000047;
	s7 =	sadd.s32 s7, s3;
	s8 =	ssub.s32 s4, s31  }
0x8: {  	v1 =	vimm.f32 $0.0e+00;
	v6 =	vimm.f32 $1.000000000e+00;
	v2 =	vor.u32 $0x10, v0;
	s5 =	sadd.s32 s5, s3;
	s4 =	sadd.s32 $0x17600, s7;
	s7 =	simm.s32 $0x2780  }
0x9: {  	v3 =	vor.u32 $0x20, v0;
	v4 =	vor.u32 $0x30, v0;
	v5 =	vor.u32 $0x40, v0;
	s3 =	sadd.s32 $0x3A00, s5;
	s5 =	smax.u32 s8, $0x1;
	s8 =	simm.s32 $0x50  }
.LBB2_1:
0xa: {  	s10 =	simm.s32 $0x0;
	s11 =	simm.s32 $0x200  }
.LBB2_2:
0xb: {  	p1 =	sne.s32 s11, $0x9E00;
	[tilespmem:s10+$0x27F0] =	vst v1  }
0xc: {  	[tilespmem:s10+$0x2780] =	vst v1  }
0xd: {  	[tilespmem:s10+$0x2790] =	vst v1  }
.Ltmp0:
0xe: {  	[tilespmem:s10+$0x27A0] =	vst v1;
	(pc) =	sbr.rel @p1 .LBB2_2-.Ltmp0, $4  }
0xf: {  	[tilespmem:s10+$0x27B0] =	vst v1  }
0x10: {  	[tilespmem:s10+$0x27C0] =	vst v1  }
0x11: {  	[tilespmem:s10+$0x27D0] =	vst v1  }
0x12: {  	[tilespmem:s10+$0x27E0] =	vst v1;
	s10 =	sshra.s32 s11, $0x2;
	s11 =	sadd.s32 $0x200, s11  }
0x13: {  	[tilespmem:s10+$0x27F0] =	vst v1  }
0x14: {  	[tilespmem:s10+$0x2780] =	vst v1  }
0x15: {  	[tilespmem:s10+$0x2790] =	vst v1  }
0x16: {  	[tilespmem:s10+$0x27A0] =	vst v1  }
0x17: {  	[tilespmem:s10+$0x27B0] =	vst v1  }
0x18: {  	[tilespmem:s10+$0x27C0] =	vst v1  }
0x19: {  	[tilespmem:s10+$0x27D0] =	vst v1  }
0x1a: {  	[tilespmem:s10+$0x27E0] =	vst v1  }
0x1b: {  	[tilespmem:$0x4F80] =	vst v0  }
0x1c: {  	[tilespmem:$0x4F90] =	vst v2  }
0x1d: {  	[tilespmem:$0x4FA0] =	vst v3  }
0x1e: {  	[tilespmem:$0x4FB0] =	vst v4  }
0x1f: {  	s10 =	simm.s32 @!p0 $0x2780;
	[tilespmem:$0x4FC0] =	vst v5  }
0x20: {  	[spmem:s1] =	stream.linear.scatter @!p0 [tilespmem:s10], [sflag:$0x1], $0x2800, $0x38;
	[tilespmem:$0x5280] =	vst v63  }
0x21: {  	s10 =	simm.s32 @!p0 $0x1  }
0x22: {  	_ =	swait.ge @!p0 [sflag:s10], $0x2800  }
0x23: {  	[sflag:s10] =	ssyncset.done @!p0 $0x0  }
0x24: {  	[sflag:s10] =	ssyncadd.s32 @!p0 $0xFFFFD800  }
0x25: {  	s31 =	simm.s32 $0x0;
	[bflag:$0x0] =	sbarrier.arrive $0xFFFF  }
0x26: {  	[tilespmem:s31], [sflag:$0x1] =	stream.linear.gather [hbm4b:s3+s31], $0x2710, $0x38;
	[tilespmem:$0x5280] =	vst v63  }
0x27: {  	_ =	swait.ge [sflag:s6], $0x2710  }
0x28: {  	[sflag:s6] =	ssyncset.done $0x0  }
0x29: {  	s11 =	simm.s32 $0x0;
	s10 =	simm.s32 $0x40;
	[sflag:s6] =	ssyncadd.s32 $0xFFFFD8F0  }
.LBB2_4:
0x2a: {  	p1 =	sne.s32 s10, $0x9C00;
	v7 =	vld [tilespmem:s11+$0x0];
	_ =	sdelay $0x3  }
.Ltmp1:
0x2b: {  	(pc) =	sbr.rel @p1 .LBB2_4-.Ltmp1, $2  }
0x2c: {  	_ =	sdelay $0x2  }
0x2d: {  	s11 =	sshra.s32 s10, $0x2;
	s10 =	sadd.s32 $0x40, s10;
	[tilespmem:v7+s7+$0x0] =	vst.idx.add.f32.msk $0xffff, v6  }
0x2e: {  	v7 =	vld [tilespmem:s11+$0x0];
	_ =	sdelay $0x7  }
0x2f: {  	[tilespmem:v7+s7+$0x0] =	vst.idx.add.f32.msk $0xffff, v6  }
0x30: {  	[spmem:s1] =	stream.indirect.scatter.add.f32 [tilespmem:s7], [sflag:$0x1], $0x80, s9, s8, $0xb8;
	[tilespmem:$0x5280] =	vst v63  }
0x31: {  	_ =	swait.ge [sflag:s6], $0x2800  }
0x32: {  	[sflag:s6] =	ssyncset.done $0x0  }
0x33: {  	[sflag:s6] =	ssyncadd.s32 $0xFFFFD800  }
0x34: {  	s10 =	simm.s32 @!p0 $0x2780;
	s11 =	simm.s32 @!p0 $0x1;
	[bflag:$0x0] =	sbarrier.arrive $0xFFFF  }
0x35: {  	[tilespmem:s10], [sflag:$0x1] =	stream.linear.gather @!p0 [spmem:s1], $0x2800, $0x38;
	[tilespmem:$0x5280] =	vst v63  }
0x36: {  	s2 =	sadd.s32 $0x1, s2;
	_ =	swait.ge @!p0 [sflag:s11], $0x2800  }
0x37: {  	p1 =	sne.s32 s2, s5;
	[sflag:s11] =	ssyncset.done @!p0 $0x0  }
.Ltmp2:
0x38: {  	s12 =	simm.s32 @!p0 $0x0;
	[sflag:s11] =	ssyncadd.s32 @!p0 $0xFFFFD800;
	(pc) =	sbr.rel @p1 .LBB2_1-.Ltmp2, $4  }
0x39: {  	[hbm4b:s4+s12] =	stream.linear.scatter @!p0 [tilespmem:s10], [sflag:$0x1], $0x2800, $0x38;
	[tilespmem:$0x5280] =	vst v63  }
0x3a: {  	_ =	swait.ge @!p0 [sflag:s11], $0x2800  }
0x3b: {  	[sflag:s11] =	ssyncset.done @!p0 $0x0  }
0x3c: {  	[sflag:s11] =	ssyncadd.s32 @!p0 $0xFFFFD800  }
0x3d: {  	_ =	sfence.sel $0x180000  }
0x3e: {  	[bflag:$0x0] =	sbarrier.arrive $0xFFFF  }
0x3f: {  	_ =	strace $0x90000047  }
0x40: {  	s0 =	sadd.s32 @!p0 $0x100000, s0;
	[bflag:$0x2] =	sbarrier.arrive $0xFFFF  }
0x41: {  	[sflag:s0] =	ssyncadd.tile.s32 @!p0 $0x1;
	_ =	shalt  }
.Lfunc_end2:
_tile_overlayer_lowered:
.L_overlay_start_2:
0x42: {  	(tag) =	ssettag $0x2  }
0x43: {  	s0 =	rddreg [dreg:$0x0];
	s2 =	stileid.u32  }
0x44: {  	s1 =	rddreg [dreg:$0x1];
	p0 =	sne.s32 s2, $0x0  }
0x45: {  	s3 =	rddreg [dreg:$0x2];
	[bflag:$0x3] =	sbarrier.arrive $0xFFFF;
	s2 =	simm.s32 @!p0 $0x1C01  }
0x46: {  	[timem:s3], [sflag:s2] =	dma.local @!p0 [hbm:s0], s1  }
0x47: {  	s0 =	simm.s32 @!p0 $0x1  }
0x48: {  	_ =	swait.ge @!p0 [sflag:s0], s1  }
0x49: {  	s1 =	ssub.s32 @!p0 $0x0, s1;
	[sflag:s0] =	ssyncset.done @!p0 $0x0  }
0x4a: {  	[sflag:s0] =	ssyncadd.s32 @!p0 s1  }
0x4b: {  	[bflag:$0x3] =	sbarrier.arrive $0xFFFF  }
0x4c: {  	_ =	shalt  }

</sc_bundles>
